<compile_context>
chip_gen: v7x
topology: tpu7x:2x2x1
jax: 0.10.2.dev20260603
libtpu: 0.0.44.dev20260713+nightly
codegen_flags: <defaults>
</compile_context>

<pallas_src>
import functools

import jax
import jax.numpy as jnp
from jax import lax
from jax.experimental import pallas as pl
from jax.experimental.pallas import tpu as pltpu
from jax.experimental.pallas import tpu_sc as plsc

VOCAB_SIZE = 100000
EMB_DIM = 100
BATCH_SIZE = 1024
N_IDS = BATCH_SIZE * 2

TV = 2048
NV = (VOCAB_SIZE + TV - 1) // TV

LOG2E = 1.4426950408889634


def _make_sc_gather():
    info = plsc.get_sparse_core_info()
    nc, ns = info.num_cores, info.num_subcores
    nw = nc * ns
    rows_per_worker = N_IDS // nw

    mesh = plsc.VectorSubcoreMesh(core_axis_name="c", subcore_axis_name="s")

    @functools.partial(
        pl.kernel,
        mesh=mesh,
        out_type=jax.ShapeDtypeStruct((N_IDS, EMB_DIM), jnp.float32),
        scratch_types=[
            pltpu.VMEM((rows_per_worker,), jnp.int32),
            pltpu.VMEM((rows_per_worker, EMB_DIM), jnp.float32),
            pltpu.SemaphoreType.DMA,
        ],
        compiler_params=pltpu.CompilerParams(needs_layout_passes=False),
    )
    def gather_kernel(idx_hbm, table_hbm, out_hbm, idx_v, rows_v, sem):
        wid = lax.axis_index("s") * nc + lax.axis_index("c")
        base = wid * rows_per_worker
        pltpu.sync_copy(idx_hbm.at[pl.ds(base, rows_per_worker)], idx_v)
        lane = lax.broadcasted_iota(jnp.int32, (16,), 0)
        copies = []
        for r in range(rows_per_worker):
            vec = idx_v[pl.ds((r // 16) * 16, 16)]
            row = jnp.sum(jnp.where(lane == (r % 16), vec, 0))
            copies.append(
                pltpu.async_copy(
                    table_hbm.at[pl.ds(row, 1)], rows_v.at[pl.ds(r, 1)], sem
                )
            )
        for c in copies:
            c.wait()
        pltpu.sync_copy(rows_v, out_hbm.at[pl.ds(base, rows_per_worker)])

    return gather_kernel


_sc_gather = _make_sc_gather()


def _softmax_body(x_ref, w_ref, b_ref, o_ref, acc_ref):
    p = pl.program_id(0)
    j = pl.program_id(1)

    @pl.when((p == 0) & (j == 0))
    def _init():
        acc_ref[...] = jnp.zeros_like(acc_ref)

    x = x_ref[...]
    w = w_ref[...]
    l2 = lax.dot_general(
        x, w, (((1,), (0,)), ((), ())), preferred_element_type=jnp.float32
    )
    l2 = l2 + b_ref[...]
    e = jnp.exp2(l2)

    @pl.when((p == 0) & (j < NV - 1))
    def _accumulate_full():
        s = acc_ref[...]
        for k in range(TV // 128):
            s = s + e[:, k * 128 : (k + 1) * 128]
        acc_ref[...] = s

    @pl.when((p == 0) & (j == NV - 1))
    def _accumulate_masked():
        col = j * TV + lax.broadcasted_iota(jnp.int32, (1, TV), 1)
        em = jnp.where(col < VOCAB_SIZE, e, 0.0)
        s = acc_ref[...]
        for k in range(TV // 128):
            s = s + em[:, k * 128 : (k + 1) * 128]
        acc_ref[...] = s

    @pl.when((p == 1) & (j == 0))
    def _finalize():
        denom = jnp.sum(acc_ref[...], axis=1, keepdims=True)
        acc_ref[...] = jnp.broadcast_to(1.0 / denom, acc_ref.shape)

    @pl.when(p == 1)
    def _write():
        o_ref[...] = e * acc_ref[:, 0:1]


_fused_softmax = pl.pallas_call(
    _softmax_body,
    grid=(2, NV),
    in_specs=[
        pl.BlockSpec((BATCH_SIZE, 2 * EMB_DIM), lambda p, j: (0, 0)),
        pl.BlockSpec((2 * EMB_DIM, TV), lambda p, j: (0, j)),
        pl.BlockSpec((1, TV), lambda p, j: (0, j)),
    ],
    out_specs=pl.BlockSpec((BATCH_SIZE, TV), lambda p, j: (0, j * p)),
    out_shape=jax.ShapeDtypeStruct((BATCH_SIZE, VOCAB_SIZE), jnp.float32),
    scratch_shapes=[pltpu.VMEM((BATCH_SIZE, 128), jnp.float32)],
    compiler_params=pltpu.CompilerParams(
        dimension_semantics=("arbitrary", "arbitrary")
    ),
)


def kernel(inputs, E, W, b):
    idx = inputs.reshape(-1).astype(jnp.int32)
    emb = _sc_gather(idx, E)
    x = (emb.reshape(BATCH_SIZE, 2 * EMB_DIM) * LOG2E).astype(jnp.bfloat16)
    wb = W.astype(jnp.bfloat16)
    b2 = (b * LOG2E).reshape(1, VOCAB_SIZE)
    return _fused_softmax(x, wb, b2)

# --- scband reference (transcript-rebuilt; emitter-appended) ---
"""Pipeline reference for scband-model-88502096101484 (READ-ONLY COPY).

The authoritative reference and input builder live on the scoring server;
editing this copy changes nothing except your own understanding.
"""

import jax, jax.numpy as jnp
import numpy as np

VOCAB = 100000
EMB = 100
BATCH = 1024

def setup_inputs(seed: int = 0) -> dict:
    key = jax.random.key(seed)
    k1, k2, k3, k4 = jax.random.split(key, 4)
    inputs = jax.random.randint(k1, (BATCH, 2), 0, VOCAB, dtype=jnp.int64 if jax.config.jax_enable_x64 else jnp.int32)
    # learned parameters (truncated normal approximated by clipped normal, stddev=0.1)
    E = jnp.clip(jax.random.normal(k2, (VOCAB, EMB), dtype=jnp.float32) * 0.1, -0.2, 0.2)
    W = jnp.clip(jax.random.normal(k3, (EMB * 2, VOCAB), dtype=jnp.float32) * 0.1, -0.2, 0.2)
    b = jnp.clip(jax.random.normal(k4, (VOCAB,), dtype=jnp.float32) * 0.1, -0.2, 0.2)
    return {"inputs": inputs, "E": E, "W": W, "b": b}

def reference(inputs, E, W, b):
    # tf.nn.embedding_lookup(E, inputs) -> gather rows; reshape to [-1, 2*EMB]
    embedding = jnp.take(E, inputs, axis=0).reshape(-1, EMB * 2)
    logits = jnp.matmul(embedding, W) + b
    return jax.nn.softmax(logits, axis=-1)

if __name__ == "__main__":
    import jax
    _d = setup_inputs()
    print(jax.jit(kernel)(*tuple(_d.values())))

</pallas_src>

<mosaic_0001>
#map = affine_map<(d0, d1) -> (0)>
#map1 = affine_map<(d0, d1) -> (0, 0)>
module attributes {stable_mosaic.version = 14 : i64} {
  func.func @gather_kernel(%arg0: i32, %arg1: i32, %arg2: memref<2048xi32, #tpu.memory_space<hbm>>, %arg3: memref<100000x100xf32, #tpu.memory_space<hbm>>, %arg4: memref<2048x100xf32, #tpu.memory_space<hbm>>, %arg5: memref<64xi32, #tpu.memory_space<vmem>>, %arg6: memref<64x100xf32, #tpu.memory_space<vmem>>, %arg7: memref<!tpu.dma_semaphore, #tpu.memory_space<semaphore_mem>>) attributes {dimension_semantics = [#tpu.dimension_semantics<core_parallel>, #tpu.dimension_semantics<subcore_parallel>], iteration_bounds = array<i64: 2, 16>, scalar_prefetch = 0 : i64, scratch_operands = 3 : i64, tpu.core_type = #tpu.core_type<sc_vector_subcore>, window_params = [{transform_indices = #map}, {transform_indices = #map1}, {transform_indices = #map1}]} {
    %mul3A = arith.constant 2 : i32
    %mul3A_0 = arith.muli %arg1, %mul3A : i32
    %add3A = arith.addi %mul3A_0, %arg0 : i32
    %mul3A_1 = arith.constant 64 : i32
    %mul3A_2 = arith.muli %add3A, %mul3A_1 : i32
    "tpu.region"() ({
      %run_scoped3A = tpu.sem_alloc : memref<!tpu.dma_semaphore, #tpu.memory_space<semaphore_mem>>
      %dma_start3A_2043 = tpu.memref_slice %arg2[%mul3A_2] : memref<2048xi32, #tpu.memory_space<hbm>> -> memref<64xi32, #tpu.memory_space<hbm>>
      %dma_start3A_2044 = tpu.memref_slice %arg2[%mul3A_2] : memref<2048xi32, #tpu.memory_space<hbm>> -> memref<64xi32, #tpu.memory_space<hbm>>
      tpu.enqueue_dma source(%dma_start3A_2044 : memref<64xi32, #tpu.memory_space<hbm>>) target(%arg5 : memref<64xi32, #tpu.memory_space<vmem>>) target_semaphore(%run_scoped3A : memref<!tpu.dma_semaphore, #tpu.memory_space<semaphore_mem>>)
      %dma_wait3A_2045 = tpu.memref_slice %arg2[%mul3A_2] : memref<2048xi32, #tpu.memory_space<hbm>> -> memref<64xi32, #tpu.memory_space<hbm>>
      %dma_wait3A_2046 = tpu.memref_slice %arg2[%mul3A_2] : memref<2048xi32, #tpu.memory_space<hbm>> -> memref<64xi32, #tpu.memory_space<hbm>>
      tpu.wait_dma2 semaphore(%run_scoped3A : memref<!tpu.dma_semaphore, #tpu.memory_space<semaphore_mem>>) src(%dma_wait3A_2046 : memref<64xi32, #tpu.memory_space<hbm>>) dst(%arg5 : memref<64xi32, #tpu.memory_space<vmem>>)
      tpu.yield
    }) : () -> ()
    %iota3A = tpu.iota {dimensions = array<i32: 0>} : vector<16xi32>
    %get3A = arith.constant 0 : index
    %get3A_3 = tpu.vector_load %arg5[%get3A] {strides = array<i32>} : memref<64xi32, #tpu.memory_space<vmem>>, vector<16xi32>,
    %eq3A = arith.constant 0 : i32
    %eq3A_4 = vector.broadcast %eq3A : i32 to vector<16xi32>
    %eq3A_5 = arith.cmpi eq, %iota3A, %eq3A_4 : vector<16xi32>
    %jit3A = arith.constant 0 : i32
    %broadcast_in_dim3A = vector.broadcast %jit3A : i32 to vector<16xi32>
    %select_n3A = arith.select %eq3A_5, %get3A_3, %broadcast_in_dim3A : vector<16xi1>, vector<16xi32>
    %reduce_sum3A = arith.constant true
    %reduce_sum3A_6 = vector.broadcast %reduce_sum3A : i1 to vector<16xi1>
    %reduce_sum3A_7 = tpu.scan <sum>, %select_n3A masked %reduce_sum3A_6 : vector<16xi32>, vector<16xi1> -> vector<16xi32>
    %reduce_sum3A_8 = vector.extract %reduce_sum3A_7[15] : i32 from vector<16xi32>
    %dma_start3A = arith.constant 0 : i32
    %dma_start3A_9 = arith.constant 0 : i32
    %dma_start3A_10 = tpu.memref_slice %arg6[%dma_start3A, %dma_start3A_9] : memref<64x100xf32, #tpu.memory_space<vmem>> -> memref<1x100xf32, #tpu.memory_space<vmem>>
    %dma_start3A_11 = arith.constant 0 : i32
    %dma_start3A_12 = tpu.memref_slice %arg3[%reduce_sum3A_8, %dma_start3A_11] : memref<100000x100xf32, #tpu.memory_space<hbm>> -> memref<1x100xf32, #tpu.memory_space<hbm>>
    %dma_start3A_13 = arith.constant 0 : i32
    %dma_start3A_14 = arith.constant 0 : i32
    %dma_start3A_15 = tpu.memref_slice %arg6[%dma_start3A_13, %dma_start3A_14] : memref<64x100xf32, #tpu.memory_space<vmem>> -> memref<1x100xf32, #tpu.memory_space<vmem>>
    %dma_start3A_16 = arith.constant 0 : i32
    %dma_start3A_17 = tpu.memref_slice %arg3[%reduce_sum3A_8, %dma_start3A_16] : memref<100000x100xf32, #tpu.memory_space<hbm>> -> memref<1x100xf32, #tpu.memory_space<hbm>>
    tpu.enqueue_dma source(%dma_start3A_17 : memref<1x100xf32, #tpu.memory_space<hbm>>) target(%dma_start3A_15 : memref<1x100xf32, #tpu.memory_space<vmem>>) target_semaphore(%arg7 : memref<!tpu.dma_semaphore, #tpu.memory_space<semaphore_mem>>)
    %get3A_18 = arith.constant 0 : index
    %get3A_19 = tpu.vector_load %arg5[%get3A_18] {strides = array<i32>} : memref<64xi32, #tpu.memory_space<vmem>>, vector<16xi32>,
    %eq3A_20 = arith.constant 1 : i32
    %eq3A_21 = vector.broadcast %eq3A_20 : i32 to vector<16xi32>
    %eq3A_22 = arith.cmpi eq, %iota3A, %eq3A_21 : vector<16xi32>
    %jit3A_23 = arith.constant 0 : i32
    %broadcast_in_dim3A_24 = vector.broadcast %jit3A_23 : i32 to vector<16xi32>
    %select_n3A_25 = arith.select %eq3A_22, %get3A_19, %broadcast_in_dim3A_24 : vector<16xi1>, vector<16xi32>
    %reduce_sum3A_26 = arith.constant true
    %reduce_sum3A_27 = vector.broadcast %reduce_sum3A_26 : i1 to vector<16xi1>
    %reduce_sum3A_28 = tpu.scan <sum>, %select_n3A_25 masked %reduce_sum3A_27 : vector<16xi32>, vector<16xi1> -> vector<16xi32>
    %reduce_sum3A_29 = vector.extract %reduce_sum3A_28[15] : i32 from vector<16xi32>
    %dma_start3A_30 = arith.constant 1 : i32
    %dma_start3A_31 = arith.constant 0 : i32
    %dma_start3A_32 = tpu.memref_slice %arg6[%dma_start3A_30, %dma_start3A_31] : memref<64x100xf32, #tpu.memory_space<vmem>> -> memref<1x100xf32, #tpu.memory_space<vmem>>
    %dma_start3A_33 = arith.constant 0 : i32
    %dma_start3A_34 = tpu.memref_slice %arg3[%reduce_sum3A_29, %dma_start3A_33] : memref<100000x100xf32, #tpu.memory_space<hbm>> -> memref<1x100xf32, #tpu.memory_space<hbm>>
    %dma_start3A_35 = arith.constant 1 : i32
    %dma_start3A_36 = arith.constant 0 : i32
    %dma_start3A_37 = tpu.memref_slice %arg6[%dma_start3A_35, %dma_start3A_36] : memref<64x100xf32, #tpu.memory_space<vmem>> -> memref<1x100xf32, #tpu.memory_space<vmem>>
    %dma_start3A_38 = arith.constant 0 : i32
    %dma_start3A_39 = tpu.memref_slice %arg3[%reduce_sum3A_29, %dma_start3A_38] : memref<100000x100xf32, #tpu.memory_space<hbm>> -> memref<1x100xf32, #tpu.memory_space<hbm>>
    tpu.enqueue_dma source(%dma_start3A_39 : memref<1x100xf32, #tpu.memory_space<hbm>>) target(%dma_start3A_37 : memref<1x100xf32, #tpu.memory_space<vmem>>) target_semaphore(%arg7 : memref<!tpu.dma_semaphore, #tpu.memory_space<semaphore_mem>>)
    %get3A_40 = arith.constant 0 : index
    %get3A_41 = tpu.vector_load %arg5[%get3A_40] {strides = array<i32>} : memref<64xi32, #tpu.memory_space<vmem>>, vector<16xi32>,
    %eq3A_42 = arith.constant 2 : i32
    %eq3A_43 = vector.broadcast %eq3A_42 : i32 to vector<16xi32>
    %eq3A_44 = arith.cmpi eq, %iota3A, %eq3A_43 : vector<16xi32>
    %jit3A_45 = arith.constant 0 : i32
    %broadcast_in_dim3A_46 = vector.broadcast %jit3A_45 : i32 to vector<16xi32>
    %select_n3A_47 = arith.select %eq3A_44, %get3A_41, %broadcast_in_dim3A_46 : vector<16xi1>, vector<16xi32>
    %reduce_sum3A_48 = arith.constant true
    %reduce_sum3A_49 = vector.broadcast %reduce_sum3A_48 : i1 to vector<16xi1>
    %reduce_sum3A_50 = tpu.scan <sum>, %select_n3A_47 masked %reduce_sum3A_49 : vector<16xi32>, vector<16xi1> -> vector<16xi32>
    %reduce_sum3A_51 = vector.extract %reduce_sum3A_50[15] : i32 from vector<16xi32>
    %dma_start3A_52 = arith.constant 2 : i32
    %dma_start3A_53 = arith.constant 0 : i32
    %dma_start3A_54 = tpu.memref_slice %arg6[%dma_start3A_52, %dma_start3A_53] : memref<64x100xf32, #tpu.memory_space<vmem>> -> memref<1x100xf32, #tpu.memory_space<vmem>>
    %dma_start3A_55 = arith.constant 0 : i32
    %dma_start3A_56 = tpu.memref_slice %arg3[%reduce_sum3A_51, %dma_start3A_55] : memref<100000x100xf32, #tpu.memory_space<hbm>> -> memref<1x100xf32, #tpu.memory_space<hbm>>
    %dma_start3A_57 = arith.constant 2 : i32
    %dma_start3A_58 = arith.constant 0 : i32
    %dma_start3A_59 = tpu.memref_slice %arg6[%dma_start3A_57, %dma_start3A_58] : memref<64x100xf32, #tpu.memory_space<vmem>> -> memref<1x100xf32, #tpu.memory_space<vmem>>
    %dma_start3A_60 = arith.constant 0 : i32
    %dma_start3A_61 = tpu.memref_slice %arg3[%reduce_sum3A_51, %dma_start3A_60] : memref<100000x100xf32, #tpu.memory_space<hbm>> -> memref<1x100xf32, #tpu.memory_space<hbm>>
    tpu.enqueue_dma source(%dma_start3A_61 : memref<1x100xf32, #tpu.memory_space<hbm>>) target(%dma_start3A_59 : memref<1x100xf32, #tpu.memory_space<vmem>>) target_semaphore(%arg7 : memref<!tpu.dma_semaphore, #tpu.memory_space<semaphore_mem>>)
    %get3A_62 = arith.constant 0 : index
    %get3A_63 = tpu.vector_load %arg5[%get3A_62] {strides = array<i32>} : memref<64xi32, #tpu.memory_space<vmem>>, vector<16xi32>,
    %eq3A_64 = arith.constant 3 : i32
    %eq3A_65 = vector.broadcast %eq3A_64 : i32 to vector<16xi32>
    %eq3A_66 = arith.cmpi eq, %iota3A, %eq3A_65 : vector<16xi32>
    %jit3A_67 = arith.constant 0 : i32
    %broadcast_in_dim3A_68 = vector.broadcast %jit3A_67 : i32 to vector<16xi32>
    %select_n3A_69 = arith.select %eq3A_66, %get3A_63, %broadcast_in_dim3A_68 : vector<16xi1>, vector<16xi32>
    %reduce_sum3A_70 = arith.constant true
    %reduce_sum3A_71 = vector.broadcast %reduce_sum3A_70 : i1 to vector<16xi1>
    %reduce_sum3A_72 = tpu.scan <sum>, %select_n3A_69 masked %reduce_sum3A_71 : vector<16xi32>, vector<16xi1> -> vector<16xi32>
    %reduce_sum3A_73 = vector.extract %reduce_sum3A_72[15] : i32 from vector<16xi32>
    %dma_start3A_74 = arith.constant 3 : i32
    %dma_start3A_75 = arith.constant 0 : i32
    %dma_start3A_76 = tpu.memref_slice %arg6[%dma_start3A_74, %dma_start3A_75] : memref<64x100xf32, #tpu.memory_space<vmem>> -> memref<1x100xf32, #tpu.memory_space<vmem>>
    %dma_start3A_77 = arith.constant 0 : i32
    %dma_start3A_78 = tpu.memref_slice %arg3[%reduce_sum3A_73, %dma_start3A_77] : memref<100000x100xf32, #tpu.memory_space<hbm>> -> memref<1x100xf32, #tpu.memory_space<hbm>>
    %dma_start3A_79 = arith.constant 3 : i32
    %dma_start3A_80 = arith.constant 0 : i32
    %dma_start3A_81 = tpu.memref_slice %arg6[%dma_start3A_79, %dma_start3A_80] : memref<64x100xf32, #tpu.memory_space<vmem>> -> memref<1x100xf32, #tpu.memory_space<vmem>>
    %dma_start3A_82 = arith.constant 0 : i32
    %dma_start3A_83 = tpu.memref_slice %arg3[%reduce_sum3A_73, %dma_start3A_82] : memref<100000x100xf32, #tpu.memory_space<hbm>> -> memref<1x100xf32, #tpu.memory_space<hbm>>
    tpu.enqueue_dma source(%dma_start3A_83 : memref<1x100xf32, #tpu.memory_space<hbm>>) target(%dma_start3A_81 : memref<1x100xf32, #tpu.memory_space<vmem>>) target_semaphore(%arg7 : memref<!tpu.dma_semaphore, #tpu.memory_space<semaphore_mem>>)
    %get3A_84 = arith.constant 0 : index
    %get3A_85 = tpu.vector_load %arg5[%get3A_84] {strides = array<i32>} : memref<64xi32, #tpu.memory_space<vmem>>, vector<16xi32>,
    %eq3A_86 = arith.constant 4 : i32
    %eq3A_87 = vector.broadcast %eq3A_86 : i32 to vector<16xi32>
    %eq3A_88 = arith.cmpi eq, %iota3A, %eq3A_87 : vector<16xi32>
    %jit3A_89 = arith.constant 0 : i32
    %broadcast_in_dim3A_90 = vector.broadcast %jit3A_89 : i32 to vector<16xi32>
    %select_n3A_91 = arith.select %eq3A_88, %get3A_85, %broadcast_in_dim3A_90 : vector<16xi1>, vector<16xi32>
    %reduce_sum3A_92 = arith.constant true
    %reduce_sum3A_93 = vector.broadcast %reduce_sum3A_92 : i1 to vector<16xi1>
    %reduce_sum3A_94 = tpu.scan <sum>, %select_n3A_91 masked %reduce_sum3A_93 : vector<16xi32>, vector<16xi1> -> vector<16xi32>
    %reduce_sum3A_95 = vector.extract %reduce_sum3A_94[15] : i32 from vector<16xi32>
    %dma_start3A_96 = arith.constant 4 : i32
    %dma_start3A_97 = arith.constant 0 : i32
    %dma_start3A_98 = tpu.memref_slice %arg6[%dma_start3A_96, %dma_start3A_97] : memref<64x100xf32, #tpu.memory_space<vmem>> -> memref<1x100xf32, #tpu.memory_space<vmem>>
    %dma_start3A_99 = arith.constant 0 : i32
    %dma_start3A_100 = tpu.memref_slice %arg3[%reduce_sum3A_95, %dma_start3A_99] : memref<100000x100xf32, #tpu.memory_space<hbm>> -> memref<1x100xf32, #tpu.memory_space<hbm>>
    %dma_start3A_101 = arith.constant 4 : i32
    %dma_start3A_102 = arith.constant 0 : i32
    %dma_start3A_103 = tpu.memref_slice %arg6[%dma_start3A_101, %dma_start3A_102] : memref<64x100xf32, #tpu.memory_space<vmem>> -> memref<1x100xf32, #tpu.memory_space<vmem>>
    %dma_start3A_104 = arith.constant 0 : i32
    %dma_start3A_105 = tpu.memref_slice %arg3[%reduce_sum3A_95, %dma_start3A_104] : memref<100000x100xf32, #tpu.memory_space<hbm>> -> memref<1x100xf32, #tpu.memory_space<hbm>>
    tpu.enqueue_dma source(%dma_start3A_105 : memref<1x100xf32, #tpu.memory_space<hbm>>) target(%dma_start3A_103 : memref<1x100xf32, #tpu.memory_space<vmem>>) target_semaphore(%arg7 : memref<!tpu.dma_semaphore, #tpu.memory_space<semaphore_mem>>)
    %get3A_106 = arith.constant 0 : index
    %get3A_107 = tpu.vector_load %arg5[%get3A_106] {strides = array<i32>} : memref<64xi32, #tpu.memory_space<vmem>>, vector<16xi32>,
    %eq3A_108 = arith.constant 5 : i32
    %eq3A_109 = vector.broadcast %eq3A_108 : i32 to vector<16xi32>
    %eq3A_110 = arith.cmpi eq, %iota3A, %eq3A_109 : vector<16xi32>
    %jit3A_111 = arith.constant 0 : i32
    %broadcast_in_dim3A_112 = vector.broadcast %jit3A_111 : i32 to vector<16xi32>
    %select_n3A_113 = arith.select %eq3A_110, %get3A_107, %broadcast_in_dim3A_112 : vector<16xi1>, vector<16xi32>
    %reduce_sum3A_114 = arith.constant true
    %reduce_sum3A_115 = vector.broadcast %reduce_sum3A_114 : i1 to vector<16xi1>
    %reduce_sum3A_116 = tpu.scan <sum>, %select_n3A_113 masked %reduce_sum3A_115 : vector<16xi32>, vector<16xi1> -> vector<16xi32>
    %reduce_sum3A_117 = vector.extract %reduce_sum3A_116[15] : i32 from vector<16xi32>
    %dma_start3A_118 = arith.constant 5 : i32
    %dma_start3A_119 = arith.constant 0 : i32
    %dma_start3A_120 = tpu.memref_slice %arg6[%dma_start3A_118, %dma_start3A_119] : memref<64x100xf32, #tpu.memory_space<vmem>> -> memref<1x100xf32, #tpu.memory_space<vmem>>
    %dma_start3A_121 = arith.constant 0 : i32
    %dma_start3A_122 = tpu.memref_slice %arg3[%reduce_sum3A_117, %dma_start3A_121] : memref<100000x100xf32, #tpu.memory_space<hbm>> -> memref<1x100xf32, #tpu.memory_space<hbm>>
    %dma_start3A_123 = arith.constant 5 : i32
    %dma_start3A_124 = arith.constant 0 : i32
    %dma_start3A_125 = tpu.memref_slice %arg6[%dma_start3A_123, %dma_start3A_124] : memref<64x100xf32, #tpu.memory_space<vmem>> -> memref<1x100xf32, #tpu.memory_space<vmem>>
    %dma_start3A_126 = arith.constant 0 : i32
    %dma_start3A_127 = tpu.memref_slice %arg3[%reduce_sum3A_117, %dma_start3A_126] : memref<100000x100xf32, #tpu.memory_space<hbm>> -> memref<1x100xf32, #tpu.memory_space<hbm>>
    tpu.enqueue_dma source(%dma_start3A_127 : memref<1x100xf32, #tpu.memory_space<hbm>>) target(%dma_start3A_125 : memref<1x100xf32, #tpu.memory_space<vmem>>) target_semaphore(%arg7 : memref<!tpu.dma_semaphore, #tpu.memory_space<semaphore_mem>>)
    %get3A_128 = arith.constant 0 : index
    %get3A_129 = tpu.vector_load %arg5[%get3A_128] {strides = array<i32>} : memref<64xi32, #tpu.memory_space<vmem>>, vector<16xi32>,
    %eq3A_130 = arith.constant 6 : i32
    %eq3A_131 = vector.broadcast %eq3A_130 : i32 to vector<16xi32>
    %eq3A_132 = arith.cmpi eq, %iota3A, %eq3A_131 : vector<16xi32>
    %jit3A_133 = arith.constant 0 : i32
    %broadcast_in_dim3A_134 = vector.broadcast %jit3A_133 : i32 to vector<16xi32>
    %select_n3A_135 = arith.select %eq3A_132, %get3A_129, %broadcast_in_dim3A_134 : vector<16xi1>, vector<16xi32>
    %reduce_sum3A_136 = arith.constant true
    %reduce_sum3A_137 = vector.broadcast %reduce_sum3A_136 : i1 to vector<16xi1>
    %reduce_sum3A_138 = tpu.scan <sum>, %select_n3A_135 masked %reduce_sum3A_137 : vector<16xi32>, vector<16xi1> -> vector<16xi32>
    %reduce_sum3A_139 = vector.extract %reduce_sum3A_138[15] : i32 from vector<16xi32>
    %dma_start3A_140 = arith.constant 6 : i32
    %dma_start3A_141 = arith.constant 0 : i32
    %dma_start3A_142 = tpu.memref_slice %arg6[%dma_start3A_140, %dma_start3A_141] : memref<64x100xf32, #tpu.memory_space<vmem>> -> memref<1x100xf32, #tpu.memory_space<vmem>>
    %dma_start3A_143 = arith.constant 0 : i32
    %dma_start3A_144 = tpu.memref_slice %arg3[%reduce_sum3A_139, %dma_start3A_143] : memref<100000x100xf32, #tpu.memory_space<hbm>> -> memref<1x100xf32, #tpu.memory_space<hbm>>
    %dma_start3A_145 = arith.constant 6 : i32
    %dma_start3A_146 = arith.constant 0 : i32
    %dma_start3A_147 = tpu.memref_slice %arg6[%dma_start3A_145, %dma_start3A_146] : memref<64x100xf32, #tpu.memory_space<vmem>> -> memref<1x100xf32, #tpu.memory_space<vmem>>
    %dma_start3A_148 = arith.constant 0 : i32
    %dma_start3A_149 = tpu.memref_slice %arg3[%reduce_sum3A_139, %dma_start3A_148] : memref<100000x100xf32, #tpu.memory_space<hbm>> -> memref<1x100xf32, #tpu.memory_space<hbm>>
    tpu.enqueue_dma source(%dma_start3A_149 : memref<1x100xf32, #tpu.memory_space<hbm>>) target(%dma_start3A_147 : memref<1x100xf32, #tpu.memory_space<vmem>>) target_semaphore(%arg7 : memref<!tpu.dma_semaphore, #tpu.memory_space<semaphore_mem>>)
    %get3A_150 = arith.constant 0 : index
    %get3A_151 = tpu.vector_load %arg5[%get3A_150] {strides = array<i32>} : memref<64xi32, #tpu.memory_space<vmem>>, vector<16xi32>,
    %eq3A_152 = arith.constant 7 : i32
    %eq3A_153 = vector.broadcast %eq3A_152 : i32 to vector<16xi32>
    %eq3A_154 = arith.cmpi eq, %iota3A, %eq3A_153 : vector<16xi32>
    %jit3A_155 = arith.constant 0 : i32
    %broadcast_in_dim3A_156 = vector.broadcast %jit3A_155 : i32 to vector<16xi32>
    %select_n3A_157 = arith.select %eq3A_154, %get3A_151, %broadcast_in_dim3A_156 : vector<16xi1>, vector<16xi32>
    %reduce_sum3A_158 = arith.constant true
    %reduce_sum3A_159 = vector.broadcast %reduce_sum3A_158 : i1 to vector<16xi1>
    %reduce_sum3A_160 = tpu.scan <sum>, %select_n3A_157 masked %reduce_sum3A_159 : vector<16xi32>, vector<16xi1> -> vector<16xi32>
    %reduce_sum3A_161 = vector.extract %reduce_sum3A_160[15] : i32 from vector<16xi32>
    %dma_start3A_162 = arith.constant 7 : i32
    %dma_start3A_163 = arith.constant 0 : i32
    %dma_start3A_164 = tpu.memref_slice %arg6[%dma_start3A_162, %dma_start3A_163] : memref<64x100xf32, #tpu.memory_space<vmem>> -> memref<1x100xf32, #tpu.memory_space<vmem>>
    %dma_start3A_165 = arith.constant 0 : i32
    %dma_start3A_166 = tpu.memref_slice %arg3[%reduce_sum3A_161, %dma_start3A_165] : memref<100000x100xf32, #tpu.memory_space<hbm>> -> memref<1x100xf32, #tpu.memory_space<hbm>>
    %dma_start3A_167 = arith.constant 7 : i32
    %dma_start3A_168 = arith.constant 0 : i32
    %dma_start3A_169 = tpu.memref_slice %arg6[%dma_start3A_167, %dma_start3A_168] : memref<64x100xf32, #tpu.memory_space<vmem>> -> memref<1x100xf32, #tpu.memory_space<vmem>>
    %dma_start3A_170 = arith.constant 0 : i32
    %dma_start3A_171 = tpu.memref_slice %arg3[%reduce_sum3A_161, %dma_start3A_170] : memref<100000x100xf32, #tpu.memory_space<hbm>> -> memref<1x100xf32, #tpu.memory_space<hbm>>
    tpu.enqueue_dma source(%dma_start3A_171 : memref<1x100xf32, #tpu.memory_space<hbm>>) target(%dma_start3A_169 : memref<1x100xf32, #tpu.memory_space<vmem>>) target_semaphore(%arg7 : memref<!tpu.dma_semaphore, #tpu.memory_space<semaphore_mem>>)
    %get3A_172 = arith.constant 0 : index
    %get3A_173 = tpu.vector_load %arg5[%get3A_172] {strides = array<i32>} : memref<64xi32, #tpu.memory_space<vmem>>, vector<16xi32>,
    %eq3A_174 = arith.constant 8 : i32
    %eq3A_175 = vector.broadcast %eq3A_174 : i32 to vector<16xi32>
    %eq3A_176 = arith.cmpi eq, %iota3A, %eq3A_175 : vector<16xi32>
    %jit3A_177 = arith.constant 0 : i32
    %broadcast_in_dim3A_178 = vector.broadcast %jit3A_177 : i32 to vector<16xi32>
    %select_n3A_179 = arith.select %eq3A_176, %get3A_173, %broadcast_in_dim3A_178 : vector<16xi1>, vector<16xi32>
    %reduce_sum3A_180 = arith.constant true
    %reduce_sum3A_181 = vector.broadcast %reduce_sum3A_180 : i1 to vector<16xi1>
    %reduce_sum3A_182 = tpu.scan <sum>, %select_n3A_179 masked %reduce_sum3A_181 : vector<16xi32>, vector<16xi1> -> vector<16xi32>
    %reduce_sum3A_183 = vector.extract %reduce_sum3A_182[15] : i32 from vector<16xi32>
    %dma_start3A_184 = arith.constant 8 : i32
    %dma_start3A_185 = arith.constant 0 : i32
    %dma_start3A_186 = tpu.memref_slice %arg6[%dma_start3A_184, %dma_start3A_185] : memref<64x100xf32, #tpu.memory_space<vmem>> -> memref<1x100xf32, #tpu.memory_space<vmem>>
    %dma_start3A_187 = arith.constant 0 : i32
    %dma_start3A_188 = tpu.memref_slice %arg3[%reduce_sum3A_183, %dma_start3A_187] : memref<100000x100xf32, #tpu.memory_space<hbm>> -> memref<1x100xf32, #tpu.memory_space<hbm>>
    %dma_start3A_189 = arith.constant 8 : i32
    %dma_start3A_190 = arith.constant 0 : i32
    %dma_start3A_191 = tpu.memref_slice %arg6[%dma_start3A_189, %dma_start3A_190] : memref<64x100xf32, #tpu.memory_space<vmem>> -> memref<1x100xf32, #tpu.memory_space<vmem>>
    %dma_start3A_192 = arith.constant 0 : i32
    %dma_start3A_193 = tpu.memref_slice %arg3[%reduce_sum3A_183, %dma_start3A_192] : memref<100000x100xf32, #tpu.memory_space<hbm>> -> memref<1x100xf32, #tpu.memory_space<hbm>>
    tpu.enqueue_dma source(%dma_start3A_193 : memref<1x100xf32, #tpu.memory_space<hbm>>) target(%dma_start3A_191 : memref<1x100xf32, #tpu.memory_space<vmem>>) target_semaphore(%arg7 : memref<!tpu.dma_semaphore, #tpu.memory_space<semaphore_mem>>)
    %get3A_194 = arith.constant 0 : index
    %get3A_195 = tpu.vector_load %arg5[%get3A_194] {strides = array<i32>} : memref<64xi32, #tpu.memory_space<vmem>>, vector<16xi32>,
    %eq3A_196 = arith.constant 9 : i32
    %eq3A_197 = vector.broadcast %eq3A_196 : i32 to vector<16xi32>
    %eq3A_198 = arith.cmpi eq, %iota3A, %eq3A_197 : vector<16xi32>
    %jit3A_199 = arith.constant 0 : i32
    %broadcast_in_dim3A_200 = vector.broadcast %jit3A_199 : i32 to vector<16xi32>
    %select_n3A_201 = arith.select %eq3A_198, %get3A_195, %broadcast_in_dim3A_200 : vector<16xi1>, vector<16xi32>
    %reduce_sum3A_202 = arith.constant true
    %reduce_sum3A_203 = vector.broadcast %reduce_sum3A_202 : i1 to vector<16xi1>
    %reduce_sum3A_204 = tpu.scan <sum>, %select_n3A_201 masked %reduce_sum3A_203 : vector<16xi32>, vector<16xi1> -> vector<16xi32>
    %reduce_sum3A_205 = vector.extract %reduce_sum3A_204[15] : i32 from vector<16xi32>
    %dma_start3A_206 = arith.constant 9 : i32
    %dma_start3A_207 = arith.constant 0 : i32
    %dma_start3A_208 = tpu.memref_slice %arg6[%dma_start3A_206, %dma_start3A_207] : memref<64x100xf32, #tpu.memory_space<vmem>> -> memref<1x100xf32, #tpu.memory_space<vmem>>
    %dma_start3A_209 = arith.constant 0 : i32
    %dma_start3A_210 = tpu.memref_slice %arg3[%reduce_sum3A_205, %dma_start3A_209] : memref<100000x100xf32, #tpu.memory_space<hbm>> -> memref<1x100xf32, #tpu.memory_space<hbm>>
    %dma_start3A_211 = arith.constant 9 : i32
    %dma_start3A_212 = arith.constant 0 : i32
    %dma_start3A_213 = tpu.memref_slice %arg6[%dma_start3A_211, %dma_start3A_212] : memref<64x100xf32, #tpu.memory_space<vmem>> -> memref<1x100xf32, #tpu.memory_space<vmem>>
    %dma_start3A_214 = arith.constant 0 : i32
    %dma_start3A_215 = tpu.memref_slice %arg3[%reduce_sum3A_205, %dma_start3A_214] : memref<100000x100xf32, #tpu.memory_space<hbm>> -> memref<1x100xf32, #tpu.memory_space<hbm>>
    tpu.enqueue_dma source(%dma_start3A_215 : memref<1x100xf32, #tpu.memory_space<hbm>>) target(%dma_start3A_213 : memref<1x100xf32, #tpu.memory_space<vmem>>) target_semaphore(%arg7 : memref<!tpu.dma_semaphore, #tpu.memory_space<semaphore_mem>>)
    %get3A_216 = arith.constant 0 : index
    %get3A_217 = tpu.vector_load %arg5[%get3A_216] {strides = array<i32>} : memref<64xi32, #tpu.memory_space<vmem>>, vector<16xi32>,
    %eq3A_218 = arith.constant 10 : i32
    %eq3A_219 = vector.broadcast %eq3A_218 : i32 to vector<16xi32>
    %eq3A_220 = arith.cmpi eq, %iota3A, %eq3A_219 : vector<16xi32>
    %jit3A_221 = arith.constant 0 : i32
    %broadcast_in_dim3A_222 = vector.broadcast %jit3A_221 : i32 to vector<16xi32>
    %select_n3A_223 = arith.select %eq3A_220, %get3A_217, %broadcast_in_dim3A_222 : vector<16xi1>, vector<16xi32>
    %reduce_sum3A_224 = arith.constant true
    %reduce_sum3A_225 = vector.broadcast %reduce_sum3A_224 : i1 to vector<16xi1>
    %reduce_sum3A_226 = tpu.scan <sum>, %select_n3A_223 masked %reduce_sum3A_225 : vector<16xi32>, vector<16xi1> -> vector<16xi32>
    %reduce_sum3A_227 = vector.extract %reduce_sum3A_226[15] : i32 from vector<16xi32>
    %dma_start3A_228 = arith.constant 10 : i32
    %dma_start3A_229 = arith.constant 0 : i32
    %dma_start3A_230 = tpu.memref_slice %arg6[%dma_start3A_228, %dma_start3A_229] : memref<64x100xf32, #tpu.memory_space<vmem>> -> memref<1x100xf32, #tpu.memory_space<vmem>>
    %dma_start3A_231 = arith.constant 0 : i32
    %dma_start3A_232 = tpu.memref_slice %arg3[%reduce_sum3A_227, %dma_start3A_231] : memref<100000x100xf32, #tpu.memory_space<hbm>> -> memref<1x100xf32, #tpu.memory_space<hbm>>
    %dma_start3A_233 = arith.constant 10 : i32
    %dma_start3A_234 = arith.constant 0 : i32
    %dma_start3A_235 = tpu.memref_slice %arg6[%dma_start3A_233, %dma_start3A_234] : memref<64x100xf32, #tpu.memory_space<vmem>> -> memref<1x100xf32, #tpu.memory_space<vmem>>
    %dma_start3A_236 = arith.constant 0 : i32
    %dma_start3A_237 = tpu.memref_slice %arg3[%reduce_sum3A_227, %dma_start3A_236] : memref<100000x100xf32, #tpu.memory_space<hbm>> -> memref<1x100xf32, #tpu.memory_space<hbm>>
    tpu.enqueue_dma source(%dma_start3A_237 : memref<1x100xf32, #tpu.memory_space<hbm>>) target(%dma_start3A_235 : memref<1x100xf32, #tpu.memory_space<vmem>>) target_semaphore(%arg7 : memref<!tpu.dma_semaphore, #tpu.memory_space<semaphore_mem>>)
    %get3A_238 = arith.constant 0 : index
    %get3A_239 = tpu.vector_load %arg5[%get3A_238] {strides = array<i32>} : memref<64xi32, #tpu.memory_space<vmem>>, vector<16xi32>,
    %eq3A_240 = arith.constant 11 : i32
    %eq3A_241 = vector.broadcast %eq3A_240 : i32 to vector<16xi32>
    %eq3A_242 = arith.cmpi eq, %iota3A, %eq3A_241 : vector<16xi32>
    %jit3A_243 = arith.constant 0 : i32
    %broadcast_in_dim3A_244 = vector.broadcast %jit3A_243 : i32 to vector<16xi32>
    %select_n3A_245 = arith.select %eq3A_242, %get3A_239, %broadcast_in_dim3A_244 : vector<16xi1>, vector<16xi32>
    %reduce_sum3A_246 = arith.constant true
    %reduce_sum3A_247 = vector.broadcast %reduce_sum3A_246 : i1 to vector<16xi1>
    %reduce_sum3A_248 = tpu.scan <sum>, %select_n3A_245 masked %reduce_sum3A_247 : vector<16xi32>, vector<16xi1> -> vector<16xi32>
    %reduce_sum3A_249 = vector.extract %reduce_sum3A_248[15] : i32 from vector<16xi32>
    %dma_start3A_250 = arith.constant 11 : i32
    %dma_start3A_251 = arith.constant 0 : i32
    %dma_start3A_252 = tpu.memref_slice %arg6[%dma_start3A_250, %dma_start3A_251] : memref<64x100xf32, #tpu.memory_space<vmem>> -> memref<1x100xf32, #tpu.memory_space<vmem>>
    %dma_start3A_253 = arith.constant 0 : i32
    %dma_start3A_254 = tpu.memref_slice %arg3[%reduce_sum3A_249, %dma_start3A_253] : memref<100000x100xf32, #tpu.memory_space<hbm>> -> memref<1x100xf32, #tpu.memory_space<hbm>>
    %dma_start3A_255 = arith.constant 11 : i32
    %dma_start3A_256 = arith.constant 0 : i32
    %dma_start3A_257 = tpu.memref_slice %arg6[%dma_start3A_255, %dma_start3A_256] : memref<64x100xf32, #tpu.memory_space<vmem>> -> memref<1x100xf32, #tpu.memory_space<vmem>>
    %dma_start3A_258 = arith.constant 0 : i32
    %dma_start3A_259 = tpu.memref_slice %arg3[%reduce_sum3A_249, %dma_start3A_258] : memref<100000x100xf32, #tpu.memory_space<hbm>> -> memref<1x100xf32, #tpu.memory_space<hbm>>
    tpu.enqueue_dma source(%dma_start3A_259 : memref<1x100xf32, #tpu.memory_space<hbm>>) target(%dma_start3A_257 : memref<1x100xf32, #tpu.memory_space<vmem>>) target_semaphore(%arg7 : memref<!tpu.dma_semaphore, #tpu.memory_space<semaphore_mem>>)
    %get3A_260 = arith.constant 0 : index
    %get3A_261 = tpu.vector_load %arg5[%get3A_260] {strides = array<i32>} : memref<64xi32, #tpu.memory_space<vmem>>, vector<16xi32>,
    %eq3A_262 = arith.constant 12 : i32
    %eq3A_263 = vector.broadcast %eq3A_262 : i32 to vector<16xi32>
    %eq3A_264 = arith.cmpi eq, %iota3A, %eq3A_263 : vector<16xi32>
    %jit3A_265 = arith.constant 0 : i32
    %broadcast_in_dim3A_266 = vector.broadcast %jit3A_265 : i32 to vector<16xi32>
    %select_n3A_267 = arith.select %eq3A_264, %get3A_261, %broadcast_in_dim3A_266 : vector<16xi1>, vector<16xi32>
    %reduce_sum3A_268 = arith.constant true
    %reduce_sum3A_269 = vector.broadcast %reduce_sum3A_268 : i1 to vector<16xi1>
    %reduce_sum3A_270 = tpu.scan <sum>, %select_n3A_267 masked %reduce_sum3A_269 : vector<16xi32>, vector<16xi1> -> vector<16xi32>
    %reduce_sum3A_271 = vector.extract %reduce_sum3A_270[15] : i32 from vector<16xi32>
    %dma_start3A_272 = arith.constant 12 : i32
    %dma_start3A_273 = arith.constant 0 : i32
    %dma_start3A_274 = tpu.memref_slice %arg6[%dma_start3A_272, %dma_start3A_273] : memref<64x100xf32, #tpu.memory_space<vmem>> -> memref<1x100xf32, #tpu.memory_space<vmem>>
    %dma_start3A_275 = arith.constant 0 : i32
    %dma_start3A_276 = tpu.memref_slice %arg3[%reduce_sum3A_271, %dma_start3A_275] : memref<100000x100xf32, #tpu.memory_space<hbm>> -> memref<1x100xf32, #tpu.memory_space<hbm>>
    %dma_start3A_277 = arith.constant 12 : i32
    %dma_start3A_278 = arith.constant 0 : i32
    %dma_start3A_279 = tpu.memref_slice %arg6[%dma_start3A_277, %dma_start3A_278] : memref<64x100xf32, #tpu.memory_space<vmem>> -> memref<1x100xf32, #tpu.memory_space<vmem>>
    %dma_start3A_280 = arith.constant 0 : i32
    %dma_start3A_281 = tpu.memref_slice %arg3[%reduce_sum3A_271, %dma_start3A_280] : memref<100000x100xf32, #tpu.memory_space<hbm>> -> memref<1x100xf32, #tpu.memory_space<hbm>>
    tpu.enqueue_dma source(%dma_start3A_281 : memref<1x100xf32, #tpu.memory_space<hbm>>) target(%dma_start3A_279 : memref<1x100xf32, #tpu.memory_space<vmem>>) target_semaphore(%arg7 : memref<!tpu.dma_semaphore, #tpu.memory_space<semaphore_mem>>)
    %get3A_282 = arith.constant 0 : index
    %get3A_283 = tpu.vector_load %arg5[%get3A_282] {strides = array<i32>} : memref<64xi32, #tpu.memory_space<vmem>>, vector<16xi32>,
    %eq3A_284 = arith.constant 13 : i32
    %eq3A_285 = vector.broadcast %eq3A_284 : i32 to vector<16xi32>
    %eq3A_286 = arith.cmpi eq, %iota3A, %eq3A_285 : vector<16xi32>
    %jit3A_287 = arith.constant 0 : i32
    %broadcast_in_dim3A_288 = vector.broadcast %jit3A_287 : i32 to vector<16xi32>
    %select_n3A_289 = arith.select %eq3A_286, %get3A_283, %broadcast_in_dim3A_288 : vector<16xi1>, vector<16xi32>
    %reduce_sum3A_290 = arith.constant true
    %reduce_sum3A_291 = vector.broadcast %reduce_sum3A_290 : i1 to vector<16xi1>
    %reduce_sum3A_292 = tpu.scan <sum>, %select_n3A_289 masked %reduce_sum3A_291 : vector<16xi32>, vector<16xi1> -> vector<16xi32>
    %reduce_sum3A_293 = vector.extract %reduce_sum3A_292[15] : i32 from vector<16xi32>
    %dma_start3A_294 = arith.constant 13 : i32
    %dma_start3A_295 = arith.constant 0 : i32
    %dma_start3A_296 = tpu.memref_slice %arg6[%dma_start3A_294, %dma_start3A_295] : memref<64x100xf32, #tpu.memory_space<vmem>> -> memref<1x100xf32, #tpu.memory_space<vmem>>
    %dma_start3A_297 = arith.constant 0 : i32
    %dma_start3A_298 = tpu.memref_slice %arg3[%reduce_sum3A_293, %dma_start3A_297] : memref<100000x100xf32, #tpu.memory_space<hbm>> -> memref<1x100xf32, #tpu.memory_space<hbm>>
    %dma_start3A_299 = arith.constant 13 : i32
    %dma_start3A_300 = arith.constant 0 : i32
    %dma_start3A_301 = tpu.memref_slice %arg6[%dma_start3A_299, %dma_start3A_300] : memref<64x100xf32, #tpu.memory_space<vmem>> -> memref<1x100xf32, #tpu.memory_space<vmem>>
    %dma_start3A_302 = arith.constant 0 : i32
    %dma_start3A_303 = tpu.memref_slice %arg3[%reduce_sum3A_293, %dma_start3A_302] : memref<100000x100xf32, #tpu.memory_space<hbm>> -> memref<1x100xf32, #tpu.memory_space<hbm>>
    tpu.enqueue_dma source(%dma_start3A_303 : memref<1x100xf32, #tpu.memory_space<hbm>>) target(%dma_start3A_301 : memref<1x100xf32, #tpu.memory_space<vmem>>) target_semaphore(%arg7 : memref<!tpu.dma_semaphore, #tpu.memory_space<semaphore_mem>>)
    %get3A_304 = arith.constant 0 : index
    %get3A_305 = tpu.vector_load %arg5[%get3A_304] {strides = array<i32>} : memref<64xi32, #tpu.memory_space<vmem>>, vector<16xi32>,
    %eq3A_306 = arith.constant 14 : i32
    %eq3A_307 = vector.broadcast %eq3A_306 : i32 to vector<16xi32>
    %eq3A_308 = arith.cmpi eq, %iota3A, %eq3A_307 : vector<16xi32>
    %jit3A_309 = arith.constant 0 : i32
    %broadcast_in_dim3A_310 = vector.broadcast %jit3A_309 : i32 to vector<16xi32>
    %select_n3A_311 = arith.select %eq3A_308, %get3A_305, %broadcast_in_dim3A_310 : vector<16xi1>, vector<16xi32>
    %reduce_sum3A_312 = arith.constant true
    %reduce_sum3A_313 = vector.broadcast %reduce_sum3A_312 : i1 to vector<16xi1>
    %reduce_sum3A_314 = tpu.scan <sum>, %select_n3A_311 masked %reduce_sum3A_313 : vector<16xi32>, vector<16xi1> -> vector<16xi32>
    %reduce_sum3A_315 = vector.extract %reduce_sum3A_314[15] : i32 from vector<16xi32>
    %dma_start3A_316 = arith.constant 14 : i32
    %dma_start3A_317 = arith.constant 0 : i32
    %dma_start3A_318 = tpu.memref_slice %arg6[%dma_start3A_316, %dma_start3A_317] : memref<64x100xf32, #tpu.memory_space<vmem>> -> memref<1x100xf32, #tpu.memory_space<vmem>>
    %dma_start3A_319 = arith.constant 0 : i32
    %dma_start3A_320 = tpu.memref_slice %arg3[%reduce_sum3A_315, %dma_start3A_319] : memref<100000x100xf32, #tpu.memory_space<hbm>> -> memref<1x100xf32, #tpu.memory_space<hbm>>
    %dma_start3A_321 = arith.constant 14 : i32
    %dma_start3A_322 = arith.constant 0 : i32
    %dma_start3A_323 = tpu.memref_slice %arg6[%dma_start3A_321, %dma_start3A_322] : memref<64x100xf32, #tpu.memory_space<vmem>> -> memref<1x100xf32, #tpu.memory_space<vmem>>
    %dma_start3A_324 = arith.constant 0 : i32
    %dma_start3A_325 = tpu.memref_slice %arg3[%reduce_sum3A_315, %dma_start3A_324] : memref<100000x100xf32, #tpu.memory_space<hbm>> -> memref<1x100xf32, #tpu.memory_space<hbm>>
    tpu.enqueue_dma source(%dma_start3A_325 : memref<1x100xf32, #tpu.memory_space<hbm>>) target(%dma_start3A_323 : memref<1x100xf32, #tpu.memory_space<vmem>>) target_semaphore(%arg7 : memref<!tpu.dma_semaphore, #tpu.memory_space<semaphore_mem>>)
    %get3A_326 = arith.constant 0 : index
    %get3A_327 = tpu.vector_load %arg5[%get3A_326] {strides = array<i32>} : memref<64xi32, #tpu.memory_space<vmem>>, vector<16xi32>,
    %eq3A_328 = arith.constant 15 : i32
    %eq3A_329 = vector.broadcast %eq3A_328 : i32 to vector<16xi32>
    %eq3A_330 = arith.cmpi eq, %iota3A, %eq3A_329 : vector<16xi32>
    %jit3A_331 = arith.constant 0 : i32
    %broadcast_in_dim3A_332 = vector.broadcast %jit3A_331 : i32 to vector<16xi32>
    %select_n3A_333 = arith.select %eq3A_330, %get3A_327, %broadcast_in_dim3A_332 : vector<16xi1>, vector<16xi32>
    %reduce_sum3A_334 = arith.constant true
    %reduce_sum3A_335 = vector.broadcast %reduce_sum3A_334 : i1 to vector<16xi1>
    %reduce_sum3A_336 = tpu.scan <sum>, %select_n3A_333 masked %reduce_sum3A_335 : vector<16xi32>, vector<16xi1> -> vector<16xi32>
    %reduce_sum3A_337 = vector.extract %reduce_sum3A_336[15] : i32 from vector<16xi32>
    %dma_start3A_338 = arith.constant 15 : i32
    %dma_start3A_339 = arith.constant 0 : i32
    %dma_start3A_340 = tpu.memref_slice %arg6[%dma_start3A_338, %dma_start3A_339] : memref<64x100xf32, #tpu.memory_space<vmem>> -> memref<1x100xf32, #tpu.memory_space<vmem>>
    %dma_start3A_341 = arith.constant 0 : i32
    %dma_start3A_342 = tpu.memref_slice %arg3[%reduce_sum3A_337, %dma_start3A_341] : memref<100000x100xf32, #tpu.memory_space<hbm>> -> memref<1x100xf32, #tpu.memory_space<hbm>>
    %dma_start3A_343 = arith.constant 15 : i32
    %dma_start3A_344 = arith.constant 0 : i32
    %dma_start3A_345 = tpu.memref_slice %arg6[%dma_start3A_343, %dma_start3A_344] : memref<64x100xf32, #tpu.memory_space<vmem>> -> memref<1x100xf32, #tpu.memory_space<vmem>>
    %dma_start3A_346 = arith.constant 0 : i32
    %dma_start3A_347 = tpu.memref_slice %arg3[%reduce_sum3A_337, %dma_start3A_346] : memref<100000x100xf32, #tpu.memory_space<hbm>> -> memref<1x100xf32, #tpu.memory_space<hbm>>
    tpu.enqueue_dma source(%dma_start3A_347 : memref<1x100xf32, #tpu.memory_space<hbm>>) target(%dma_start3A_345 : memref<1x100xf32, #tpu.memory_space<vmem>>) target_semaphore(%arg7 : memref<!tpu.dma_semaphore, #tpu.memory_space<semaphore_mem>>)
    %get3A_348 = arith.constant 16 : index
    %get3A_349 = tpu.vector_load %arg5[%get3A_348] {strides = array<i32>} : memref<64xi32, #tpu.memory_space<vmem>>, vector<16xi32>,
    %eq3A_350 = arith.constant 0 : i32
    %eq3A_351 = vector.broadcast %eq3A_350 : i32 to vector<16xi32>
    %eq3A_352 = arith.cmpi eq, %iota3A, %eq3A_351 : vector<16xi32>
    %jit3A_353 = arith.constant 0 : i32
    %broadcast_in_dim3A_354 = vector.broadcast %jit3A_353 : i32 to vector<16xi32>
    %select_n3A_355 = arith.select %eq3A_352, %get3A_349, %broadcast_in_dim3A_354 : vector<16xi1>, vector<16xi32>
    %reduce_sum3A_356 = arith.constant true
    %reduce_sum3A_357 = vector.broadcast %reduce_sum3A_356 : i1 to vector<16xi1>
    %reduce_sum3A_358 = tpu.scan <sum>, %select_n3A_355 masked %reduce_sum3A_357 : vector<16xi32>, vector<16xi1> -> vector<16xi32>
    %reduce_sum3A_359 = vector.extract %reduce_sum3A_358[15] : i32 from vector<16xi32>
    %dma_start3A_360 = arith.constant 16 : i32
    %dma_start3A_361 = arith.constant 0 : i32
    %dma_start3A_362 = tpu.memref_slice %arg6[%dma_start3A_360, %dma_start3A_361] : memref<64x100xf32, #tpu.memory_space<vmem>> -> memref<1x100xf32, #tpu.memory_space<vmem>>
    %dma_start3A_363 = arith.constant 0 : i32
    %dma_start3A_364 = tpu.memref_slice %arg3[%reduce_sum3A_359, %dma_start3A_363] : memref<100000x100xf32, #tpu.memory_space<hbm>> -> memref<1x100xf32, #tpu.memory_space<hbm>>
    %dma_start3A_365 = arith.constant 16 : i32
    %dma_start3A_366 = arith.constant 0 : i32
    %dma_start3A_367 = tpu.memref_slice %arg6[%dma_start3A_365, %dma_start3A_366] : memref<64x100xf32, #tpu.memory_space<vmem>> -> memref<1x100xf32, #tpu.memory_space<vmem>>
    %dma_start3A_368 = arith.constant 0 : i32
    %dma_start3A_369 = tpu.memref_slice %arg3[%reduce_sum3A_359, %dma_start3A_368] : memref<100000x100xf32, #tpu.memory_space<hbm>> -> memref<1x100xf32, #tpu.memory_space<hbm>>
    tpu.enqueue_dma source(%dma_start3A_369 : memref<1x100xf32, #tpu.memory_space<hbm>>) target(%dma_start3A_367 : memref<1x100xf32, #tpu.memory_space<vmem>>) target_semaphore(%arg7 : memref<!tpu.dma_semaphore, #tpu.memory_space<semaphore_mem>>)
    %get3A_370 = arith.constant 16 : index
    %get3A_371 = tpu.vector_load %arg5[%get3A_370] {strides = array<i32>} : memref<64xi32, #tpu.memory_space<vmem>>, vector<16xi32>,
    %eq3A_372 = arith.constant 1 : i32
    %eq3A_373 = vector.broadcast %eq3A_372 : i32 to vector<16xi32>
    %eq3A_374 = arith.cmpi eq, %iota3A, %eq3A_373 : vector<16xi32>
    %jit3A_375 = arith.constant 0 : i32
    %broadcast_in_dim3A_376 = vector.broadcast %jit3A_375 : i32 to vector<16xi32>
    %select_n3A_377 = arith.select %eq3A_374, %get3A_371, %broadcast_in_dim3A_376 : vector<16xi1>, vector<16xi32>
    %reduce_sum3A_378 = arith.constant true
    %reduce_sum3A_379 = vector.broadcast %reduce_sum3A_378 : i1 to vector<16xi1>
    %reduce_sum3A_380 = tpu.scan <sum>, %select_n3A_377 masked %reduce_sum3A_379 : vector<16xi32>, vector<16xi1> -> vector<16xi32>
    %reduce_sum3A_381 = vector.extract %reduce_sum3A_380[15] : i32 from vector<16xi32>
    %dma_start3A_382 = arith.constant 17 : i32
    %dma_start3A_383 = arith.constant 0 : i32
    %dma_start3A_384 = tpu.memref_slice %arg6[%dma_start3A_382, %dma_start3A_383] : memref<64x100xf32, #tpu.memory_space<vmem>> -> memref<1x100xf32, #tpu.memory_space<vmem>>
    %dma_start3A_385 = arith.constant 0 : i32
    %dma_start3A_386 = tpu.memref_slice %arg3[%reduce_sum3A_381, %dma_start3A_385] : memref<100000x100xf32, #tpu.memory_space<hbm>> -> memref<1x100xf32, #tpu.memory_space<hbm>>
    %dma_start3A_387 = arith.constant 17 : i32
    %dma_start3A_388 = arith.constant 0 : i32
    %dma_start3A_389 = tpu.memref_slice %arg6[%dma_start3A_387, %dma_start3A_388] : memref<64x100xf32, #tpu.memory_space<vmem>> -> memref<1x100xf32, #tpu.memory_space<vmem>>
    %dma_start3A_390 = arith.constant 0 : i32
    %dma_start3A_391 = tpu.memref_slice %arg3[%reduce_sum3A_381, %dma_start3A_390] : memref<100000x100xf32, #tpu.memory_space<hbm>> -> memref<1x100xf32, #tpu.memory_space<hbm>>
    tpu.enqueue_dma source(%dma_start3A_391 : memref<1x100xf32, #tpu.memory_space<hbm>>) target(%dma_start3A_389 : memref<1x100xf32, #tpu.memory_space<vmem>>) target_semaphore(%arg7 : memref<!tpu.dma_semaphore, #tpu.memory_space<semaphore_mem>>)
    %get3A_392 = arith.constant 16 : index
    %get3A_393 = tpu.vector_load %arg5[%get3A_392] {strides = array<i32>} : memref<64xi32, #tpu.memory_space<vmem>>, vector<16xi32>,
    %eq3A_394 = arith.constant 2 : i32
    %eq3A_395 = vector.broadcast %eq3A_394 : i32 to vector<16xi32>
    %eq3A_396 = arith.cmpi eq, %iota3A, %eq3A_395 : vector<16xi32>
    %jit3A_397 = arith.constant 0 : i32
    %broadcast_in_dim3A_398 = vector.broadcast %jit3A_397 : i32 to vector<16xi32>
    %select_n3A_399 = arith.select %eq3A_396, %get3A_393, %broadcast_in_dim3A_398 : vector<16xi1>, vector<16xi32>
    %reduce_sum3A_400 = arith.constant true
    %reduce_sum3A_401 = vector.broadcast %reduce_sum3A_400 : i1 to vector<16xi1>
    %reduce_sum3A_402 = tpu.scan <sum>, %select_n3A_399 masked %reduce_sum3A_401 : vector<16xi32>, vector<16xi1> -> vector<16xi32>
    %reduce_sum3A_403 = vector.extract %reduce_sum3A_402[15] : i32 from vector<16xi32>
    %dma_start3A_404 = arith.constant 18 : i32
    %dma_start3A_405 = arith.constant 0 : i32
    %dma_start3A_406 = tpu.memref_slice %arg6[%dma_start3A_404, %dma_start3A_405] : memref<64x100xf32, #tpu.memory_space<vmem>> -> memref<1x100xf32, #tpu.memory_space<vmem>>
    %dma_start3A_407 = arith.constant 0 : i32
    %dma_start3A_408 = tpu.memref_slice %arg3[%reduce_sum3A_403, %dma_start3A_407] : memref<100000x100xf32, #tpu.memory_space<hbm>> -> memref<1x100xf32, #tpu.memory_space<hbm>>
    %dma_start3A_409 = arith.constant 18 : i32
    %dma_start3A_410 = arith.constant 0 : i32
    %dma_start3A_411 = tpu.memref_slice %arg6[%dma_start3A_409, %dma_start3A_410] : memref<64x100xf32, #tpu.memory_space<vmem>> -> memref<1x100xf32, #tpu.memory_space<vmem>>
    %dma_start3A_412 = arith.constant 0 : i32
    %dma_start3A_413 = tpu.memref_slice %arg3[%reduce_sum3A_403, %dma_start3A_412] : memref<100000x100xf32, #tpu.memory_space<hbm>> -> memref<1x100xf32, #tpu.memory_space<hbm>>
    tpu.enqueue_dma source(%dma_start3A_413 : memref<1x100xf32, #tpu.memory_space<hbm>>) target(%dma_start3A_411 : memref<1x100xf32, #tpu.memory_space<vmem>>) target_semaphore(%arg7 : memref<!tpu.dma_semaphore, #tpu.memory_space<semaphore_mem>>)
    %get3A_414 = arith.constant 16 : index
    %get3A_415 = tpu.vector_load %arg5[%get3A_414] {strides = array<i32>} : memref<64xi32, #tpu.memory_space<vmem>>, vector<16xi32>,
    %eq3A_416 = arith.constant 3 : i32
    %eq3A_417 = vector.broadcast %eq3A_416 : i32 to vector<16xi32>
    %eq3A_418 = arith.cmpi eq, %iota3A, %eq3A_417 : vector<16xi32>
    %jit3A_419 = arith.constant 0 : i32
    %broadcast_in_dim3A_420 = vector.broadcast %jit3A_419 : i32 to vector<16xi32>
    %select_n3A_421 = arith.select %eq3A_418, %get3A_415, %broadcast_in_dim3A_420 : vector<16xi1>, vector<16xi32>
    %reduce_sum3A_422 = arith.constant true
    %reduce_sum3A_423 = vector.broadcast %reduce_sum3A_422 : i1 to vector<16xi1>
    %reduce_sum3A_424 = tpu.scan <sum>, %select_n3A_421 masked %reduce_sum3A_423 : vector<16xi32>, vector<16xi1> -> vector<16xi32>
    %reduce_sum3A_425 = vector.extract %reduce_sum3A_424[15] : i32 from vector<16xi32>
    %dma_start3A_426 = arith.constant 19 : i32
    %dma_start3A_427 = arith.constant 0 : i32
    %dma_start3A_428 = tpu.memref_slice %arg6[%dma_start3A_426, %dma_start3A_427] : memref<64x100xf32, #tpu.memory_space<vmem>> -> memref<1x100xf32, #tpu.memory_space<vmem>>
    %dma_start3A_429 = arith.constant 0 : i32
    %dma_start3A_430 = tpu.memref_slice %arg3[%reduce_sum3A_425, %dma_start3A_429] : memref<100000x100xf32, #tpu.memory_space<hbm>> -> memref<1x100xf32, #tpu.memory_space<hbm>>
    %dma_start3A_431 = arith.constant 19 : i32
    %dma_start3A_432 = arith.constant 0 : i32
    %dma_start3A_433 = tpu.memref_slice %arg6[%dma_start3A_431, %dma_start3A_432] : memref<64x100xf32, #tpu.memory_space<vmem>> -> memref<1x100xf32, #tpu.memory_space<vmem>>
    %dma_start3A_434 = arith.constant 0 : i32
    %dma_start3A_435 = tpu.memref_slice %arg3[%reduce_sum3A_425, %dma_start3A_434] : memref<100000x100xf32, #tpu.memory_space<hbm>> -> memref<1x100xf32, #tpu.memory_space<hbm>>
    tpu.enqueue_dma source(%dma_start3A_435 : memref<1x100xf32, #tpu.memory_space<hbm>>) target(%dma_start3A_433 : memref<1x100xf32, #tpu.memory_space<vmem>>) target_semaphore(%arg7 : memref<!tpu.dma_semaphore, #tpu.memory_space<semaphore_mem>>)
    %get3A_436 = arith.constant 16 : index
    %get3A_437 = tpu.vector_load %arg5[%get3A_436] {strides = array<i32>} : memref<64xi32, #tpu.memory_space<vmem>>, vector<16xi32>,
    %eq3A_438 = arith.constant 4 : i32
    %eq3A_439 = vector.broadcast %eq3A_438 : i32 to vector<16xi32>
    %eq3A_440 = arith.cmpi eq, %iota3A, %eq3A_439 : vector<16xi32>
    %jit3A_441 = arith.constant 0 : i32
    %broadcast_in_dim3A_442 = vector.broadcast %jit3A_441 : i32 to vector<16xi32>
    %select_n3A_443 = arith.select %eq3A_440, %get3A_437, %broadcast_in_dim3A_442 : vector<16xi1>, vector<16xi32>
    %reduce_sum3A_444 = arith.constant true
    %reduce_sum3A_445 = vector.broadcast %reduce_sum3A_444 : i1 to vector<16xi1>
    %reduce_sum3A_446 = tpu.scan <sum>, %select_n3A_443 masked %reduce_sum3A_445 : vector<16xi32>, vector<16xi1> -> vector<16xi32>
    %reduce_sum3A_447 = vector.extract %reduce_sum3A_446[15] : i32 from vector<16xi32>
    %dma_start3A_448 = arith.constant 20 : i32
    %dma_start3A_449 = arith.constant 0 : i32
    %dma_start3A_450 = tpu.memref_slice %arg6[%dma_start3A_448, %dma_start3A_449] : memref<64x100xf32, #tpu.memory_space<vmem>> -> memref<1x100xf32, #tpu.memory_space<vmem>>
    %dma_start3A_451 = arith.constant 0 : i32
    %dma_start3A_452 = tpu.memref_slice %arg3[%reduce_sum3A_447, %dma_start3A_451] : memref<100000x100xf32, #tpu.memory_space<hbm>> -> memref<1x100xf32, #tpu.memory_space<hbm>>
    %dma_start3A_453 = arith.constant 20 : i32
    %dma_start3A_454 = arith.constant 0 : i32
    %dma_start3A_455 = tpu.memref_slice %arg6[%dma_start3A_453, %dma_start3A_454] : memref<64x100xf32, #tpu.memory_space<vmem>> -> memref<1x100xf32, #tpu.memory_space<vmem>>
    %dma_start3A_456 = arith.constant 0 : i32
    %dma_start3A_457 = tpu.memref_slice %arg3[%reduce_sum3A_447, %dma_start3A_456] : memref<100000x100xf32, #tpu.memory_space<hbm>> -> memref<1x100xf32, #tpu.memory_space<hbm>>
    tpu.enqueue_dma source(%dma_start3A_457 : memref<1x100xf32, #tpu.memory_space<hbm>>) target(%dma_start3A_455 : memref<1x100xf32, #tpu.memory_space<vmem>>) target_semaphore(%arg7 : memref<!tpu.dma_semaphore, #tpu.memory_space<semaphore_mem>>)
    %get3A_458 = arith.constant 16 : index
    %get3A_459 = tpu.vector_load %arg5[%get3A_458] {strides = array<i32>} : memref<64xi32, #tpu.memory_space<vmem>>, vector<16xi32>,
    %eq3A_460 = arith.constant 5 : i32
    %eq3A_461 = vector.broadcast %eq3A_460 : i32 to vector<16xi32>
    %eq3A_462 = arith.cmpi eq, %iota3A, %eq3A_461 : vector<16xi32>
    %jit3A_463 = arith.constant 0 : i32
    %broadcast_in_dim3A_464 = vector.broadcast %jit3A_463 : i32 to vector<16xi32>
    %select_n3A_465 = arith.select %eq3A_462, %get3A_459, %broadcast_in_dim3A_464 : vector<16xi1>, vector<16xi32>
    %reduce_sum3A_466 = arith.constant true
    %reduce_sum3A_467 = vector.broadcast %reduce_sum3A_466 : i1 to vector<16xi1>
    %reduce_sum3A_468 = tpu.scan <sum>, %select_n3A_465 masked %reduce_sum3A_467 : vector<16xi32>, vector<16xi1> -> vector<16xi32>
    %reduce_sum3A_469 = vector.extract %reduce_sum3A_468[15] : i32 from vector<16xi32>
    %dma_start3A_470 = arith.constant 21 : i32
    %dma_start3A_471 = arith.constant 0 : i32
    %dma_start3A_472 = tpu.memref_slice %arg6[%dma_start3A_470, %dma_start3A_471] : memref<64x100xf32, #tpu.memory_space<vmem>> -> memref<1x100xf32, #tpu.memory_space<vmem>>
    %dma_start3A_473 = arith.constant 0 : i32
    %dma_start3A_474 = tpu.memref_slice %arg3[%reduce_sum3A_469, %dma_start3A_473] : memref<100000x100xf32, #tpu.memory_space<hbm>> -> memref<1x100xf32, #tpu.memory_space<hbm>>
    %dma_start3A_475 = arith.constant 21 : i32
    %dma_start3A_476 = arith.constant 0 : i32
    %dma_start3A_477 = tpu.memref_slice %arg6[%dma_start3A_475, %dma_start3A_476] : memref<64x100xf32, #tpu.memory_space<vmem>> -> memref<1x100xf32, #tpu.memory_space<vmem>>
    %dma_start3A_478 = arith.constant 0 : i32
    %dma_start3A_479 = tpu.memref_slice %arg3[%reduce_sum3A_469, %dma_start3A_478] : memref<100000x100xf32, #tpu.memory_space<hbm>> -> memref<1x100xf32, #tpu.memory_space<hbm>>
    tpu.enqueue_dma source(%dma_start3A_479 : memref<1x100xf32, #tpu.memory_space<hbm>>) target(%dma_start3A_477 : memref<1x100xf32, #tpu.memory_space<vmem>>) target_semaphore(%arg7 : memref<!tpu.dma_semaphore, #tpu.memory_space<semaphore_mem>>)
    %get3A_480 = arith.constant 16 : index
    %get3A_481 = tpu.vector_load %arg5[%get3A_480] {strides = array<i32>} : memref<64xi32, #tpu.memory_space<vmem>>, vector<16xi32>,
    %eq3A_482 = arith.constant 6 : i32
    %eq3A_483 = vector.broadcast %eq3A_482 : i32 to vector<16xi32>
    %eq3A_484 = arith.cmpi eq, %iota3A, %eq3A_483 : vector<16xi32>
    %jit3A_485 = arith.constant 0 : i32
    %broadcast_in_dim3A_486 = vector.broadcast %jit3A_485 : i32 to vector<16xi32>
    %select_n3A_487 = arith.select %eq3A_484, %get3A_481, %broadcast_in_dim3A_486 : vector<16xi1>, vector<16xi32>
    %reduce_sum3A_488 = arith.constant true
    %reduce_sum3A_489 = vector.broadcast %reduce_sum3A_488 : i1 to vector<16xi1>
    %reduce_sum3A_490 = tpu.scan <sum>, %select_n3A_487 masked %reduce_sum3A_489 : vector<16xi32>, vector<16xi1> -> vector<16xi32>
    %reduce_sum3A_491 = vector.extract %reduce_sum3A_490[15] : i32 from vector<16xi32>
    %dma_start3A_492 = arith.constant 22 : i32
    %dma_start3A_493 = arith.constant 0 : i32
    %dma_start3A_494 = tpu.memref_slice %arg6[%dma_start3A_492, %dma_start3A_493] : memref<64x100xf32, #tpu.memory_space<vmem>> -> memref<1x100xf32, #tpu.memory_space<vmem>>
    %dma_start3A_495 = arith.constant 0 : i32
    %dma_start3A_496 = tpu.memref_slice %arg3[%reduce_sum3A_491, %dma_start3A_495] : memref<100000x100xf32, #tpu.memory_space<hbm>> -> memref<1x100xf32, #tpu.memory_space<hbm>>
    %dma_start3A_497 = arith.constant 22 : i32
    %dma_start3A_498 = arith.constant 0 : i32
    %dma_start3A_499 = tpu.memref_slice %arg6[%dma_start3A_497, %dma_start3A_498] : memref<64x100xf32, #tpu.memory_space<vmem>> -> memref<1x100xf32, #tpu.memory_space<vmem>>
    %dma_start3A_500 = arith.constant 0 : i32
    %dma_start3A_501 = tpu.memref_slice %arg3[%reduce_sum3A_491, %dma_start3A_500] : memref<100000x100xf32, #tpu.memory_space<hbm>> -> memref<1x100xf32, #tpu.memory_space<hbm>>
    tpu.enqueue_dma source(%dma_start3A_501 : memref<1x100xf32, #tpu.memory_space<hbm>>) target(%dma_start3A_499 : memref<1x100xf32, #tpu.memory_space<vmem>>) target_semaphore(%arg7 : memref<!tpu.dma_semaphore, #tpu.memory_space<semaphore_mem>>)
    %get3A_502 = arith.constant 16 : index
    %get3A_503 = tpu.vector_load %arg5[%get3A_502] {strides = array<i32>} : memref<64xi32, #tpu.memory_space<vmem>>, vector<16xi32>,
    %eq3A_504 = arith.constant 7 : i32
    %eq3A_505 = vector.broadcast %eq3A_504 : i32 to vector<16xi32>
    %eq3A_506 = arith.cmpi eq, %iota3A, %eq3A_505 : vector<16xi32>
    %jit3A_507 = arith.constant 0 : i32
    %broadcast_in_dim3A_508 = vector.broadcast %jit3A_507 : i32 to vector<16xi32>
    %select_n3A_509 = arith.select %eq3A_506, %get3A_503, %broadcast_in_dim3A_508 : vector<16xi1>, vector<16xi32>
    %reduce_sum3A_510 = arith.constant true
    %reduce_sum3A_511 = vector.broadcast %reduce_sum3A_510 : i1 to vector<16xi1>
    %reduce_sum3A_512 = tpu.scan <sum>, %select_n3A_509 masked %reduce_sum3A_511 : vector<16xi32>, vector<16xi1> -> vector<16xi32>
    %reduce_sum3A_513 = vector.extract %reduce_sum3A_512[15] : i32 from vector<16xi32>
    %dma_start3A_514 = arith.constant 23 : i32
    %dma_start3A_515 = arith.constant 0 : i32
    %dma_start3A_516 = tpu.memref_slice %arg6[%dma_start3A_514, %dma_start3A_515] : memref<64x100xf32, #tpu.memory_space<vmem>> -> memref<1x100xf32, #tpu.memory_space<vmem>>
    %dma_start3A_517 = arith.constant 0 : i32
    %dma_start3A_518 = tpu.memref_slice %arg3[%reduce_sum3A_513, %dma_start3A_517] : memref<100000x100xf32, #tpu.memory_space<hbm>> -> memref<1x100xf32, #tpu.memory_space<hbm>>
    %dma_start3A_519 = arith.constant 23 : i32
    %dma_start3A_520 = arith.constant 0 : i32
    %dma_start3A_521 = tpu.memref_slice %arg6[%dma_start3A_519, %dma_start3A_520] : memref<64x100xf32, #tpu.memory_space<vmem>> -> memref<1x100xf32, #tpu.memory_space<vmem>>
    %dma_start3A_522 = arith.constant 0 : i32
    %dma_start3A_523 = tpu.memref_slice %arg3[%reduce_sum3A_513, %dma_start3A_522] : memref<100000x100xf32, #tpu.memory_space<hbm>> -> memref<1x100xf32, #tpu.memory_space<hbm>>
    tpu.enqueue_dma source(%dma_start3A_523 : memref<1x100xf32, #tpu.memory_space<hbm>>) target(%dma_start3A_521 : memref<1x100xf32, #tpu.memory_space<vmem>>) target_semaphore(%arg7 : memref<!tpu.dma_semaphore, #tpu.memory_space<semaphore_mem>>)
    %get3A_524 = arith.constant 16 : index
    %get3A_525 = tpu.vector_load %arg5[%get3A_524] {strides = array<i32>} : memref<64xi32, #tpu.memory_space<vmem>>, vector<16xi32>,
    %eq3A_526 = arith.constant 8 : i32
    %eq3A_527 = vector.broadcast %eq3A_526 : i32 to vector<16xi32>
    %eq3A_528 = arith.cmpi eq, %iota3A, %eq3A_527 : vector<16xi32>
    %jit3A_529 = arith.constant 0 : i32
    %broadcast_in_dim3A_530 = vector.broadcast %jit3A_529 : i32 to vector<16xi32>
    %select_n3A_531 = arith.select %eq3A_528, %get3A_525, %broadcast_in_dim3A_530 : vector<16xi1>, vector<16xi32>
    %reduce_sum3A_532 = arith.constant true
    %reduce_sum3A_533 = vector.broadcast %reduce_sum3A_532 : i1 to vector<16xi1>
    %reduce_sum3A_534 = tpu.scan <sum>, %select_n3A_531 masked %reduce_sum3A_533 : vector<16xi32>, vector<16xi1> -> vector<16xi32>
    %reduce_sum3A_535 = vector.extract %reduce_sum3A_534[15] : i32 from vector<16xi32>
    %dma_start3A_536 = arith.constant 24 : i32
    %dma_start3A_537 = arith.constant 0 : i32
    %dma_start3A_538 = tpu.memref_slice %arg6[%dma_start3A_536, %dma_start3A_537] : memref<64x100xf32, #tpu.memory_space<vmem>> -> memref<1x100xf32, #tpu.memory_space<vmem>>
    %dma_start3A_539 = arith.constant 0 : i32
    %dma_start3A_540 = tpu.memref_slice %arg3[%reduce_sum3A_535, %dma_start3A_539] : memref<100000x100xf32, #tpu.memory_space<hbm>> -> memref<1x100xf32, #tpu.memory_space<hbm>>
    %dma_start3A_541 = arith.constant 24 : i32
    %dma_start3A_542 = arith.constant 0 : i32
    %dma_start3A_543 = tpu.memref_slice %arg6[%dma_start3A_541, %dma_start3A_542] : memref<64x100xf32, #tpu.memory_space<vmem>> -> memref<1x100xf32, #tpu.memory_space<vmem>>
    %dma_start3A_544 = arith.constant 0 : i32
    %dma_start3A_545 = tpu.memref_slice %arg3[%reduce_sum3A_535, %dma_start3A_544] : memref<100000x100xf32, #tpu.memory_space<hbm>> -> memref<1x100xf32, #tpu.memory_space<hbm>>
    tpu.enqueue_dma source(%dma_start3A_545 : memref<1x100xf32, #tpu.memory_space<hbm>>) target(%dma_start3A_543 : memref<1x100xf32, #tpu.memory_space<vmem>>) target_semaphore(%arg7 : memref<!tpu.dma_semaphore, #tpu.memory_space<semaphore_mem>>)
    %get3A_546 = arith.constant 16 : index
    %get3A_547 = tpu.vector_load %arg5[%get3A_546] {strides = array<i32>} : memref<64xi32, #tpu.memory_space<vmem>>, vector<16xi32>,
    %eq3A_548 = arith.constant 9 : i32
    %eq3A_549 = vector.broadcast %eq3A_548 : i32 to vector<16xi32>
    %eq3A_550 = arith.cmpi eq, %iota3A, %eq3A_549 : vector<16xi32>
    %jit3A_551 = arith.constant 0 : i32
    %broadcast_in_dim3A_552 = vector.broadcast %jit3A_551 : i32 to vector<16xi32>
    %select_n3A_553 = arith.select %eq3A_550, %get3A_547, %broadcast_in_dim3A_552 : vector<16xi1>, vector<16xi32>
    %reduce_sum3A_554 = arith.constant true
    %reduce_sum3A_555 = vector.broadcast %reduce_sum3A_554 : i1 to vector<16xi1>
    %reduce_sum3A_556 = tpu.scan <sum>, %select_n3A_553 masked %reduce_sum3A_555 : vector<16xi32>, vector<16xi1> -> vector<16xi32>
    %reduce_sum3A_557 = vector.extract %reduce_sum3A_556[15] : i32 from vector<16xi32>
    %dma_start3A_558 = arith.constant 25 : i32
    %dma_start3A_559 = arith.constant 0 : i32
    %dma_start3A_560 = tpu.memref_slice %arg6[%dma_start3A_558, %dma_start3A_559] : memref<64x100xf32, #tpu.memory_space<vmem>> -> memref<1x100xf32, #tpu.memory_space<vmem>>
    %dma_start3A_561 = arith.constant 0 : i32
    %dma_start3A_562 = tpu.memref_slice %arg3[%reduce_sum3A_557, %dma_start3A_561] : memref<100000x100xf32, #tpu.memory_space<hbm>> -> memref<1x100xf32, #tpu.memory_space<hbm>>
    %dma_start3A_563 = arith.constant 25 : i32
    %dma_start3A_564 = arith.constant 0 : i32
    %dma_start3A_565 = tpu.memref_slice %arg6[%dma_start3A_563, %dma_start3A_564] : memref<64x100xf32, #tpu.memory_space<vmem>> -> memref<1x100xf32, #tpu.memory_space<vmem>>
    %dma_start3A_566 = arith.constant 0 : i32
    %dma_start3A_567 = tpu.memref_slice %arg3[%reduce_sum3A_557, %dma_start3A_566] : memref<100000x100xf32, #tpu.memory_space<hbm>> -> memref<1x100xf32, #tpu.memory_space<hbm>>
    tpu.enqueue_dma source(%dma_start3A_567 : memref<1x100xf32, #tpu.memory_space<hbm>>) target(%dma_start3A_565 : memref<1x100xf32, #tpu.memory_space<vmem>>) target_semaphore(%arg7 : memref<!tpu.dma_semaphore, #tpu.memory_space<semaphore_mem>>)
    %get3A_568 = arith.constant 16 : index
    %get3A_569 = tpu.vector_load %arg5[%get3A_568] {strides = array<i32>} : memref<64xi32, #tpu.memory_space<vmem>>, vector<16xi32>,
    %eq3A_570 = arith.constant 10 : i32
    %eq3A_571 = vector.broadcast %eq3A_570 : i32 to vector<16xi32>
    %eq3A_572 = arith.cmpi eq, %iota3A, %eq3A_571 : vector<16xi32>
    %jit3A_573 = arith.constant 0 : i32
    %broadcast_in_dim3A_574 = vector.broadcast %jit3A_573 : i32 to vector<16xi32>
    %select_n3A_575 = arith.select %eq3A_572, %get3A_569, %broadcast_in_dim3A_574 : vector<16xi1>, vector<16xi32>
    %reduce_sum3A_576 = arith.constant true
    %reduce_sum3A_577 = vector.broadcast %reduce_sum3A_576 : i1 to vector<16xi1>
    %reduce_sum3A_578 = tpu.scan <sum>, %select_n3A_575 masked %reduce_sum3A_577 : vector<16xi32>, vector<16xi1> -> vector<16xi32>
    %reduce_sum3A_579 = vector.extract %reduce_sum3A_578[15] : i32 from vector<16xi32>
    %dma_start3A_580 = arith.constant 26 : i32
    %dma_start3A_581 = arith.constant 0 : i32
    %dma_start3A_582 = tpu.memref_slice %arg6[%dma_start3A_580, %dma_start3A_581] : memref<64x100xf32, #tpu.memory_space<vmem>> -> memref<1x100xf32, #tpu.memory_space<vmem>>
    %dma_start3A_583 = arith.constant 0 : i32
    %dma_start3A_584 = tpu.memref_slice %arg3[%reduce_sum3A_579, %dma_start3A_583] : memref<100000x100xf32, #tpu.memory_space<hbm>> -> memref<1x100xf32, #tpu.memory_space<hbm>>
    %dma_start3A_585 = arith.constant 26 : i32
    %dma_start3A_586 = arith.constant 0 : i32
    %dma_start3A_587 = tpu.memref_slice %arg6[%dma_start3A_585, %dma_start3A_586] : memref<64x100xf32, #tpu.memory_space<vmem>> -> memref<1x100xf32, #tpu.memory_space<vmem>>
    %dma_start3A_588 = arith.constant 0 : i32
    %dma_start3A_589 = tpu.memref_slice %arg3[%reduce_sum3A_579, %dma_start3A_588] : memref<100000x100xf32, #tpu.memory_space<hbm>> -> memref<1x100xf32, #tpu.memory_space<hbm>>
    tpu.enqueue_dma source(%dma_start3A_589 : memref<1x100xf32, #tpu.memory_space<hbm>>) target(%dma_start3A_587 : memref<1x100xf32, #tpu.memory_space<vmem>>) target_semaphore(%arg7 : memref<!tpu.dma_semaphore, #tpu.memory_space<semaphore_mem>>)
    %get3A_590 = arith.constant 16 : index
    %get3A_591 = tpu.vector_load %arg5[%get3A_590] {strides = array<i32>} : memref<64xi32, #tpu.memory_space<vmem>>, vector<16xi32>,
    %eq3A_592 = arith.constant 11 : i32
    %eq3A_593 = vector.broadcast %eq3A_592 : i32 to vector<16xi32>
    %eq3A_594 = arith.cmpi eq, %iota3A, %eq3A_593 : vector<16xi32>
    %jit3A_595 = arith.constant 0 : i32
    %broadcast_in_dim3A_596 = vector.broadcast %jit3A_595 : i32 to vector<16xi32>
    %select_n3A_597 = arith.select %eq3A_594, %get3A_591, %broadcast_in_dim3A_596 : vector<16xi1>, vector<16xi32>
    %reduce_sum3A_598 = arith.constant true
    %reduce_sum3A_599 = vector.broadcast %reduce_sum3A_598 : i1 to vector<16xi1>
    %reduce_sum3A_600 = tpu.scan <sum>, %select_n3A_597 masked %reduce_sum3A_599 : vector<16xi32>, vector<16xi1> -> vector<16xi32>
    %reduce_sum3A_601 = vector.extract %reduce_sum3A_600[15] : i32 from vector<16xi32>
    %dma_start3A_602 = arith.constant 27 : i32
    %dma_start3A_603 = arith.constant 0 : i32
    %dma_start3A_604 = tpu.memref_slice %arg6[%dma_start3A_602, %dma_start3A_603] : memref<64x100xf32, #tpu.memory_space<vmem>> -> memref<1x100xf32, #tpu.memory_space<vmem>>
    %dma_start3A_605 = arith.constant 0 : i32
    %dma_start3A_606 = tpu.memref_slice %arg3[%reduce_sum3A_601, %dma_start3A_605] : memref<100000x100xf32, #tpu.memory_space<hbm>> -> memref<1x100xf32, #tpu.memory_space<hbm>>
    %dma_start3A_607 = arith.constant 27 : i32
    %dma_start3A_608 = arith.constant 0 : i32
    %dma_start3A_609 = tpu.memref_slice %arg6[%dma_start3A_607, %dma_start3A_608] : memref<64x100xf32, #tpu.memory_space<vmem>> -> memref<1x100xf32, #tpu.memory_space<vmem>>
    %dma_start3A_610 = arith.constant 0 : i32
    %dma_start3A_611 = tpu.memref_slice %arg3[%reduce_sum3A_601, %dma_start3A_610] : memref<100000x100xf32, #tpu.memory_space<hbm>> -> memref<1x100xf32, #tpu.memory_space<hbm>>
    tpu.enqueue_dma source(%dma_start3A_611 : memref<1x100xf32, #tpu.memory_space<hbm>>) target(%dma_start3A_609 : memref<1x100xf32, #tpu.memory_space<vmem>>) target_semaphore(%arg7 : memref<!tpu.dma_semaphore, #tpu.memory_space<semaphore_mem>>)
    %get3A_612 = arith.constant 16 : index
    %get3A_613 = tpu.vector_load %arg5[%get3A_612] {strides = array<i32>} : memref<64xi32, #tpu.memory_space<vmem>>, vector<16xi32>,
    %eq3A_614 = arith.constant 12 : i32
    %eq3A_615 = vector.broadcast %eq3A_614 : i32 to vector<16xi32>
    %eq3A_616 = arith.cmpi eq, %iota3A, %eq3A_615 : vector<16xi32>
    %jit3A_617 = arith.constant 0 : i32
    %broadcast_in_dim3A_618 = vector.broadcast %jit3A_617 : i32 to vector<16xi32>
    %select_n3A_619 = arith.select %eq3A_616, %get3A_613, %broadcast_in_dim3A_618 : vector<16xi1>, vector<16xi32>
    %reduce_sum3A_620 = arith.constant true
    %reduce_sum3A_621 = vector.broadcast %reduce_sum3A_620 : i1 to vector<16xi1>
    %reduce_sum3A_622 = tpu.scan <sum>, %select_n3A_619 masked %reduce_sum3A_621 : vector<16xi32>, vector<16xi1> -> vector<16xi32>
    %reduce_sum3A_623 = vector.extract %reduce_sum3A_622[15] : i32 from vector<16xi32>
    %dma_start3A_624 = arith.constant 28 : i32
    %dma_start3A_625 = arith.constant 0 : i32
    %dma_start3A_626 = tpu.memref_slice %arg6[%dma_start3A_624, %dma_start3A_625] : memref<64x100xf32, #tpu.memory_space<vmem>> -> memref<1x100xf32, #tpu.memory_space<vmem>>
    %dma_start3A_627 = arith.constant 0 : i32
    %dma_start3A_628 = tpu.memref_slice %arg3[%reduce_sum3A_623, %dma_start3A_627] : memref<100000x100xf32, #tpu.memory_space<hbm>> -> memref<1x100xf32, #tpu.memory_space<hbm>>
    %dma_start3A_629 = arith.constant 28 : i32
    %dma_start3A_630 = arith.constant 0 : i32
    %dma_start3A_631 = tpu.memref_slice %arg6[%dma_start3A_629, %dma_start3A_630] : memref<64x100xf32, #tpu.memory_space<vmem>> -> memref<1x100xf32, #tpu.memory_space<vmem>>
    %dma_start3A_632 = arith.constant 0 : i32
    %dma_start3A_633 = tpu.memref_slice %arg3[%reduce_sum3A_623, %dma_start3A_632] : memref<100000x100xf32, #tpu.memory_space<hbm>> -> memref<1x100xf32, #tpu.memory_space<hbm>>
    tpu.enqueue_dma source(%dma_start3A_633 : memref<1x100xf32, #tpu.memory_space<hbm>>) target(%dma_start3A_631 : memref<1x100xf32, #tpu.memory_space<vmem>>) target_semaphore(%arg7 : memref<!tpu.dma_semaphore, #tpu.memory_space<semaphore_mem>>)
    %get3A_634 = arith.constant 16 : index
    %get3A_635 = tpu.vector_load %arg5[%get3A_634] {strides = array<i32>} : memref<64xi32, #tpu.memory_space<vmem>>, vector<16xi32>,
    %eq3A_636 = arith.constant 13 : i32
    %eq3A_637 = vector.broadcast %eq3A_636 : i32 to vector<16xi32>
    %eq3A_638 = arith.cmpi eq, %iota3A, %eq3A_637 : vector<16xi32>
    %jit3A_639 = arith.constant 0 : i32
    %broadcast_in_dim3A_640 = vector.broadcast %jit3A_639 : i32 to vector<16xi32>
    %select_n3A_641 = arith.select %eq3A_638, %get3A_635, %broadcast_in_dim3A_640 : vector<16xi1>, vector<16xi32>
    %reduce_sum3A_642 = arith.constant true
    %reduce_sum3A_643 = vector.broadcast %reduce_sum3A_642 : i1 to vector<16xi1>
    %reduce_sum3A_644 = tpu.scan <sum>, %select_n3A_641 masked %reduce_sum3A_643 : vector<16xi32>, vector<16xi1> -> vector<16xi32>
    %reduce_sum3A_645 = vector.extract %reduce_sum3A_644[15] : i32 from vector<16xi32>
    %dma_start3A_646 = arith.constant 29 : i32
    %dma_start3A_647 = arith.constant 0 : i32
    %dma_start3A_648 = tpu.memref_slice %arg6[%dma_start3A_646, %dma_start3A_647] : memref<64x100xf32, #tpu.memory_space<vmem>> -> memref<1x100xf32, #tpu.memory_space<vmem>>
    %dma_start3A_649 = arith.constant 0 : i32
    %dma_start3A_650 = tpu.memref_slice %arg3[%reduce_sum3A_645, %dma_start3A_649] : memref<100000x100xf32, #tpu.memory_space<hbm>> -> memref<1x100xf32, #tpu.memory_space<hbm>>
    %dma_start3A_651 = arith.constant 29 : i32
    %dma_start3A_652 = arith.constant 0 : i32
    %dma_start3A_653 = tpu.memref_slice %arg6[%dma_start3A_651, %dma_start3A_652] : memref<64x100xf32, #tpu.memory_space<vmem>> -> memref<1x100xf32, #tpu.memory_space<vmem>>
    %dma_start3A_654 = arith.constant 0 : i32
    %dma_start3A_655 = tpu.memref_slice %arg3[%reduce_sum3A_645, %dma_start3A_654] : memref<100000x100xf32, #tpu.memory_space<hbm>> -> memref<1x100xf32, #tpu.memory_space<hbm>>
    tpu.enqueue_dma source(%dma_start3A_655 : memref<1x100xf32, #tpu.memory_space<hbm>>) target(%dma_start3A_653 : memref<1x100xf32, #tpu.memory_space<vmem>>) target_semaphore(%arg7 : memref<!tpu.dma_semaphore, #tpu.memory_space<semaphore_mem>>)
    %get3A_656 = arith.constant 16 : index
    %get3A_657 = tpu.vector_load %arg5[%get3A_656] {strides = array<i32>} : memref<64xi32, #tpu.memory_space<vmem>>, vector<16xi32>,
    %eq3A_658 = arith.constant 14 : i32
    %eq3A_659 = vector.broadcast %eq3A_658 : i32 to vector<16xi32>
    %eq3A_660 = arith.cmpi eq, %iota3A, %eq3A_659 : vector<16xi32>
    %jit3A_661 = arith.constant 0 : i32
    %broadcast_in_dim3A_662 = vector.broadcast %jit3A_661 : i32 to vector<16xi32>
    %select_n3A_663 = arith.select %eq3A_660, %get3A_657, %broadcast_in_dim3A_662 : vector<16xi1>, vector<16xi32>
    %reduce_sum3A_664 = arith.constant true
    %reduce_sum3A_665 = vector.broadcast %reduce_sum3A_664 : i1 to vector<16xi1>
    %reduce_sum3A_666 = tpu.scan <sum>, %select_n3A_663 masked %reduce_sum3A_665 : vector<16xi32>, vector<16xi1> -> vector<16xi32>
    %reduce_sum3A_667 = vector.extract %reduce_sum3A_666[15] : i32 from vector<16xi32>
    %dma_start3A_668 = arith.constant 30 : i32
    %dma_start3A_669 = arith.constant 0 : i32
    %dma_start3A_670 = tpu.memref_slice %arg6[%dma_start3A_668, %dma_start3A_669] : memref<64x100xf32, #tpu.memory_space<vmem>> -> memref<1x100xf32, #tpu.memory_space<vmem>>
    %dma_start3A_671 = arith.constant 0 : i32
    %dma_start3A_672 = tpu.memref_slice %arg3[%reduce_sum3A_667, %dma_start3A_671] : memref<100000x100xf32, #tpu.memory_space<hbm>> -> memref<1x100xf32, #tpu.memory_space<hbm>>
    %dma_start3A_673 = arith.constant 30 : i32
    %dma_start3A_674 = arith.constant 0 : i32
    %dma_start3A_675 = tpu.memref_slice %arg6[%dma_start3A_673, %dma_start3A_674] : memref<64x100xf32, #tpu.memory_space<vmem>> -> memref<1x100xf32, #tpu.memory_space<vmem>>
    %dma_start3A_676 = arith.constant 0 : i32
    %dma_start3A_677 = tpu.memref_slice %arg3[%reduce_sum3A_667, %dma_start3A_676] : memref<100000x100xf32, #tpu.memory_space<hbm>> -> memref<1x100xf32, #tpu.memory_space<hbm>>
    tpu.enqueue_dma source(%dma_start3A_677 : memref<1x100xf32, #tpu.memory_space<hbm>>) target(%dma_start3A_675 : memref<1x100xf32, #tpu.memory_space<vmem>>) target_semaphore(%arg7 : memref<!tpu.dma_semaphore, #tpu.memory_space<semaphore_mem>>)
    %get3A_678 = arith.constant 16 : index
    %get3A_679 = tpu.vector_load %arg5[%get3A_678] {strides = array<i32>} : memref<64xi32, #tpu.memory_space<vmem>>, vector<16xi32>,
    %eq3A_680 = arith.constant 15 : i32
    %eq3A_681 = vector.broadcast %eq3A_680 : i32 to vector<16xi32>
    %eq3A_682 = arith.cmpi eq, %iota3A, %eq3A_681 : vector<16xi32>
    %jit3A_683 = arith.constant 0 : i32
    %broadcast_in_dim3A_684 = vector.broadcast %jit3A_683 : i32 to vector<16xi32>
    %select_n3A_685 = arith.select %eq3A_682, %get3A_679, %broadcast_in_dim3A_684 : vector<16xi1>, vector<16xi32>
    %reduce_sum3A_686 = arith.constant true
    %reduce_sum3A_687 = vector.broadcast %reduce_sum3A_686 : i1 to vector<16xi1>
    %reduce_sum3A_688 = tpu.scan <sum>, %select_n3A_685 masked %reduce_sum3A_687 : vector<16xi32>, vector<16xi1> -> vector<16xi32>
    %reduce_sum3A_689 = vector.extract %reduce_sum3A_688[15] : i32 from vector<16xi32>
    %dma_start3A_690 = arith.constant 31 : i32
    %dma_start3A_691 = arith.constant 0 : i32
    %dma_start3A_692 = tpu.memref_slice %arg6[%dma_start3A_690, %dma_start3A_691] : memref<64x100xf32, #tpu.memory_space<vmem>> -> memref<1x100xf32, #tpu.memory_space<vmem>>
    %dma_start3A_693 = arith.constant 0 : i32
    %dma_start3A_694 = tpu.memref_slice %arg3[%reduce_sum3A_689, %dma_start3A_693] : memref<100000x100xf32, #tpu.memory_space<hbm>> -> memref<1x100xf32, #tpu.memory_space<hbm>>
    %dma_start3A_695 = arith.constant 31 : i32
    %dma_start3A_696 = arith.constant 0 : i32
    %dma_start3A_697 = tpu.memref_slice %arg6[%dma_start3A_695, %dma_start3A_696] : memref<64x100xf32, #tpu.memory_space<vmem>> -> memref<1x100xf32, #tpu.memory_space<vmem>>
    %dma_start3A_698 = arith.constant 0 : i32
    %dma_start3A_699 = tpu.memref_slice %arg3[%reduce_sum3A_689, %dma_start3A_698] : memref<100000x100xf32, #tpu.memory_space<hbm>> -> memref<1x100xf32, #tpu.memory_space<hbm>>
    tpu.enqueue_dma source(%dma_start3A_699 : memref<1x100xf32, #tpu.memory_space<hbm>>) target(%dma_start3A_697 : memref<1x100xf32, #tpu.memory_space<vmem>>) target_semaphore(%arg7 : memref<!tpu.dma_semaphore, #tpu.memory_space<semaphore_mem>>)
    %get3A_700 = arith.constant 32 : index
    %get3A_701 = tpu.vector_load %arg5[%get3A_700] {strides = array<i32>} : memref<64xi32, #tpu.memory_space<vmem>>, vector<16xi32>,
    %eq3A_702 = arith.constant 0 : i32
    %eq3A_703 = vector.broadcast %eq3A_702 : i32 to vector<16xi32>
    %eq3A_704 = arith.cmpi eq, %iota3A, %eq3A_703 : vector<16xi32>
    %jit3A_705 = arith.constant 0 : i32
    %broadcast_in_dim3A_706 = vector.broadcast %jit3A_705 : i32 to vector<16xi32>
    %select_n3A_707 = arith.select %eq3A_704, %get3A_701, %broadcast_in_dim3A_706 : vector<16xi1>, vector<16xi32>
    %reduce_sum3A_708 = arith.constant true
    %reduce_sum3A_709 = vector.broadcast %reduce_sum3A_708 : i1 to vector<16xi1>
    %reduce_sum3A_710 = tpu.scan <sum>, %select_n3A_707 masked %reduce_sum3A_709 : vector<16xi32>, vector<16xi1> -> vector<16xi32>
    %reduce_sum3A_711 = vector.extract %reduce_sum3A_710[15] : i32 from vector<16xi32>
    %dma_start3A_712 = arith.constant 32 : i32
    %dma_start3A_713 = arith.constant 0 : i32
    %dma_start3A_714 = tpu.memref_slice %arg6[%dma_start3A_712, %dma_start3A_713] : memref<64x100xf32, #tpu.memory_space<vmem>> -> memref<1x100xf32, #tpu.memory_space<vmem>>
    %dma_start3A_715 = arith.constant 0 : i32
    %dma_start3A_716 = tpu.memref_slice %arg3[%reduce_sum3A_711, %dma_start3A_715] : memref<100000x100xf32, #tpu.memory_space<hbm>> -> memref<1x100xf32, #tpu.memory_space<hbm>>
    %dma_start3A_717 = arith.constant 32 : i32
    %dma_start3A_718 = arith.constant 0 : i32
    %dma_start3A_719 = tpu.memref_slice %arg6[%dma_start3A_717, %dma_start3A_718] : memref<64x100xf32, #tpu.memory_space<vmem>> -> memref<1x100xf32, #tpu.memory_space<vmem>>
    %dma_start3A_720 = arith.constant 0 : i32
    %dma_start3A_721 = tpu.memref_slice %arg3[%reduce_sum3A_711, %dma_start3A_720] : memref<100000x100xf32, #tpu.memory_space<hbm>> -> memref<1x100xf32, #tpu.memory_space<hbm>>
    tpu.enqueue_dma source(%dma_start3A_721 : memref<1x100xf32, #tpu.memory_space<hbm>>) target(%dma_start3A_719 : memref<1x100xf32, #tpu.memory_space<vmem>>) target_semaphore(%arg7 : memref<!tpu.dma_semaphore, #tpu.memory_space<semaphore_mem>>)
    %get3A_722 = arith.constant 32 : index
    %get3A_723 = tpu.vector_load %arg5[%get3A_722] {strides = array<i32>} : memref<64xi32, #tpu.memory_space<vmem>>, vector<16xi32>,
    %eq3A_724 = arith.constant 1 : i32
    %eq3A_725 = vector.broadcast %eq3A_724 : i32 to vector<16xi32>
    %eq3A_726 = arith.cmpi eq, %iota3A, %eq3A_725 : vector<16xi32>
    %jit3A_727 = arith.constant 0 : i32
    %broadcast_in_dim3A_728 = vector.broadcast %jit3A_727 : i32 to vector<16xi32>
    %select_n3A_729 = arith.select %eq3A_726, %get3A_723, %broadcast_in_dim3A_728 : vector<16xi1>, vector<16xi32>
    %reduce_sum3A_730 = arith.constant true
    %reduce_sum3A_731 = vector.broadcast %reduce_sum3A_730 : i1 to vector<16xi1>
    %reduce_sum3A_732 = tpu.scan <sum>, %select_n3A_729 masked %reduce_sum3A_731 : vector<16xi32>, vector<16xi1> -> vector<16xi32>
    %reduce_sum3A_733 = vector.extract %reduce_sum3A_732[15] : i32 from vector<16xi32>
    %dma_start3A_734 = arith.constant 33 : i32
    %dma_start3A_735 = arith.constant 0 : i32
    %dma_start3A_736 = tpu.memref_slice %arg6[%dma_start3A_734, %dma_start3A_735] : memref<64x100xf32, #tpu.memory_space<vmem>> -> memref<1x100xf32, #tpu.memory_space<vmem>>
    %dma_start3A_737 = arith.constant 0 : i32
    %dma_start3A_738 = tpu.memref_slice %arg3[%reduce_sum3A_733, %dma_start3A_737] : memref<100000x100xf32, #tpu.memory_space<hbm>> -> memref<1x100xf32, #tpu.memory_space<hbm>>
    %dma_start3A_739 = arith.constant 33 : i32
    %dma_start3A_740 = arith.constant 0 : i32
    %dma_start3A_741 = tpu.memref_slice %arg6[%dma_start3A_739, %dma_start3A_740] : memref<64x100xf32, #tpu.memory_space<vmem>> -> memref<1x100xf32, #tpu.memory_space<vmem>>
    %dma_start3A_742 = arith.constant 0 : i32
    %dma_start3A_743 = tpu.memref_slice %arg3[%reduce_sum3A_733, %dma_start3A_742] : memref<100000x100xf32, #tpu.memory_space<hbm>> -> memref<1x100xf32, #tpu.memory_space<hbm>>
    tpu.enqueue_dma source(%dma_start3A_743 : memref<1x100xf32, #tpu.memory_space<hbm>>) target(%dma_start3A_741 : memref<1x100xf32, #tpu.memory_space<vmem>>) target_semaphore(%arg7 : memref<!tpu.dma_semaphore, #tpu.memory_space<semaphore_mem>>)
    %get3A_744 = arith.constant 32 : index
    %get3A_745 = tpu.vector_load %arg5[%get3A_744] {strides = array<i32>} : memref<64xi32, #tpu.memory_space<vmem>>, vector<16xi32>,
    %eq3A_746 = arith.constant 2 : i32
    %eq3A_747 = vector.broadcast %eq3A_746 : i32 to vector<16xi32>
    %eq3A_748 = arith.cmpi eq, %iota3A, %eq3A_747 : vector<16xi32>
    %jit3A_749 = arith.constant 0 : i32
    %broadcast_in_dim3A_750 = vector.broadcast %jit3A_749 : i32 to vector<16xi32>
    %select_n3A_751 = arith.select %eq3A_748, %get3A_745, %broadcast_in_dim3A_750 : vector<16xi1>, vector<16xi32>
    %reduce_sum3A_752 = arith.constant true
    %reduce_sum3A_753 = vector.broadcast %reduce_sum3A_752 : i1 to vector<16xi1>
    %reduce_sum3A_754 = tpu.scan <sum>, %select_n3A_751 masked %reduce_sum3A_753 : vector<16xi32>, vector<16xi1> -> vector<16xi32>
    %reduce_sum3A_755 = vector.extract %reduce_sum3A_754[15] : i32 from vector<16xi32>
    %dma_start3A_756 = arith.constant 34 : i32
    %dma_start3A_757 = arith.constant 0 : i32
    %dma_start3A_758 = tpu.memref_slice %arg6[%dma_start3A_756, %dma_start3A_757] : memref<64x100xf32, #tpu.memory_space<vmem>> -> memref<1x100xf32, #tpu.memory_space<vmem>>
    %dma_start3A_759 = arith.constant 0 : i32
    %dma_start3A_760 = tpu.memref_slice %arg3[%reduce_sum3A_755, %dma_start3A_759] : memref<100000x100xf32, #tpu.memory_space<hbm>> -> memref<1x100xf32, #tpu.memory_space<hbm>>
    %dma_start3A_761 = arith.constant 34 : i32
    %dma_start3A_762 = arith.constant 0 : i32
    %dma_start3A_763 = tpu.memref_slice %arg6[%dma_start3A_761, %dma_start3A_762] : memref<64x100xf32, #tpu.memory_space<vmem>> -> memref<1x100xf32, #tpu.memory_space<vmem>>
    %dma_start3A_764 = arith.constant 0 : i32
    %dma_start3A_765 = tpu.memref_slice %arg3[%reduce_sum3A_755, %dma_start3A_764] : memref<100000x100xf32, #tpu.memory_space<hbm>> -> memref<1x100xf32, #tpu.memory_space<hbm>>
    tpu.enqueue_dma source(%dma_start3A_765 : memref<1x100xf32, #tpu.memory_space<hbm>>) target(%dma_start3A_763 : memref<1x100xf32, #tpu.memory_space<vmem>>) target_semaphore(%arg7 : memref<!tpu.dma_semaphore, #tpu.memory_space<semaphore_mem>>)
    %get3A_766 = arith.constant 32 : index
    %get3A_767 = tpu.vector_load %arg5[%get3A_766] {strides = array<i32>} : memref<64xi32, #tpu.memory_space<vmem>>, vector<16xi32>,
    %eq3A_768 = arith.constant 3 : i32
    %eq3A_769 = vector.broadcast %eq3A_768 : i32 to vector<16xi32>
    %eq3A_770 = arith.cmpi eq, %iota3A, %eq3A_769 : vector<16xi32>
    %jit3A_771 = arith.constant 0 : i32
    %broadcast_in_dim3A_772 = vector.broadcast %jit3A_771 : i32 to vector<16xi32>
    %select_n3A_773 = arith.select %eq3A_770, %get3A_767, %broadcast_in_dim3A_772 : vector<16xi1>, vector<16xi32>
    %reduce_sum3A_774 = arith.constant true
    %reduce_sum3A_775 = vector.broadcast %reduce_sum3A_774 : i1 to vector<16xi1>
    %reduce_sum3A_776 = tpu.scan <sum>, %select_n3A_773 masked %reduce_sum3A_775 : vector<16xi32>, vector<16xi1> -> vector<16xi32>
    %reduce_sum3A_777 = vector.extract %reduce_sum3A_776[15] : i32 from vector<16xi32>
    %dma_start3A_778 = arith.constant 35 : i32
    %dma_start3A_779 = arith.constant 0 : i32
    %dma_start3A_780 = tpu.memref_slice %arg6[%dma_start3A_778, %dma_start3A_779] : memref<64x100xf32, #tpu.memory_space<vmem>> -> memref<1x100xf32, #tpu.memory_space<vmem>>
    %dma_start3A_781 = arith.constant 0 : i32
    %dma_start3A_782 = tpu.memref_slice %arg3[%reduce_sum3A_777, %dma_start3A_781] : memref<100000x100xf32, #tpu.memory_space<hbm>> -> memref<1x100xf32, #tpu.memory_space<hbm>>
    %dma_start3A_783 = arith.constant 35 : i32
    %dma_start3A_784 = arith.constant 0 : i32
    %dma_start3A_785 = tpu.memref_slice %arg6[%dma_start3A_783, %dma_start3A_784] : memref<64x100xf32, #tpu.memory_space<vmem>> -> memref<1x100xf32, #tpu.memory_space<vmem>>
    %dma_start3A_786 = arith.constant 0 : i32
    %dma_start3A_787 = tpu.memref_slice %arg3[%reduce_sum3A_777, %dma_start3A_786] : memref<100000x100xf32, #tpu.memory_space<hbm>> -> memref<1x100xf32, #tpu.memory_space<hbm>>
    tpu.enqueue_dma source(%dma_start3A_787 : memref<1x100xf32, #tpu.memory_space<hbm>>) target(%dma_start3A_785 : memref<1x100xf32, #tpu.memory_space<vmem>>) target_semaphore(%arg7 : memref<!tpu.dma_semaphore, #tpu.memory_space<semaphore_mem>>)
    %get3A_788 = arith.constant 32 : index
    %get3A_789 = tpu.vector_load %arg5[%get3A_788] {strides = array<i32>} : memref<64xi32, #tpu.memory_space<vmem>>, vector<16xi32>,
    %eq3A_790 = arith.constant 4 : i32
    %eq3A_791 = vector.broadcast %eq3A_790 : i32 to vector<16xi32>
    %eq3A_792 = arith.cmpi eq, %iota3A, %eq3A_791 : vector<16xi32>
    %jit3A_793 = arith.constant 0 : i32
    %broadcast_in_dim3A_794 = vector.broadcast %jit3A_793 : i32 to vector<16xi32>
    %select_n3A_795 = arith.select %eq3A_792, %get3A_789, %broadcast_in_dim3A_794 : vector<16xi1>, vector<16xi32>
    %reduce_sum3A_796 = arith.constant true
    %reduce_sum3A_797 = vector.broadcast %reduce_sum3A_796 : i1 to vector<16xi1>
    %reduce_sum3A_798 = tpu.scan <sum>, %select_n3A_795 masked %reduce_sum3A_797 : vector<16xi32>, vector<16xi1> -> vector<16xi32>
    %reduce_sum3A_799 = vector.extract %reduce_sum3A_798[15] : i32 from vector<16xi32>
    %dma_start3A_800 = arith.constant 36 : i32
    %dma_start3A_801 = arith.constant 0 : i32
    %dma_start3A_802 = tpu.memref_slice %arg6[%dma_start3A_800, %dma_start3A_801] : memref<64x100xf32, #tpu.memory_space<vmem>> -> memref<1x100xf32, #tpu.memory_space<vmem>>
    %dma_start3A_803 = arith.constant 0 : i32
    %dma_start3A_804 = tpu.memref_slice %arg3[%reduce_sum3A_799, %dma_start3A_803] : memref<100000x100xf32, #tpu.memory_space<hbm>> -> memref<1x100xf32, #tpu.memory_space<hbm>>
    %dma_start3A_805 = arith.constant 36 : i32
    %dma_start3A_806 = arith.constant 0 : i32
    %dma_start3A_807 = tpu.memref_slice %arg6[%dma_start3A_805, %dma_start3A_806] : memref<64x100xf32, #tpu.memory_space<vmem>> -> memref<1x100xf32, #tpu.memory_space<vmem>>
    %dma_start3A_808 = arith.constant 0 : i32
    %dma_start3A_809 = tpu.memref_slice %arg3[%reduce_sum3A_799, %dma_start3A_808] : memref<100000x100xf32, #tpu.memory_space<hbm>> -> memref<1x100xf32, #tpu.memory_space<hbm>>
    tpu.enqueue_dma source(%dma_start3A_809 : memref<1x100xf32, #tpu.memory_space<hbm>>) target(%dma_start3A_807 : memref<1x100xf32, #tpu.memory_space<vmem>>) target_semaphore(%arg7 : memref<!tpu.dma_semaphore, #tpu.memory_space<semaphore_mem>>)
    %get3A_810 = arith.constant 32 : index
    %get3A_811 = tpu.vector_load %arg5[%get3A_810] {strides = array<i32>} : memref<64xi32, #tpu.memory_space<vmem>>, vector<16xi32>,
    %eq3A_812 = arith.constant 5 : i32
    %eq3A_813 = vector.broadcast %eq3A_812 : i32 to vector<16xi32>
    %eq3A_814 = arith.cmpi eq, %iota3A, %eq3A_813 : vector<16xi32>
    %jit3A_815 = arith.constant 0 : i32
    %broadcast_in_dim3A_816 = vector.broadcast %jit3A_815 : i32 to vector<16xi32>
    %select_n3A_817 = arith.select %eq3A_814, %get3A_811, %broadcast_in_dim3A_816 : vector<16xi1>, vector<16xi32>
    %reduce_sum3A_818 = arith.constant true
    %reduce_sum3A_819 = vector.broadcast %reduce_sum3A_818 : i1 to vector<16xi1>
    %reduce_sum3A_820 = tpu.scan <sum>, %select_n3A_817 masked %reduce_sum3A_819 : vector<16xi32>, vector<16xi1> -> vector<16xi32>
    %reduce_sum3A_821 = vector.extract %reduce_sum3A_820[15] : i32 from vector<16xi32>
    %dma_start3A_822 = arith.constant 37 : i32
    %dma_start3A_823 = arith.constant 0 : i32
    %dma_start3A_824 = tpu.memref_slice %arg6[%dma_start3A_822, %dma_start3A_823] : memref<64x100xf32, #tpu.memory_space<vmem>> -> memref<1x100xf32, #tpu.memory_space<vmem>>
    %dma_start3A_825 = arith.constant 0 : i32
    %dma_start3A_826 = tpu.memref_slice %arg3[%reduce_sum3A_821, %dma_start3A_825] : memref<100000x100xf32, #tpu.memory_space<hbm>> -> memref<1x100xf32, #tpu.memory_space<hbm>>
    %dma_start3A_827 = arith.constant 37 : i32
    %dma_start3A_828 = arith.constant 0 : i32
    %dma_start3A_829 = tpu.memref_slice %arg6[%dma_start3A_827, %dma_start3A_828] : memref<64x100xf32, #tpu.memory_space<vmem>> -> memref<1x100xf32, #tpu.memory_space<vmem>>
    %dma_start3A_830 = arith.constant 0 : i32
    %dma_start3A_831 = tpu.memref_slice %arg3[%reduce_sum3A_821, %dma_start3A_830] : memref<100000x100xf32, #tpu.memory_space<hbm>> -> memref<1x100xf32, #tpu.memory_space<hbm>>
    tpu.enqueue_dma source(%dma_start3A_831 : memref<1x100xf32, #tpu.memory_space<hbm>>) target(%dma_start3A_829 : memref<1x100xf32, #tpu.memory_space<vmem>>) target_semaphore(%arg7 : memref<!tpu.dma_semaphore, #tpu.memory_space<semaphore_mem>>)
    %get3A_832 = arith.constant 32 : index
    %get3A_833 = tpu.vector_load %arg5[%get3A_832] {strides = array<i32>} : memref<64xi32, #tpu.memory_space<vmem>>, vector<16xi32>,
    %eq3A_834 = arith.constant 6 : i32
    %eq3A_835 = vector.broadcast %eq3A_834 : i32 to vector<16xi32>
    %eq3A_836 = arith.cmpi eq, %iota3A, %eq3A_835 : vector<16xi32>
    %jit3A_837 = arith.constant 0 : i32
    %broadcast_in_dim3A_838 = vector.broadcast %jit3A_837 : i32 to vector<16xi32>
    %select_n3A_839 = arith.select %eq3A_836, %get3A_833, %broadcast_in_dim3A_838 : vector<16xi1>, vector<16xi32>
    %reduce_sum3A_840 = arith.constant true
    %reduce_sum3A_841 = vector.broadcast %reduce_sum3A_840 : i1 to vector<16xi1>
    %reduce_sum3A_842 = tpu.scan <sum>, %select_n3A_839 masked %reduce_sum3A_841 : vector<16xi32>, vector<16xi1> -> vector<16xi32>
    %reduce_sum3A_843 = vector.extract %reduce_sum3A_842[15] : i32 from vector<16xi32>
    %dma_start3A_844 = arith.constant 38 : i32
    %dma_start3A_845 = arith.constant 0 : i32
    %dma_start3A_846 = tpu.memref_slice %arg6[%dma_start3A_844, %dma_start3A_845] : memref<64x100xf32, #tpu.memory_space<vmem>> -> memref<1x100xf32, #tpu.memory_space<vmem>>
    %dma_start3A_847 = arith.constant 0 : i32
    %dma_start3A_848 = tpu.memref_slice %arg3[%reduce_sum3A_843, %dma_start3A_847] : memref<100000x100xf32, #tpu.memory_space<hbm>> -> memref<1x100xf32, #tpu.memory_space<hbm>>
    %dma_start3A_849 = arith.constant 38 : i32
    %dma_start3A_850 = arith.constant 0 : i32
    %dma_start3A_851 = tpu.memref_slice %arg6[%dma_start3A_849, %dma_start3A_850] : memref<64x100xf32, #tpu.memory_space<vmem>> -> memref<1x100xf32, #tpu.memory_space<vmem>>
    %dma_start3A_852 = arith.constant 0 : i32
    %dma_start3A_853 = tpu.memref_slice %arg3[%reduce_sum3A_843, %dma_start3A_852] : memref<100000x100xf32, #tpu.memory_space<hbm>> -> memref<1x100xf32, #tpu.memory_space<hbm>>
    tpu.enqueue_dma source(%dma_start3A_853 : memref<1x100xf32, #tpu.memory_space<hbm>>) target(%dma_start3A_851 : memref<1x100xf32, #tpu.memory_space<vmem>>) target_semaphore(%arg7 : memref<!tpu.dma_semaphore, #tpu.memory_space<semaphore_mem>>)
    %get3A_854 = arith.constant 32 : index
    %get3A_855 = tpu.vector_load %arg5[%get3A_854] {strides = array<i32>} : memref<64xi32, #tpu.memory_space<vmem>>, vector<16xi32>,
    %eq3A_856 = arith.constant 7 : i32
    %eq3A_857 = vector.broadcast %eq3A_856 : i32 to vector<16xi32>
    %eq3A_858 = arith.cmpi eq, %iota3A, %eq3A_857 : vector<16xi32>
    %jit3A_859 = arith.constant 0 : i32
    %broadcast_in_dim3A_860 = vector.broadcast %jit3A_859 : i32 to vector<16xi32>
    %select_n3A_861 = arith.select %eq3A_858, %get3A_855, %broadcast_in_dim3A_860 : vector<16xi1>, vector<16xi32>
    %reduce_sum3A_862 = arith.constant true
    %reduce_sum3A_863 = vector.broadcast %reduce_sum3A_862 : i1 to vector<16xi1>
    %reduce_sum3A_864 = tpu.scan <sum>, %select_n3A_861 masked %reduce_sum3A_863 : vector<16xi32>, vector<16xi1> -> vector<16xi32>
    %reduce_sum3A_865 = vector.extract %reduce_sum3A_864[15] : i32 from vector<16xi32>
    %dma_start3A_866 = arith.constant 39 : i32
    %dma_start3A_867 = arith.constant 0 : i32
    %dma_start3A_868 = tpu.memref_slice %arg6[%dma_start3A_866, %dma_start3A_867] : memref<64x100xf32, #tpu.memory_space<vmem>> -> memref<1x100xf32, #tpu.memory_space<vmem>>
    %dma_start3A_869 = arith.constant 0 : i32
    %dma_start3A_870 = tpu.memref_slice %arg3[%reduce_sum3A_865, %dma_start3A_869] : memref<100000x100xf32, #tpu.memory_space<hbm>> -> memref<1x100xf32, #tpu.memory_space<hbm>>
    %dma_start3A_871 = arith.constant 39 : i32
    %dma_start3A_872 = arith.constant 0 : i32
    %dma_start3A_873 = tpu.memref_slice %arg6[%dma_start3A_871, %dma_start3A_872] : memref<64x100xf32, #tpu.memory_space<vmem>> -> memref<1x100xf32, #tpu.memory_space<vmem>>
    %dma_start3A_874 = arith.constant 0 : i32
    %dma_start3A_875 = tpu.memref_slice %arg3[%reduce_sum3A_865, %dma_start3A_874] : memref<100000x100xf32, #tpu.memory_space<hbm>> -> memref<1x100xf32, #tpu.memory_space<hbm>>
    tpu.enqueue_dma source(%dma_start3A_875 : memref<1x100xf32, #tpu.memory_space<hbm>>) target(%dma_start3A_873 : memref<1x100xf32, #tpu.memory_space<vmem>>) target_semaphore(%arg7 : memref<!tpu.dma_semaphore, #tpu.memory_space<semaphore_mem>>)
    %get3A_876 = arith.constant 32 : index
    %get3A_877 = tpu.vector_load %arg5[%get3A_876] {strides = array<i32>} : memref<64xi32, #tpu.memory_space<vmem>>, vector<16xi32>,
    %eq3A_878 = arith.constant 8 : i32
    %eq3A_879 = vector.broadcast %eq3A_878 : i32 to vector<16xi32>
    %eq3A_880 = arith.cmpi eq, %iota3A, %eq3A_879 : vector<16xi32>
    %jit3A_881 = arith.constant 0 : i32
    %broadcast_in_dim3A_882 = vector.broadcast %jit3A_881 : i32 to vector<16xi32>
    %select_n3A_883 = arith.select %eq3A_880, %get3A_877, %broadcast_in_dim3A_882 : vector<16xi1>, vector<16xi32>
    %reduce_sum3A_884 = arith.constant true
    %reduce_sum3A_885 = vector.broadcast %reduce_sum3A_884 : i1 to vector<16xi1>
    %reduce_sum3A_886 = tpu.scan <sum>, %select_n3A_883 masked %reduce_sum3A_885 : vector<16xi32>, vector<16xi1> -> vector<16xi32>
    %reduce_sum3A_887 = vector.extract %reduce_sum3A_886[15] : i32 from vector<16xi32>
    %dma_start3A_888 = arith.constant 40 : i32
    %dma_start3A_889 = arith.constant 0 : i32
    %dma_start3A_890 = tpu.memref_slice %arg6[%dma_start3A_888, %dma_start3A_889] : memref<64x100xf32, #tpu.memory_space<vmem>> -> memref<1x100xf32, #tpu.memory_space<vmem>>
    %dma_start3A_891 = arith.constant 0 : i32
    %dma_start3A_892 = tpu.memref_slice %arg3[%reduce_sum3A_887, %dma_start3A_891] : memref<100000x100xf32, #tpu.memory_space<hbm>> -> memref<1x100xf32, #tpu.memory_space<hbm>>
    %dma_start3A_893 = arith.constant 40 : i32
    %dma_start3A_894 = arith.constant 0 : i32
    %dma_start3A_895 = tpu.memref_slice %arg6[%dma_start3A_893, %dma_start3A_894] : memref<64x100xf32, #tpu.memory_space<vmem>> -> memref<1x100xf32, #tpu.memory_space<vmem>>
    %dma_start3A_896 = arith.constant 0 : i32
    %dma_start3A_897 = tpu.memref_slice %arg3[%reduce_sum3A_887, %dma_start3A_896] : memref<100000x100xf32, #tpu.memory_space<hbm>> -> memref<1x100xf32, #tpu.memory_space<hbm>>
    tpu.enqueue_dma source(%dma_start3A_897 : memref<1x100xf32, #tpu.memory_space<hbm>>) target(%dma_start3A_895 : memref<1x100xf32, #tpu.memory_space<vmem>>) target_semaphore(%arg7 : memref<!tpu.dma_semaphore, #tpu.memory_space<semaphore_mem>>)
    %get3A_898 = arith.constant 32 : index
    %get3A_899 = tpu.vector_load %arg5[%get3A_898] {strides = array<i32>} : memref<64xi32, #tpu.memory_space<vmem>>, vector<16xi32>,
    %eq3A_900 = arith.constant 9 : i32
    %eq3A_901 = vector.broadcast %eq3A_900 : i32 to vector<16xi32>
    %eq3A_902 = arith.cmpi eq, %iota3A, %eq3A_901 : vector<16xi32>
    %jit3A_903 = arith.constant 0 : i32
    %broadcast_in_dim3A_904 = vector.broadcast %jit3A_903 : i32 to vector<16xi32>
    %select_n3A_905 = arith.select %eq3A_902, %get3A_899, %broadcast_in_dim3A_904 : vector<16xi1>, vector<16xi32>
    %reduce_sum3A_906 = arith.constant true
    %reduce_sum3A_907 = vector.broadcast %reduce_sum3A_906 : i1 to vector<16xi1>
    %reduce_sum3A_908 = tpu.scan <sum>, %select_n3A_905 masked %reduce_sum3A_907 : vector<16xi32>, vector<16xi1> -> vector<16xi32>
    %reduce_sum3A_909 = vector.extract %reduce_sum3A_908[15] : i32 from vector<16xi32>
    %dma_start3A_910 = arith.constant 41 : i32
    %dma_start3A_911 = arith.constant 0 : i32
    %dma_start3A_912 = tpu.memref_slice %arg6[%dma_start3A_910, %dma_start3A_911] : memref<64x100xf32, #tpu.memory_space<vmem>> -> memref<1x100xf32, #tpu.memory_space<vmem>>
    %dma_start3A_913 = arith.constant 0 : i32
    %dma_start3A_914 = tpu.memref_slice %arg3[%reduce_sum3A_909, %dma_start3A_913] : memref<100000x100xf32, #tpu.memory_space<hbm>> -> memref<1x100xf32, #tpu.memory_space<hbm>>
    %dma_start3A_915 = arith.constant 41 : i32
    %dma_start3A_916 = arith.constant 0 : i32
    %dma_start3A_917 = tpu.memref_slice %arg6[%dma_start3A_915, %dma_start3A_916] : memref<64x100xf32, #tpu.memory_space<vmem>> -> memref<1x100xf32, #tpu.memory_space<vmem>>
    %dma_start3A_918 = arith.constant 0 : i32
    %dma_start3A_919 = tpu.memref_slice %arg3[%reduce_sum3A_909, %dma_start3A_918] : memref<100000x100xf32, #tpu.memory_space<hbm>> -> memref<1x100xf32, #tpu.memory_space<hbm>>
    tpu.enqueue_dma source(%dma_start3A_919 : memref<1x100xf32, #tpu.memory_space<hbm>>) target(%dma_start3A_917 : memref<1x100xf32, #tpu.memory_space<vmem>>) target_semaphore(%arg7 : memref<!tpu.dma_semaphore, #tpu.memory_space<semaphore_mem>>)
    %get3A_920 = arith.constant 32 : index
    %get3A_921 = tpu.vector_load %arg5[%get3A_920] {strides = array<i32>} : memref<64xi32, #tpu.memory_space<vmem>>, vector<16xi32>,
    %eq3A_922 = arith.constant 10 : i32
    %eq3A_923 = vector.broadcast %eq3A_922 : i32 to vector<16xi32>
    %eq3A_924 = arith.cmpi eq, %iota3A, %eq3A_923 : vector<16xi32>
    %jit3A_925 = arith.constant 0 : i32
    %broadcast_in_dim3A_926 = vector.broadcast %jit3A_925 : i32 to vector<16xi32>
    %select_n3A_927 = arith.select %eq3A_924, %get3A_921, %broadcast_in_dim3A_926 : vector<16xi1>, vector<16xi32>
    %reduce_sum3A_928 = arith.constant true
    %reduce_sum3A_929 = vector.broadcast %reduce_sum3A_928 : i1 to vector<16xi1>
    %reduce_sum3A_930 = tpu.scan <sum>, %select_n3A_927 masked %reduce_sum3A_929 : vector<16xi32>, vector<16xi1> -> vector<16xi32>
    %reduce_sum3A_931 = vector.extract %reduce_sum3A_930[15] : i32 from vector<16xi32>
    %dma_start3A_932 = arith.constant 42 : i32
    %dma_start3A_933 = arith.constant 0 : i32
    %dma_start3A_934 = tpu.memref_slice %arg6[%dma_start3A_932, %dma_start3A_933] : memref<64x100xf32, #tpu.memory_space<vmem>> -> memref<1x100xf32, #tpu.memory_space<vmem>>
    %dma_start3A_935 = arith.constant 0 : i32
    %dma_start3A_936 = tpu.memref_slice %arg3[%reduce_sum3A_931, %dma_start3A_935] : memref<100000x100xf32, #tpu.memory_space<hbm>> -> memref<1x100xf32, #tpu.memory_space<hbm>>
    %dma_start3A_937 = arith.constant 42 : i32
    %dma_start3A_938 = arith.constant 0 : i32
    %dma_start3A_939 = tpu.memref_slice %arg6[%dma_start3A_937, %dma_start3A_938] : memref<64x100xf32, #tpu.memory_space<vmem>> -> memref<1x100xf32, #tpu.memory_space<vmem>>
    %dma_start3A_940 = arith.constant 0 : i32
    %dma_start3A_941 = tpu.memref_slice %arg3[%reduce_sum3A_931, %dma_start3A_940] : memref<100000x100xf32, #tpu.memory_space<hbm>> -> memref<1x100xf32, #tpu.memory_space<hbm>>
    tpu.enqueue_dma source(%dma_start3A_941 : memref<1x100xf32, #tpu.memory_space<hbm>>) target(%dma_start3A_939 : memref<1x100xf32, #tpu.memory_space<vmem>>) target_semaphore(%arg7 : memref<!tpu.dma_semaphore, #tpu.memory_space<semaphore_mem>>)
    %get3A_942 = arith.constant 32 : index
    %get3A_943 = tpu.vector_load %arg5[%get3A_942] {strides = array<i32>} : memref<64xi32, #tpu.memory_space<vmem>>, vector<16xi32>,
    %eq3A_944 = arith.constant 11 : i32
    %eq3A_945 = vector.broadcast %eq3A_944 : i32 to vector<16xi32>
    %eq3A_946 = arith.cmpi eq, %iota3A, %eq3A_945 : vector<16xi32>
    %jit3A_947 = arith.constant 0 : i32
    %broadcast_in_dim3A_948 = vector.broadcast %jit3A_947 : i32 to vector<16xi32>
    %select_n3A_949 = arith.select %eq3A_946, %get3A_943, %broadcast_in_dim3A_948 : vector<16xi1>, vector<16xi32>
    %reduce_sum3A_950 = arith.constant true
    %reduce_sum3A_951 = vector.broadcast %reduce_sum3A_950 : i1 to vector<16xi1>
    %reduce_sum3A_952 = tpu.scan <sum>, %select_n3A_949 masked %reduce_sum3A_951 : vector<16xi32>, vector<16xi1> -> vector<16xi32>
    %reduce_sum3A_953 = vector.extract %reduce_sum3A_952[15] : i32 from vector<16xi32>
    %dma_start3A_954 = arith.constant 43 : i32
    %dma_start3A_955 = arith.constant 0 : i32
    %dma_start3A_956 = tpu.memref_slice %arg6[%dma_start3A_954, %dma_start3A_955] : memref<64x100xf32, #tpu.memory_space<vmem>> -> memref<1x100xf32, #tpu.memory_space<vmem>>
    %dma_start3A_957 = arith.constant 0 : i32
    %dma_start3A_958 = tpu.memref_slice %arg3[%reduce_sum3A_953, %dma_start3A_957] : memref<100000x100xf32, #tpu.memory_space<hbm>> -> memref<1x100xf32, #tpu.memory_space<hbm>>
    %dma_start3A_959 = arith.constant 43 : i32
    %dma_start3A_960 = arith.constant 0 : i32
    %dma_start3A_961 = tpu.memref_slice %arg6[%dma_start3A_959, %dma_start3A_960] : memref<64x100xf32, #tpu.memory_space<vmem>> -> memref<1x100xf32, #tpu.memory_space<vmem>>
    %dma_start3A_962 = arith.constant 0 : i32
    %dma_start3A_963 = tpu.memref_slice %arg3[%reduce_sum3A_953, %dma_start3A_962] : memref<100000x100xf32, #tpu.memory_space<hbm>> -> memref<1x100xf32, #tpu.memory_space<hbm>>
    tpu.enqueue_dma source(%dma_start3A_963 : memref<1x100xf32, #tpu.memory_space<hbm>>) target(%dma_start3A_961 : memref<1x100xf32, #tpu.memory_space<vmem>>) target_semaphore(%arg7 : memref<!tpu.dma_semaphore, #tpu.memory_space<semaphore_mem>>)
    %get3A_964 = arith.constant 32 : index
    %get3A_965 = tpu.vector_load %arg5[%get3A_964] {strides = array<i32>} : memref<64xi32, #tpu.memory_space<vmem>>, vector<16xi32>,
    %eq3A_966 = arith.constant 12 : i32
    %eq3A_967 = vector.broadcast %eq3A_966 : i32 to vector<16xi32>
    %eq3A_968 = arith.cmpi eq, %iota3A, %eq3A_967 : vector<16xi32>
    %jit3A_969 = arith.constant 0 : i32
    %broadcast_in_dim3A_970 = vector.broadcast %jit3A_969 : i32 to vector<16xi32>
    %select_n3A_971 = arith.select %eq3A_968, %get3A_965, %broadcast_in_dim3A_970 : vector<16xi1>, vector<16xi32>
    %reduce_sum3A_972 = arith.constant true
    %reduce_sum3A_973 = vector.broadcast %reduce_sum3A_972 : i1 to vector<16xi1>
    %reduce_sum3A_974 = tpu.scan <sum>, %select_n3A_971 masked %reduce_sum3A_973 : vector<16xi32>, vector<16xi1> -> vector<16xi32>
    %reduce_sum3A_975 = vector.extract %reduce_sum3A_974[15] : i32 from vector<16xi32>
    %dma_start3A_976 = arith.constant 44 : i32
    %dma_start3A_977 = arith.constant 0 : i32
    %dma_start3A_978 = tpu.memref_slice %arg6[%dma_start3A_976, %dma_start3A_977] : memref<64x100xf32, #tpu.memory_space<vmem>> -> memref<1x100xf32, #tpu.memory_space<vmem>>
    %dma_start3A_979 = arith.constant 0 : i32
    %dma_start3A_980 = tpu.memref_slice %arg3[%reduce_sum3A_975, %dma_start3A_979] : memref<100000x100xf32, #tpu.memory_space<hbm>> -> memref<1x100xf32, #tpu.memory_space<hbm>>
    %dma_start3A_981 = arith.constant 44 : i32
    %dma_start3A_982 = arith.constant 0 : i32
    %dma_start3A_983 = tpu.memref_slice %arg6[%dma_start3A_981, %dma_start3A_982] : memref<64x100xf32, #tpu.memory_space<vmem>> -> memref<1x100xf32, #tpu.memory_space<vmem>>
    %dma_start3A_984 = arith.constant 0 : i32
    %dma_start3A_985 = tpu.memref_slice %arg3[%reduce_sum3A_975, %dma_start3A_984] : memref<100000x100xf32, #tpu.memory_space<hbm>> -> memref<1x100xf32, #tpu.memory_space<hbm>>
    tpu.enqueue_dma source(%dma_start3A_985 : memref<1x100xf32, #tpu.memory_space<hbm>>) target(%dma_start3A_983 : memref<1x100xf32, #tpu.memory_space<vmem>>) target_semaphore(%arg7 : memref<!tpu.dma_semaphore, #tpu.memory_space<semaphore_mem>>)
    %get3A_986 = arith.constant 32 : index
    %get3A_987 = tpu.vector_load %arg5[%get3A_986] {strides = array<i32>} : memref<64xi32, #tpu.memory_space<vmem>>, vector<16xi32>,
    %eq3A_988 = arith.constant 13 : i32
    %eq3A_989 = vector.broadcast %eq3A_988 : i32 to vector<16xi32>
    %eq3A_990 = arith.cmpi eq, %iota3A, %eq3A_989 : vector<16xi32>
    %jit3A_991 = arith.constant 0 : i32
    %broadcast_in_dim3A_992 = vector.broadcast %jit3A_991 : i32 to vector<16xi32>
    %select_n3A_993 = arith.select %eq3A_990, %get3A_987, %broadcast_in_dim3A_992 : vector<16xi1>, vector<16xi32>
    %reduce_sum3A_994 = arith.constant true
    %reduce_sum3A_995 = vector.broadcast %reduce_sum3A_994 : i1 to vector<16xi1>
    %reduce_sum3A_996 = tpu.scan <sum>, %select_n3A_993 masked %reduce_sum3A_995 : vector<16xi32>, vector<16xi1> -> vector<16xi32>
    %reduce_sum3A_997 = vector.extract %reduce_sum3A_996[15] : i32 from vector<16xi32>
    %dma_start3A_998 = arith.constant 45 : i32
    %dma_start3A_999 = arith.constant 0 : i32
    %dma_start3A_1000 = tpu.memref_slice %arg6[%dma_start3A_998, %dma_start3A_999] : memref<64x100xf32, #tpu.memory_space<vmem>> -> memref<1x100xf32, #tpu.memory_space<vmem>>
    %dma_start3A_1001 = arith.constant 0 : i32
    %dma_start3A_1002 = tpu.memref_slice %arg3[%reduce_sum3A_997, %dma_start3A_1001] : memref<100000x100xf32, #tpu.memory_space<hbm>> -> memref<1x100xf32, #tpu.memory_space<hbm>>
    %dma_start3A_1003 = arith.constant 45 : i32
    %dma_start3A_1004 = arith.constant 0 : i32
    %dma_start3A_1005 = tpu.memref_slice %arg6[%dma_start3A_1003, %dma_start3A_1004] : memref<64x100xf32, #tpu.memory_space<vmem>> -> memref<1x100xf32, #tpu.memory_space<vmem>>
    %dma_start3A_1006 = arith.constant 0 : i32
    %dma_start3A_1007 = tpu.memref_slice %arg3[%reduce_sum3A_997, %dma_start3A_1006] : memref<100000x100xf32, #tpu.memory_space<hbm>> -> memref<1x100xf32, #tpu.memory_space<hbm>>
    tpu.enqueue_dma source(%dma_start3A_1007 : memref<1x100xf32, #tpu.memory_space<hbm>>) target(%dma_start3A_1005 : memref<1x100xf32, #tpu.memory_space<vmem>>) target_semaphore(%arg7 : memref<!tpu.dma_semaphore, #tpu.memory_space<semaphore_mem>>)
    %get3A_1008 = arith.constant 32 : index
    %get3A_1009 = tpu.vector_load %arg5[%get3A_1008] {strides = array<i32>} : memref<64xi32, #tpu.memory_space<vmem>>, vector<16xi32>,
    %eq3A_1010 = arith.constant 14 : i32
    %eq3A_1011 = vector.broadcast %eq3A_1010 : i32 to vector<16xi32>
    %eq3A_1012 = arith.cmpi eq, %iota3A, %eq3A_1011 : vector<16xi32>
    %jit3A_1013 = arith.constant 0 : i32
    %broadcast_in_dim3A_1014 = vector.broadcast %jit3A_1013 : i32 to vector<16xi32>
    %select_n3A_1015 = arith.select %eq3A_1012, %get3A_1009, %broadcast_in_dim3A_1014 : vector<16xi1>, vector<16xi32>
    %reduce_sum3A_1016 = arith.constant true
    %reduce_sum3A_1017 = vector.broadcast %reduce_sum3A_1016 : i1 to vector<16xi1>
    %reduce_sum3A_1018 = tpu.scan <sum>, %select_n3A_1015 masked %reduce_sum3A_1017 : vector<16xi32>, vector<16xi1> -> vector<16xi32>
    %reduce_sum3A_1019 = vector.extract %reduce_sum3A_1018[15] : i32 from vector<16xi32>
    %dma_start3A_1020 = arith.constant 46 : i32
    %dma_start3A_1021 = arith.constant 0 : i32
    %dma_start3A_1022 = tpu.memref_slice %arg6[%dma_start3A_1020, %dma_start3A_1021] : memref<64x100xf32, #tpu.memory_space<vmem>> -> memref<1x100xf32, #tpu.memory_space<vmem>>
    %dma_start3A_1023 = arith.constant 0 : i32
    %dma_start3A_1024 = tpu.memref_slice %arg3[%reduce_sum3A_1019, %dma_start3A_1023] : memref<100000x100xf32, #tpu.memory_space<hbm>> -> memref<1x100xf32, #tpu.memory_space<hbm>>
    %dma_start3A_1025 = arith.constant 46 : i32
    %dma_start3A_1026 = arith.constant 0 : i32
    %dma_start3A_1027 = tpu.memref_slice %arg6[%dma_start3A_1025, %dma_start3A_1026] : memref<64x100xf32, #tpu.memory_space<vmem>> -> memref<1x100xf32, #tpu.memory_space<vmem>>
    %dma_start3A_1028 = arith.constant 0 : i32
    %dma_start3A_1029 = tpu.memref_slice %arg3[%reduce_sum3A_1019, %dma_start3A_1028] : memref<100000x100xf32, #tpu.memory_space<hbm>> -> memref<1x100xf32, #tpu.memory_space<hbm>>
    tpu.enqueue_dma source(%dma_start3A_1029 : memref<1x100xf32, #tpu.memory_space<hbm>>) target(%dma_start3A_1027 : memref<1x100xf32, #tpu.memory_space<vmem>>) target_semaphore(%arg7 : memref<!tpu.dma_semaphore, #tpu.memory_space<semaphore_mem>>)
    %get3A_1030 = arith.constant 32 : index
    %get3A_1031 = tpu.vector_load %arg5[%get3A_1030] {strides = array<i32>} : memref<64xi32, #tpu.memory_space<vmem>>, vector<16xi32>,
    %eq3A_1032 = arith.constant 15 : i32
    %eq3A_1033 = vector.broadcast %eq3A_1032 : i32 to vector<16xi32>
    %eq3A_1034 = arith.cmpi eq, %iota3A, %eq3A_1033 : vector<16xi32>
    %jit3A_1035 = arith.constant 0 : i32
    %broadcast_in_dim3A_1036 = vector.broadcast %jit3A_1035 : i32 to vector<16xi32>
    %select_n3A_1037 = arith.select %eq3A_1034, %get3A_1031, %broadcast_in_dim3A_1036 : vector<16xi1>, vector<16xi32>
    %reduce_sum3A_1038 = arith.constant true
    %reduce_sum3A_1039 = vector.broadcast %reduce_sum3A_1038 : i1 to vector<16xi1>
    %reduce_sum3A_1040 = tpu.scan <sum>, %select_n3A_1037 masked %reduce_sum3A_1039 : vector<16xi32>, vector<16xi1> -> vector<16xi32>
    %reduce_sum3A_1041 = vector.extract %reduce_sum3A_1040[15] : i32 from vector<16xi32>
    %dma_start3A_1042 = arith.constant 47 : i32
    %dma_start3A_1043 = arith.constant 0 : i32
    %dma_start3A_1044 = tpu.memref_slice %arg6[%dma_start3A_1042, %dma_start3A_1043] : memref<64x100xf32, #tpu.memory_space<vmem>> -> memref<1x100xf32, #tpu.memory_space<vmem>>
    %dma_start3A_1045 = arith.constant 0 : i32
    %dma_start3A_1046 = tpu.memref_slice %arg3[%reduce_sum3A_1041, %dma_start3A_1045] : memref<100000x100xf32, #tpu.memory_space<hbm>> -> memref<1x100xf32, #tpu.memory_space<hbm>>
    %dma_start3A_1047 = arith.constant 47 : i32
    %dma_start3A_1048 = arith.constant 0 : i32
    %dma_start3A_1049 = tpu.memref_slice %arg6[%dma_start3A_1047, %dma_start3A_1048] : memref<64x100xf32, #tpu.memory_space<vmem>> -> memref<1x100xf32, #tpu.memory_space<vmem>>
    %dma_start3A_1050 = arith.constant 0 : i32
    %dma_start3A_1051 = tpu.memref_slice %arg3[%reduce_sum3A_1041, %dma_start3A_1050] : memref<100000x100xf32, #tpu.memory_space<hbm>> -> memref<1x100xf32, #tpu.memory_space<hbm>>
    tpu.enqueue_dma source(%dma_start3A_1051 : memref<1x100xf32, #tpu.memory_space<hbm>>) target(%dma_start3A_1049 : memref<1x100xf32, #tpu.memory_space<vmem>>) target_semaphore(%arg7 : memref<!tpu.dma_semaphore, #tpu.memory_space<semaphore_mem>>)
    %get3A_1052 = arith.constant 48 : index
    %get3A_1053 = tpu.vector_load %arg5[%get3A_1052] {strides = array<i32>} : memref<64xi32, #tpu.memory_space<vmem>>, vector<16xi32>,
    %eq3A_1054 = arith.constant 0 : i32
    %eq3A_1055 = vector.broadcast %eq3A_1054 : i32 to vector<16xi32>
    %eq3A_1056 = arith.cmpi eq, %iota3A, %eq3A_1055 : vector<16xi32>
    %jit3A_1057 = arith.constant 0 : i32
    %broadcast_in_dim3A_1058 = vector.broadcast %jit3A_1057 : i32 to vector<16xi32>
    %select_n3A_1059 = arith.select %eq3A_1056, %get3A_1053, %broadcast_in_dim3A_1058 : vector<16xi1>, vector<16xi32>
    %reduce_sum3A_1060 = arith.constant true
    %reduce_sum3A_1061 = vector.broadcast %reduce_sum3A_1060 : i1 to vector<16xi1>
    %reduce_sum3A_1062 = tpu.scan <sum>, %select_n3A_1059 masked %reduce_sum3A_1061 : vector<16xi32>, vector<16xi1> -> vector<16xi32>
    %reduce_sum3A_1063 = vector.extract %reduce_sum3A_1062[15] : i32 from vector<16xi32>
    %dma_start3A_1064 = arith.constant 48 : i32
    %dma_start3A_1065 = arith.constant 0 : i32
    %dma_start3A_1066 = tpu.memref_slice %arg6[%dma_start3A_1064, %dma_start3A_1065] : memref<64x100xf32, #tpu.memory_space<vmem>> -> memref<1x100xf32, #tpu.memory_space<vmem>>
    %dma_start3A_1067 = arith.constant 0 : i32
    %dma_start3A_1068 = tpu.memref_slice %arg3[%reduce_sum3A_1063, %dma_start3A_1067] : memref<100000x100xf32, #tpu.memory_space<hbm>> -> memref<1x100xf32, #tpu.memory_space<hbm>>
    %dma_start3A_1069 = arith.constant 48 : i32
    %dma_start3A_1070 = arith.constant 0 : i32
    %dma_start3A_1071 = tpu.memref_slice %arg6[%dma_start3A_1069, %dma_start3A_1070] : memref<64x100xf32, #tpu.memory_space<vmem>> -> memref<1x100xf32, #tpu.memory_space<vmem>>
    %dma_start3A_1072 = arith.constant 0 : i32
    %dma_start3A_1073 = tpu.memref_slice %arg3[%reduce_sum3A_1063, %dma_start3A_1072] : memref<100000x100xf32, #tpu.memory_space<hbm>> -> memref<1x100xf32, #tpu.memory_space<hbm>>
    tpu.enqueue_dma source(%dma_start3A_1073 : memref<1x100xf32, #tpu.memory_space<hbm>>) target(%dma_start3A_1071 : memref<1x100xf32, #tpu.memory_space<vmem>>) target_semaphore(%arg7 : memref<!tpu.dma_semaphore, #tpu.memory_space<semaphore_mem>>)
    %get3A_1074 = arith.constant 48 : index
    %get3A_1075 = tpu.vector_load %arg5[%get3A_1074] {strides = array<i32>} : memref<64xi32, #tpu.memory_space<vmem>>, vector<16xi32>,
    %eq3A_1076 = arith.constant 1 : i32
    %eq3A_1077 = vector.broadcast %eq3A_1076 : i32 to vector<16xi32>
    %eq3A_1078 = arith.cmpi eq, %iota3A, %eq3A_1077 : vector<16xi32>
    %jit3A_1079 = arith.constant 0 : i32
    %broadcast_in_dim3A_1080 = vector.broadcast %jit3A_1079 : i32 to vector<16xi32>
    %select_n3A_1081 = arith.select %eq3A_1078, %get3A_1075, %broadcast_in_dim3A_1080 : vector<16xi1>, vector<16xi32>
    %reduce_sum3A_1082 = arith.constant true
    %reduce_sum3A_1083 = vector.broadcast %reduce_sum3A_1082 : i1 to vector<16xi1>
    %reduce_sum3A_1084 = tpu.scan <sum>, %select_n3A_1081 masked %reduce_sum3A_1083 : vector<16xi32>, vector<16xi1> -> vector<16xi32>
    %reduce_sum3A_1085 = vector.extract %reduce_sum3A_1084[15] : i32 from vector<16xi32>
    %dma_start3A_1086 = arith.constant 49 : i32
    %dma_start3A_1087 = arith.constant 0 : i32
    %dma_start3A_1088 = tpu.memref_slice %arg6[%dma_start3A_1086, %dma_start3A_1087] : memref<64x100xf32, #tpu.memory_space<vmem>> -> memref<1x100xf32, #tpu.memory_space<vmem>>
    %dma_start3A_1089 = arith.constant 0 : i32
    %dma_start3A_1090 = tpu.memref_slice %arg3[%reduce_sum3A_1085, %dma_start3A_1089] : memref<100000x100xf32, #tpu.memory_space<hbm>> -> memref<1x100xf32, #tpu.memory_space<hbm>>
    %dma_start3A_1091 = arith.constant 49 : i32
    %dma_start3A_1092 = arith.constant 0 : i32
    %dma_start3A_1093 = tpu.memref_slice %arg6[%dma_start3A_1091, %dma_start3A_1092] : memref<64x100xf32, #tpu.memory_space<vmem>> -> memref<1x100xf32, #tpu.memory_space<vmem>>
    %dma_start3A_1094 = arith.constant 0 : i32
    %dma_start3A_1095 = tpu.memref_slice %arg3[%reduce_sum3A_1085, %dma_start3A_1094] : memref<100000x100xf32, #tpu.memory_space<hbm>> -> memref<1x100xf32, #tpu.memory_space<hbm>>
    tpu.enqueue_dma source(%dma_start3A_1095 : memref<1x100xf32, #tpu.memory_space<hbm>>) target(%dma_start3A_1093 : memref<1x100xf32, #tpu.memory_space<vmem>>) target_semaphore(%arg7 : memref<!tpu.dma_semaphore, #tpu.memory_space<semaphore_mem>>)
    %get3A_1096 = arith.constant 48 : index
    %get3A_1097 = tpu.vector_load %arg5[%get3A_1096] {strides = array<i32>} : memref<64xi32, #tpu.memory_space<vmem>>, vector<16xi32>,
    %eq3A_1098 = arith.constant 2 : i32
    %eq3A_1099 = vector.broadcast %eq3A_1098 : i32 to vector<16xi32>
    %eq3A_1100 = arith.cmpi eq, %iota3A, %eq3A_1099 : vector<16xi32>
    %jit3A_1101 = arith.constant 0 : i32
    %broadcast_in_dim3A_1102 = vector.broadcast %jit3A_1101 : i32 to vector<16xi32>
    %select_n3A_1103 = arith.select %eq3A_1100, %get3A_1097, %broadcast_in_dim3A_1102 : vector<16xi1>, vector<16xi32>
    %reduce_sum3A_1104 = arith.constant true
    %reduce_sum3A_1105 = vector.broadcast %reduce_sum3A_1104 : i1 to vector<16xi1>
    %reduce_sum3A_1106 = tpu.scan <sum>, %select_n3A_1103 masked %reduce_sum3A_1105 : vector<16xi32>, vector<16xi1> -> vector<16xi32>
    %reduce_sum3A_1107 = vector.extract %reduce_sum3A_1106[15] : i32 from vector<16xi32>
    %dma_start3A_1108 = arith.constant 50 : i32
    %dma_start3A_1109 = arith.constant 0 : i32
    %dma_start3A_1110 = tpu.memref_slice %arg6[%dma_start3A_1108, %dma_start3A_1109] : memref<64x100xf32, #tpu.memory_space<vmem>> -> memref<1x100xf32, #tpu.memory_space<vmem>>
    %dma_start3A_1111 = arith.constant 0 : i32
    %dma_start3A_1112 = tpu.memref_slice %arg3[%reduce_sum3A_1107, %dma_start3A_1111] : memref<100000x100xf32, #tpu.memory_space<hbm>> -> memref<1x100xf32, #tpu.memory_space<hbm>>
    %dma_start3A_1113 = arith.constant 50 : i32
    %dma_start3A_1114 = arith.constant 0 : i32
    %dma_start3A_1115 = tpu.memref_slice %arg6[%dma_start3A_1113, %dma_start3A_1114] : memref<64x100xf32, #tpu.memory_space<vmem>> -> memref<1x100xf32, #tpu.memory_space<vmem>>
    %dma_start3A_1116 = arith.constant 0 : i32
    %dma_start3A_1117 = tpu.memref_slice %arg3[%reduce_sum3A_1107, %dma_start3A_1116] : memref<100000x100xf32, #tpu.memory_space<hbm>> -> memref<1x100xf32, #tpu.memory_space<hbm>>
    tpu.enqueue_dma source(%dma_start3A_1117 : memref<1x100xf32, #tpu.memory_space<hbm>>) target(%dma_start3A_1115 : memref<1x100xf32, #tpu.memory_space<vmem>>) target_semaphore(%arg7 : memref<!tpu.dma_semaphore, #tpu.memory_space<semaphore_mem>>)
    %get3A_1118 = arith.constant 48 : index
    %get3A_1119 = tpu.vector_load %arg5[%get3A_1118] {strides = array<i32>} : memref<64xi32, #tpu.memory_space<vmem>>, vector<16xi32>,
    %eq3A_1120 = arith.constant 3 : i32
    %eq3A_1121 = vector.broadcast %eq3A_1120 : i32 to vector<16xi32>
    %eq3A_1122 = arith.cmpi eq, %iota3A, %eq3A_1121 : vector<16xi32>
    %jit3A_1123 = arith.constant 0 : i32
    %broadcast_in_dim3A_1124 = vector.broadcast %jit3A_1123 : i32 to vector<16xi32>
    %select_n3A_1125 = arith.select %eq3A_1122, %get3A_1119, %broadcast_in_dim3A_1124 : vector<16xi1>, vector<16xi32>
    %reduce_sum3A_1126 = arith.constant true
    %reduce_sum3A_1127 = vector.broadcast %reduce_sum3A_1126 : i1 to vector<16xi1>
    %reduce_sum3A_1128 = tpu.scan <sum>, %select_n3A_1125 masked %reduce_sum3A_1127 : vector<16xi32>, vector<16xi1> -> vector<16xi32>
    %reduce_sum3A_1129 = vector.extract %reduce_sum3A_1128[15] : i32 from vector<16xi32>
    %dma_start3A_1130 = arith.constant 51 : i32
    %dma_start3A_1131 = arith.constant 0 : i32
    %dma_start3A_1132 = tpu.memref_slice %arg6[%dma_start3A_1130, %dma_start3A_1131] : memref<64x100xf32, #tpu.memory_space<vmem>> -> memref<1x100xf32, #tpu.memory_space<vmem>>
    %dma_start3A_1133 = arith.constant 0 : i32
    %dma_start3A_1134 = tpu.memref_slice %arg3[%reduce_sum3A_1129, %dma_start3A_1133] : memref<100000x100xf32, #tpu.memory_space<hbm>> -> memref<1x100xf32, #tpu.memory_space<hbm>>
    %dma_start3A_1135 = arith.constant 51 : i32
    %dma_start3A_1136 = arith.constant 0 : i32
    %dma_start3A_1137 = tpu.memref_slice %arg6[%dma_start3A_1135, %dma_start3A_1136] : memref<64x100xf32, #tpu.memory_space<vmem>> -> memref<1x100xf32, #tpu.memory_space<vmem>>
    %dma_start3A_1138 = arith.constant 0 : i32
    %dma_start3A_1139 = tpu.memref_slice %arg3[%reduce_sum3A_1129, %dma_start3A_1138] : memref<100000x100xf32, #tpu.memory_space<hbm>> -> memref<1x100xf32, #tpu.memory_space<hbm>>
    tpu.enqueue_dma source(%dma_start3A_1139 : memref<1x100xf32, #tpu.memory_space<hbm>>) target(%dma_start3A_1137 : memref<1x100xf32, #tpu.memory_space<vmem>>) target_semaphore(%arg7 : memref<!tpu.dma_semaphore, #tpu.memory_space<semaphore_mem>>)
    %get3A_1140 = arith.constant 48 : index
    %get3A_1141 = tpu.vector_load %arg5[%get3A_1140] {strides = array<i32>} : memref<64xi32, #tpu.memory_space<vmem>>, vector<16xi32>,
    %eq3A_1142 = arith.constant 4 : i32
    %eq3A_1143 = vector.broadcast %eq3A_1142 : i32 to vector<16xi32>
    %eq3A_1144 = arith.cmpi eq, %iota3A, %eq3A_1143 : vector<16xi32>
    %jit3A_1145 = arith.constant 0 : i32
    %broadcast_in_dim3A_1146 = vector.broadcast %jit3A_1145 : i32 to vector<16xi32>
    %select_n3A_1147 = arith.select %eq3A_1144, %get3A_1141, %broadcast_in_dim3A_1146 : vector<16xi1>, vector<16xi32>
    %reduce_sum3A_1148 = arith.constant true
    %reduce_sum3A_1149 = vector.broadcast %reduce_sum3A_1148 : i1 to vector<16xi1>
    %reduce_sum3A_1150 = tpu.scan <sum>, %select_n3A_1147 masked %reduce_sum3A_1149 : vector<16xi32>, vector<16xi1> -> vector<16xi32>
    %reduce_sum3A_1151 = vector.extract %reduce_sum3A_1150[15] : i32 from vector<16xi32>
    %dma_start3A_1152 = arith.constant 52 : i32
    %dma_start3A_1153 = arith.constant 0 : i32
    %dma_start3A_1154 = tpu.memref_slice %arg6[%dma_start3A_1152, %dma_start3A_1153] : memref<64x100xf32, #tpu.memory_space<vmem>> -> memref<1x100xf32, #tpu.memory_space<vmem>>
    %dma_start3A_1155 = arith.constant 0 : i32
    %dma_start3A_1156 = tpu.memref_slice %arg3[%reduce_sum3A_1151, %dma_start3A_1155] : memref<100000x100xf32, #tpu.memory_space<hbm>> -> memref<1x100xf32, #tpu.memory_space<hbm>>
    %dma_start3A_1157 = arith.constant 52 : i32
    %dma_start3A_1158 = arith.constant 0 : i32
    %dma_start3A_1159 = tpu.memref_slice %arg6[%dma_start3A_1157, %dma_start3A_1158] : memref<64x100xf32, #tpu.memory_space<vmem>> -> memref<1x100xf32, #tpu.memory_space<vmem>>
    %dma_start3A_1160 = arith.constant 0 : i32
    %dma_start3A_1161 = tpu.memref_slice %arg3[%reduce_sum3A_1151, %dma_start3A_1160] : memref<100000x100xf32, #tpu.memory_space<hbm>> -> memref<1x100xf32, #tpu.memory_space<hbm>>
    tpu.enqueue_dma source(%dma_start3A_1161 : memref<1x100xf32, #tpu.memory_space<hbm>>) target(%dma_start3A_1159 : memref<1x100xf32, #tpu.memory_space<vmem>>) target_semaphore(%arg7 : memref<!tpu.dma_semaphore, #tpu.memory_space<semaphore_mem>>)
    %get3A_1162 = arith.constant 48 : index
    %get3A_1163 = tpu.vector_load %arg5[%get3A_1162] {strides = array<i32>} : memref<64xi32, #tpu.memory_space<vmem>>, vector<16xi32>,
    %eq3A_1164 = arith.constant 5 : i32
    %eq3A_1165 = vector.broadcast %eq3A_1164 : i32 to vector<16xi32>
    %eq3A_1166 = arith.cmpi eq, %iota3A, %eq3A_1165 : vector<16xi32>
    %jit3A_1167 = arith.constant 0 : i32
    %broadcast_in_dim3A_1168 = vector.broadcast %jit3A_1167 : i32 to vector<16xi32>
    %select_n3A_1169 = arith.select %eq3A_1166, %get3A_1163, %broadcast_in_dim3A_1168 : vector<16xi1>, vector<16xi32>
    %reduce_sum3A_1170 = arith.constant true
    %reduce_sum3A_1171 = vector.broadcast %reduce_sum3A_1170 : i1 to vector<16xi1>
    %reduce_sum3A_1172 = tpu.scan <sum>, %select_n3A_1169 masked %reduce_sum3A_1171 : vector<16xi32>, vector<16xi1> -> vector<16xi32>
    %reduce_sum3A_1173 = vector.extract %reduce_sum3A_1172[15] : i32 from vector<16xi32>
    %dma_start3A_1174 = arith.constant 53 : i32
    %dma_start3A_1175 = arith.constant 0 : i32
    %dma_start3A_1176 = tpu.memref_slice %arg6[%dma_start3A_1174, %dma_start3A_1175] : memref<64x100xf32, #tpu.memory_space<vmem>> -> memref<1x100xf32, #tpu.memory_space<vmem>>
    %dma_start3A_1177 = arith.constant 0 : i32
    %dma_start3A_1178 = tpu.memref_slice %arg3[%reduce_sum3A_1173, %dma_start3A_1177] : memref<100000x100xf32, #tpu.memory_space<hbm>> -> memref<1x100xf32, #tpu.memory_space<hbm>>
    %dma_start3A_1179 = arith.constant 53 : i32
    %dma_start3A_1180 = arith.constant 0 : i32
    %dma_start3A_1181 = tpu.memref_slice %arg6[%dma_start3A_1179, %dma_start3A_1180] : memref<64x100xf32, #tpu.memory_space<vmem>> -> memref<1x100xf32, #tpu.memory_space<vmem>>
    %dma_start3A_1182 = arith.constant 0 : i32
    %dma_start3A_1183 = tpu.memref_slice %arg3[%reduce_sum3A_1173, %dma_start3A_1182] : memref<100000x100xf32, #tpu.memory_space<hbm>> -> memref<1x100xf32, #tpu.memory_space<hbm>>
    tpu.enqueue_dma source(%dma_start3A_1183 : memref<1x100xf32, #tpu.memory_space<hbm>>) target(%dma_start3A_1181 : memref<1x100xf32, #tpu.memory_space<vmem>>) target_semaphore(%arg7 : memref<!tpu.dma_semaphore, #tpu.memory_space<semaphore_mem>>)
    %get3A_1184 = arith.constant 48 : index
    %get3A_1185 = tpu.vector_load %arg5[%get3A_1184] {strides = array<i32>} : memref<64xi32, #tpu.memory_space<vmem>>, vector<16xi32>,
    %eq3A_1186 = arith.constant 6 : i32
    %eq3A_1187 = vector.broadcast %eq3A_1186 : i32 to vector<16xi32>
    %eq3A_1188 = arith.cmpi eq, %iota3A, %eq3A_1187 : vector<16xi32>
    %jit3A_1189 = arith.constant 0 : i32
    %broadcast_in_dim3A_1190 = vector.broadcast %jit3A_1189 : i32 to vector<16xi32>
    %select_n3A_1191 = arith.select %eq3A_1188, %get3A_1185, %broadcast_in_dim3A_1190 : vector<16xi1>, vector<16xi32>
    %reduce_sum3A_1192 = arith.constant true
    %reduce_sum3A_1193 = vector.broadcast %reduce_sum3A_1192 : i1 to vector<16xi1>
    %reduce_sum3A_1194 = tpu.scan <sum>, %select_n3A_1191 masked %reduce_sum3A_1193 : vector<16xi32>, vector<16xi1> -> vector<16xi32>
    %reduce_sum3A_1195 = vector.extract %reduce_sum3A_1194[15] : i32 from vector<16xi32>
    %dma_start3A_1196 = arith.constant 54 : i32
    %dma_start3A_1197 = arith.constant 0 : i32
    %dma_start3A_1198 = tpu.memref_slice %arg6[%dma_start3A_1196, %dma_start3A_1197] : memref<64x100xf32, #tpu.memory_space<vmem>> -> memref<1x100xf32, #tpu.memory_space<vmem>>
    %dma_start3A_1199 = arith.constant 0 : i32
    %dma_start3A_1200 = tpu.memref_slice %arg3[%reduce_sum3A_1195, %dma_start3A_1199] : memref<100000x100xf32, #tpu.memory_space<hbm>> -> memref<1x100xf32, #tpu.memory_space<hbm>>
    %dma_start3A_1201 = arith.constant 54 : i32
    %dma_start3A_1202 = arith.constant 0 : i32
    %dma_start3A_1203 = tpu.memref_slice %arg6[%dma_start3A_1201, %dma_start3A_1202] : memref<64x100xf32, #tpu.memory_space<vmem>> -> memref<1x100xf32, #tpu.memory_space<vmem>>
    %dma_start3A_1204 = arith.constant 0 : i32
    %dma_start3A_1205 = tpu.memref_slice %arg3[%reduce_sum3A_1195, %dma_start3A_1204] : memref<100000x100xf32, #tpu.memory_space<hbm>> -> memref<1x100xf32, #tpu.memory_space<hbm>>
    tpu.enqueue_dma source(%dma_start3A_1205 : memref<1x100xf32, #tpu.memory_space<hbm>>) target(%dma_start3A_1203 : memref<1x100xf32, #tpu.memory_space<vmem>>) target_semaphore(%arg7 : memref<!tpu.dma_semaphore, #tpu.memory_space<semaphore_mem>>)
    %get3A_1206 = arith.constant 48 : index
    %get3A_1207 = tpu.vector_load %arg5[%get3A_1206] {strides = array<i32>} : memref<64xi32, #tpu.memory_space<vmem>>, vector<16xi32>,
    %eq3A_1208 = arith.constant 7 : i32
    %eq3A_1209 = vector.broadcast %eq3A_1208 : i32 to vector<16xi32>
    %eq3A_1210 = arith.cmpi eq, %iota3A, %eq3A_1209 : vector<16xi32>
    %jit3A_1211 = arith.constant 0 : i32
    %broadcast_in_dim3A_1212 = vector.broadcast %jit3A_1211 : i32 to vector<16xi32>
    %select_n3A_1213 = arith.select %eq3A_1210, %get3A_1207, %broadcast_in_dim3A_1212 : vector<16xi1>, vector<16xi32>
    %reduce_sum3A_1214 = arith.constant true
    %reduce_sum3A_1215 = vector.broadcast %reduce_sum3A_1214 : i1 to vector<16xi1>
    %reduce_sum3A_1216 = tpu.scan <sum>, %select_n3A_1213 masked %reduce_sum3A_1215 : vector<16xi32>, vector<16xi1> -> vector<16xi32>
    %reduce_sum3A_1217 = vector.extract %reduce_sum3A_1216[15] : i32 from vector<16xi32>
    %dma_start3A_1218 = arith.constant 55 : i32
    %dma_start3A_1219 = arith.constant 0 : i32
    %dma_start3A_1220 = tpu.memref_slice %arg6[%dma_start3A_1218, %dma_start3A_1219] : memref<64x100xf32, #tpu.memory_space<vmem>> -> memref<1x100xf32, #tpu.memory_space<vmem>>
    %dma_start3A_1221 = arith.constant 0 : i32
    %dma_start3A_1222 = tpu.memref_slice %arg3[%reduce_sum3A_1217, %dma_start3A_1221] : memref<100000x100xf32, #tpu.memory_space<hbm>> -> memref<1x100xf32, #tpu.memory_space<hbm>>
    %dma_start3A_1223 = arith.constant 55 : i32
    %dma_start3A_1224 = arith.constant 0 : i32
    %dma_start3A_1225 = tpu.memref_slice %arg6[%dma_start3A_1223, %dma_start3A_1224] : memref<64x100xf32, #tpu.memory_space<vmem>> -> memref<1x100xf32, #tpu.memory_space<vmem>>
    %dma_start3A_1226 = arith.constant 0 : i32
    %dma_start3A_1227 = tpu.memref_slice %arg3[%reduce_sum3A_1217, %dma_start3A_1226] : memref<100000x100xf32, #tpu.memory_space<hbm>> -> memref<1x100xf32, #tpu.memory_space<hbm>>
    tpu.enqueue_dma source(%dma_start3A_1227 : memref<1x100xf32, #tpu.memory_space<hbm>>) target(%dma_start3A_1225 : memref<1x100xf32, #tpu.memory_space<vmem>>) target_semaphore(%arg7 : memref<!tpu.dma_semaphore, #tpu.memory_space<semaphore_mem>>)
    %get3A_1228 = arith.constant 48 : index
    %get3A_1229 = tpu.vector_load %arg5[%get3A_1228] {strides = array<i32>} : memref<64xi32, #tpu.memory_space<vmem>>, vector<16xi32>,
    %eq3A_1230 = arith.constant 8 : i32
    %eq3A_1231 = vector.broadcast %eq3A_1230 : i32 to vector<16xi32>
    %eq3A_1232 = arith.cmpi eq, %iota3A, %eq3A_1231 : vector<16xi32>
    %jit3A_1233 = arith.constant 0 : i32
    %broadcast_in_dim3A_1234 = vector.broadcast %jit3A_1233 : i32 to vector<16xi32>
    %select_n3A_1235 = arith.select %eq3A_1232, %get3A_1229, %broadcast_in_dim3A_1234 : vector<16xi1>, vector<16xi32>
    %reduce_sum3A_1236 = arith.constant true
    %reduce_sum3A_1237 = vector.broadcast %reduce_sum3A_1236 : i1 to vector<16xi1>
    %reduce_sum3A_1238 = tpu.scan <sum>, %select_n3A_1235 masked %reduce_sum3A_1237 : vector<16xi32>, vector<16xi1> -> vector<16xi32>
    %reduce_sum3A_1239 = vector.extract %reduce_sum3A_1238[15] : i32 from vector<16xi32>
    %dma_start3A_1240 = arith.constant 56 : i32
    %dma_start3A_1241 = arith.constant 0 : i32
    %dma_start3A_1242 = tpu.memref_slice %arg6[%dma_start3A_1240, %dma_start3A_1241] : memref<64x100xf32, #tpu.memory_space<vmem>> -> memref<1x100xf32, #tpu.memory_space<vmem>>
    %dma_start3A_1243 = arith.constant 0 : i32
    %dma_start3A_1244 = tpu.memref_slice %arg3[%reduce_sum3A_1239, %dma_start3A_1243] : memref<100000x100xf32, #tpu.memory_space<hbm>> -> memref<1x100xf32, #tpu.memory_space<hbm>>
    %dma_start3A_1245 = arith.constant 56 : i32
    %dma_start3A_1246 = arith.constant 0 : i32
    %dma_start3A_1247 = tpu.memref_slice %arg6[%dma_start3A_1245, %dma_start3A_1246] : memref<64x100xf32, #tpu.memory_space<vmem>> -> memref<1x100xf32, #tpu.memory_space<vmem>>
    %dma_start3A_1248 = arith.constant 0 : i32
    %dma_start3A_1249 = tpu.memref_slice %arg3[%reduce_sum3A_1239, %dma_start3A_1248] : memref<100000x100xf32, #tpu.memory_space<hbm>> -> memref<1x100xf32, #tpu.memory_space<hbm>>
    tpu.enqueue_dma source(%dma_start3A_1249 : memref<1x100xf32, #tpu.memory_space<hbm>>) target(%dma_start3A_1247 : memref<1x100xf32, #tpu.memory_space<vmem>>) target_semaphore(%arg7 : memref<!tpu.dma_semaphore, #tpu.memory_space<semaphore_mem>>)
    %get3A_1250 = arith.constant 48 : index
    %get3A_1251 = tpu.vector_load %arg5[%get3A_1250] {strides = array<i32>} : memref<64xi32, #tpu.memory_space<vmem>>, vector<16xi32>,
    %eq3A_1252 = arith.constant 9 : i32
    %eq3A_1253 = vector.broadcast %eq3A_1252 : i32 to vector<16xi32>
    %eq3A_1254 = arith.cmpi eq, %iota3A, %eq3A_1253 : vector<16xi32>
    %jit3A_1255 = arith.constant 0 : i32
    %broadcast_in_dim3A_1256 = vector.broadcast %jit3A_1255 : i32 to vector<16xi32>
    %select_n3A_1257 = arith.select %eq3A_1254, %get3A_1251, %broadcast_in_dim3A_1256 : vector<16xi1>, vector<16xi32>
    %reduce_sum3A_1258 = arith.constant true
    %reduce_sum3A_1259 = vector.broadcast %reduce_sum3A_1258 : i1 to vector<16xi1>
    %reduce_sum3A_1260 = tpu.scan <sum>, %select_n3A_1257 masked %reduce_sum3A_1259 : vector<16xi32>, vector<16xi1> -> vector<16xi32>
    %reduce_sum3A_1261 = vector.extract %reduce_sum3A_1260[15] : i32 from vector<16xi32>
    %dma_start3A_1262 = arith.constant 57 : i32
    %dma_start3A_1263 = arith.constant 0 : i32
    %dma_start3A_1264 = tpu.memref_slice %arg6[%dma_start3A_1262, %dma_start3A_1263] : memref<64x100xf32, #tpu.memory_space<vmem>> -> memref<1x100xf32, #tpu.memory_space<vmem>>
    %dma_start3A_1265 = arith.constant 0 : i32
    %dma_start3A_1266 = tpu.memref_slice %arg3[%reduce_sum3A_1261, %dma_start3A_1265] : memref<100000x100xf32, #tpu.memory_space<hbm>> -> memref<1x100xf32, #tpu.memory_space<hbm>>
    %dma_start3A_1267 = arith.constant 57 : i32
    %dma_start3A_1268 = arith.constant 0 : i32
    %dma_start3A_1269 = tpu.memref_slice %arg6[%dma_start3A_1267, %dma_start3A_1268] : memref<64x100xf32, #tpu.memory_space<vmem>> -> memref<1x100xf32, #tpu.memory_space<vmem>>
    %dma_start3A_1270 = arith.constant 0 : i32
    %dma_start3A_1271 = tpu.memref_slice %arg3[%reduce_sum3A_1261, %dma_start3A_1270] : memref<100000x100xf32, #tpu.memory_space<hbm>> -> memref<1x100xf32, #tpu.memory_space<hbm>>
    tpu.enqueue_dma source(%dma_start3A_1271 : memref<1x100xf32, #tpu.memory_space<hbm>>) target(%dma_start3A_1269 : memref<1x100xf32, #tpu.memory_space<vmem>>) target_semaphore(%arg7 : memref<!tpu.dma_semaphore, #tpu.memory_space<semaphore_mem>>)
    %get3A_1272 = arith.constant 48 : index
    %get3A_1273 = tpu.vector_load %arg5[%get3A_1272] {strides = array<i32>} : memref<64xi32, #tpu.memory_space<vmem>>, vector<16xi32>,
    %eq3A_1274 = arith.constant 10 : i32
    %eq3A_1275 = vector.broadcast %eq3A_1274 : i32 to vector<16xi32>
    %eq3A_1276 = arith.cmpi eq, %iota3A, %eq3A_1275 : vector<16xi32>
    %jit3A_1277 = arith.constant 0 : i32
    %broadcast_in_dim3A_1278 = vector.broadcast %jit3A_1277 : i32 to vector<16xi32>
    %select_n3A_1279 = arith.select %eq3A_1276, %get3A_1273, %broadcast_in_dim3A_1278 : vector<16xi1>, vector<16xi32>
    %reduce_sum3A_1280 = arith.constant true
    %reduce_sum3A_1281 = vector.broadcast %reduce_sum3A_1280 : i1 to vector<16xi1>
    %reduce_sum3A_1282 = tpu.scan <sum>, %select_n3A_1279 masked %reduce_sum3A_1281 : vector<16xi32>, vector<16xi1> -> vector<16xi32>
    %reduce_sum3A_1283 = vector.extract %reduce_sum3A_1282[15] : i32 from vector<16xi32>
    %dma_start3A_1284 = arith.constant 58 : i32
    %dma_start3A_1285 = arith.constant 0 : i32
    %dma_start3A_1286 = tpu.memref_slice %arg6[%dma_start3A_1284, %dma_start3A_1285] : memref<64x100xf32, #tpu.memory_space<vmem>> -> memref<1x100xf32, #tpu.memory_space<vmem>>
    %dma_start3A_1287 = arith.constant 0 : i32
    %dma_start3A_1288 = tpu.memref_slice %arg3[%reduce_sum3A_1283, %dma_start3A_1287] : memref<100000x100xf32, #tpu.memory_space<hbm>> -> memref<1x100xf32, #tpu.memory_space<hbm>>
    %dma_start3A_1289 = arith.constant 58 : i32
    %dma_start3A_1290 = arith.constant 0 : i32
    %dma_start3A_1291 = tpu.memref_slice %arg6[%dma_start3A_1289, %dma_start3A_1290] : memref<64x100xf32, #tpu.memory_space<vmem>> -> memref<1x100xf32, #tpu.memory_space<vmem>>
    %dma_start3A_1292 = arith.constant 0 : i32
    %dma_start3A_1293 = tpu.memref_slice %arg3[%reduce_sum3A_1283, %dma_start3A_1292] : memref<100000x100xf32, #tpu.memory_space<hbm>> -> memref<1x100xf32, #tpu.memory_space<hbm>>
    tpu.enqueue_dma source(%dma_start3A_1293 : memref<1x100xf32, #tpu.memory_space<hbm>>) target(%dma_start3A_1291 : memref<1x100xf32, #tpu.memory_space<vmem>>) target_semaphore(%arg7 : memref<!tpu.dma_semaphore, #tpu.memory_space<semaphore_mem>>)
    %get3A_1294 = arith.constant 48 : index
    %get3A_1295 = tpu.vector_load %arg5[%get3A_1294] {strides = array<i32>} : memref<64xi32, #tpu.memory_space<vmem>>, vector<16xi32>,
    %eq3A_1296 = arith.constant 11 : i32
    %eq3A_1297 = vector.broadcast %eq3A_1296 : i32 to vector<16xi32>
    %eq3A_1298 = arith.cmpi eq, %iota3A, %eq3A_1297 : vector<16xi32>
    %jit3A_1299 = arith.constant 0 : i32
    %broadcast_in_dim3A_1300 = vector.broadcast %jit3A_1299 : i32 to vector<16xi32>
    %select_n3A_1301 = arith.select %eq3A_1298, %get3A_1295, %broadcast_in_dim3A_1300 : vector<16xi1>, vector<16xi32>
    %reduce_sum3A_1302 = arith.constant true
    %reduce_sum3A_1303 = vector.broadcast %reduce_sum3A_1302 : i1 to vector<16xi1>
    %reduce_sum3A_1304 = tpu.scan <sum>, %select_n3A_1301 masked %reduce_sum3A_1303 : vector<16xi32>, vector<16xi1> -> vector<16xi32>
    %reduce_sum3A_1305 = vector.extract %reduce_sum3A_1304[15] : i32 from vector<16xi32>
    %dma_start3A_1306 = arith.constant 59 : i32
    %dma_start3A_1307 = arith.constant 0 : i32
    %dma_start3A_1308 = tpu.memref_slice %arg6[%dma_start3A_1306, %dma_start3A_1307] : memref<64x100xf32, #tpu.memory_space<vmem>> -> memref<1x100xf32, #tpu.memory_space<vmem>>
    %dma_start3A_1309 = arith.constant 0 : i32
    %dma_start3A_1310 = tpu.memref_slice %arg3[%reduce_sum3A_1305, %dma_start3A_1309] : memref<100000x100xf32, #tpu.memory_space<hbm>> -> memref<1x100xf32, #tpu.memory_space<hbm>>
    %dma_start3A_1311 = arith.constant 59 : i32
    %dma_start3A_1312 = arith.constant 0 : i32
    %dma_start3A_1313 = tpu.memref_slice %arg6[%dma_start3A_1311, %dma_start3A_1312] : memref<64x100xf32, #tpu.memory_space<vmem>> -> memref<1x100xf32, #tpu.memory_space<vmem>>
    %dma_start3A_1314 = arith.constant 0 : i32
    %dma_start3A_1315 = tpu.memref_slice %arg3[%reduce_sum3A_1305, %dma_start3A_1314] : memref<100000x100xf32, #tpu.memory_space<hbm>> -> memref<1x100xf32, #tpu.memory_space<hbm>>
    tpu.enqueue_dma source(%dma_start3A_1315 : memref<1x100xf32, #tpu.memory_space<hbm>>) target(%dma_start3A_1313 : memref<1x100xf32, #tpu.memory_space<vmem>>) target_semaphore(%arg7 : memref<!tpu.dma_semaphore, #tpu.memory_space<semaphore_mem>>)
    %get3A_1316 = arith.constant 48 : index
    %get3A_1317 = tpu.vector_load %arg5[%get3A_1316] {strides = array<i32>} : memref<64xi32, #tpu.memory_space<vmem>>, vector<16xi32>,
    %eq3A_1318 = arith.constant 12 : i32
    %eq3A_1319 = vector.broadcast %eq3A_1318 : i32 to vector<16xi32>
    %eq3A_1320 = arith.cmpi eq, %iota3A, %eq3A_1319 : vector<16xi32>
    %jit3A_1321 = arith.constant 0 : i32
    %broadcast_in_dim3A_1322 = vector.broadcast %jit3A_1321 : i32 to vector<16xi32>
    %select_n3A_1323 = arith.select %eq3A_1320, %get3A_1317, %broadcast_in_dim3A_1322 : vector<16xi1>, vector<16xi32>
    %reduce_sum3A_1324 = arith.constant true
    %reduce_sum3A_1325 = vector.broadcast %reduce_sum3A_1324 : i1 to vector<16xi1>
    %reduce_sum3A_1326 = tpu.scan <sum>, %select_n3A_1323 masked %reduce_sum3A_1325 : vector<16xi32>, vector<16xi1> -> vector<16xi32>
    %reduce_sum3A_1327 = vector.extract %reduce_sum3A_1326[15] : i32 from vector<16xi32>
    %dma_start3A_1328 = arith.constant 60 : i32
    %dma_start3A_1329 = arith.constant 0 : i32
    %dma_start3A_1330 = tpu.memref_slice %arg6[%dma_start3A_1328, %dma_start3A_1329] : memref<64x100xf32, #tpu.memory_space<vmem>> -> memref<1x100xf32, #tpu.memory_space<vmem>>
    %dma_start3A_1331 = arith.constant 0 : i32
    %dma_start3A_1332 = tpu.memref_slice %arg3[%reduce_sum3A_1327, %dma_start3A_1331] : memref<100000x100xf32, #tpu.memory_space<hbm>> -> memref<1x100xf32, #tpu.memory_space<hbm>>
    %dma_start3A_1333 = arith.constant 60 : i32
    %dma_start3A_1334 = arith.constant 0 : i32
    %dma_start3A_1335 = tpu.memref_slice %arg6[%dma_start3A_1333, %dma_start3A_1334] : memref<64x100xf32, #tpu.memory_space<vmem>> -> memref<1x100xf32, #tpu.memory_space<vmem>>
    %dma_start3A_1336 = arith.constant 0 : i32
    %dma_start3A_1337 = tpu.memref_slice %arg3[%reduce_sum3A_1327, %dma_start3A_1336] : memref<100000x100xf32, #tpu.memory_space<hbm>> -> memref<1x100xf32, #tpu.memory_space<hbm>>
    tpu.enqueue_dma source(%dma_start3A_1337 : memref<1x100xf32, #tpu.memory_space<hbm>>) target(%dma_start3A_1335 : memref<1x100xf32, #tpu.memory_space<vmem>>) target_semaphore(%arg7 : memref<!tpu.dma_semaphore, #tpu.memory_space<semaphore_mem>>)
    %get3A_1338 = arith.constant 48 : index
    %get3A_1339 = tpu.vector_load %arg5[%get3A_1338] {strides = array<i32>} : memref<64xi32, #tpu.memory_space<vmem>>, vector<16xi32>,
    %eq3A_1340 = arith.constant 13 : i32
    %eq3A_1341 = vector.broadcast %eq3A_1340 : i32 to vector<16xi32>
    %eq3A_1342 = arith.cmpi eq, %iota3A, %eq3A_1341 : vector<16xi32>
    %jit3A_1343 = arith.constant 0 : i32
    %broadcast_in_dim3A_1344 = vector.broadcast %jit3A_1343 : i32 to vector<16xi32>
    %select_n3A_1345 = arith.select %eq3A_1342, %get3A_1339, %broadcast_in_dim3A_1344 : vector<16xi1>, vector<16xi32>
    %reduce_sum3A_1346 = arith.constant true
    %reduce_sum3A_1347 = vector.broadcast %reduce_sum3A_1346 : i1 to vector<16xi1>
    %reduce_sum3A_1348 = tpu.scan <sum>, %select_n3A_1345 masked %reduce_sum3A_1347 : vector<16xi32>, vector<16xi1> -> vector<16xi32>
    %reduce_sum3A_1349 = vector.extract %reduce_sum3A_1348[15] : i32 from vector<16xi32>
    %dma_start3A_1350 = arith.constant 61 : i32
    %dma_start3A_1351 = arith.constant 0 : i32
    %dma_start3A_1352 = tpu.memref_slice %arg6[%dma_start3A_1350, %dma_start3A_1351] : memref<64x100xf32, #tpu.memory_space<vmem>> -> memref<1x100xf32, #tpu.memory_space<vmem>>
    %dma_start3A_1353 = arith.constant 0 : i32
    %dma_start3A_1354 = tpu.memref_slice %arg3[%reduce_sum3A_1349, %dma_start3A_1353] : memref<100000x100xf32, #tpu.memory_space<hbm>> -> memref<1x100xf32, #tpu.memory_space<hbm>>
    %dma_start3A_1355 = arith.constant 61 : i32
    %dma_start3A_1356 = arith.constant 0 : i32
    %dma_start3A_1357 = tpu.memref_slice %arg6[%dma_start3A_1355, %dma_start3A_1356] : memref<64x100xf32, #tpu.memory_space<vmem>> -> memref<1x100xf32, #tpu.memory_space<vmem>>
    %dma_start3A_1358 = arith.constant 0 : i32
    %dma_start3A_1359 = tpu.memref_slice %arg3[%reduce_sum3A_1349, %dma_start3A_1358] : memref<100000x100xf32, #tpu.memory_space<hbm>> -> memref<1x100xf32, #tpu.memory_space<hbm>>
    tpu.enqueue_dma source(%dma_start3A_1359 : memref<1x100xf32, #tpu.memory_space<hbm>>) target(%dma_start3A_1357 : memref<1x100xf32, #tpu.memory_space<vmem>>) target_semaphore(%arg7 : memref<!tpu.dma_semaphore, #tpu.memory_space<semaphore_mem>>)
    %get3A_1360 = arith.constant 48 : index
    %get3A_1361 = tpu.vector_load %arg5[%get3A_1360] {strides = array<i32>} : memref<64xi32, #tpu.memory_space<vmem>>, vector<16xi32>,
    %eq3A_1362 = arith.constant 14 : i32
    %eq3A_1363 = vector.broadcast %eq3A_1362 : i32 to vector<16xi32>
    %eq3A_1364 = arith.cmpi eq, %iota3A, %eq3A_1363 : vector<16xi32>
    %jit3A_1365 = arith.constant 0 : i32
    %broadcast_in_dim3A_1366 = vector.broadcast %jit3A_1365 : i32 to vector<16xi32>
    %select_n3A_1367 = arith.select %eq3A_1364, %get3A_1361, %broadcast_in_dim3A_1366 : vector<16xi1>, vector<16xi32>
    %reduce_sum3A_1368 = arith.constant true
    %reduce_sum3A_1369 = vector.broadcast %reduce_sum3A_1368 : i1 to vector<16xi1>
    %reduce_sum3A_1370 = tpu.scan <sum>, %select_n3A_1367 masked %reduce_sum3A_1369 : vector<16xi32>, vector<16xi1> -> vector<16xi32>
    %reduce_sum3A_1371 = vector.extract %reduce_sum3A_1370[15] : i32 from vector<16xi32>
    %dma_start3A_1372 = arith.constant 62 : i32
    %dma_start3A_1373 = arith.constant 0 : i32
    %dma_start3A_1374 = tpu.memref_slice %arg6[%dma_start3A_1372, %dma_start3A_1373] : memref<64x100xf32, #tpu.memory_space<vmem>> -> memref<1x100xf32, #tpu.memory_space<vmem>>
    %dma_start3A_1375 = arith.constant 0 : i32
    %dma_start3A_1376 = tpu.memref_slice %arg3[%reduce_sum3A_1371, %dma_start3A_1375] : memref<100000x100xf32, #tpu.memory_space<hbm>> -> memref<1x100xf32, #tpu.memory_space<hbm>>
    %dma_start3A_1377 = arith.constant 62 : i32
    %dma_start3A_1378 = arith.constant 0 : i32
    %dma_start3A_1379 = tpu.memref_slice %arg6[%dma_start3A_1377, %dma_start3A_1378] : memref<64x100xf32, #tpu.memory_space<vmem>> -> memref<1x100xf32, #tpu.memory_space<vmem>>
    %dma_start3A_1380 = arith.constant 0 : i32
    %dma_start3A_1381 = tpu.memref_slice %arg3[%reduce_sum3A_1371, %dma_start3A_1380] : memref<100000x100xf32, #tpu.memory_space<hbm>> -> memref<1x100xf32, #tpu.memory_space<hbm>>
    tpu.enqueue_dma source(%dma_start3A_1381 : memref<1x100xf32, #tpu.memory_space<hbm>>) target(%dma_start3A_1379 : memref<1x100xf32, #tpu.memory_space<vmem>>) target_semaphore(%arg7 : memref<!tpu.dma_semaphore, #tpu.memory_space<semaphore_mem>>)
    %get3A_1382 = arith.constant 48 : index
    %get3A_1383 = tpu.vector_load %arg5[%get3A_1382] {strides = array<i32>} : memref<64xi32, #tpu.memory_space<vmem>>, vector<16xi32>,
    %eq3A_1384 = arith.constant 15 : i32
    %eq3A_1385 = vector.broadcast %eq3A_1384 : i32 to vector<16xi32>
    %eq3A_1386 = arith.cmpi eq, %iota3A, %eq3A_1385 : vector<16xi32>
    %jit3A_1387 = arith.constant 0 : i32
    %broadcast_in_dim3A_1388 = vector.broadcast %jit3A_1387 : i32 to vector<16xi32>
    %select_n3A_1389 = arith.select %eq3A_1386, %get3A_1383, %broadcast_in_dim3A_1388 : vector<16xi1>, vector<16xi32>
    %reduce_sum3A_1390 = arith.constant true
    %reduce_sum3A_1391 = vector.broadcast %reduce_sum3A_1390 : i1 to vector<16xi1>
    %reduce_sum3A_1392 = tpu.scan <sum>, %select_n3A_1389 masked %reduce_sum3A_1391 : vector<16xi32>, vector<16xi1> -> vector<16xi32>
    %reduce_sum3A_1393 = vector.extract %reduce_sum3A_1392[15] : i32 from vector<16xi32>
    %dma_start3A_1394 = arith.constant 63 : i32
    %dma_start3A_1395 = arith.constant 0 : i32
    %dma_start3A_1396 = tpu.memref_slice %arg6[%dma_start3A_1394, %dma_start3A_1395] : memref<64x100xf32, #tpu.memory_space<vmem>> -> memref<1x100xf32, #tpu.memory_space<vmem>>
    %dma_start3A_1397 = arith.constant 0 : i32
    %dma_start3A_1398 = tpu.memref_slice %arg3[%reduce_sum3A_1393, %dma_start3A_1397] : memref<100000x100xf32, #tpu.memory_space<hbm>> -> memref<1x100xf32, #tpu.memory_space<hbm>>
    %dma_start3A_1399 = arith.constant 63 : i32
    %dma_start3A_1400 = arith.constant 0 : i32
    %dma_start3A_1401 = tpu.memref_slice %arg6[%dma_start3A_1399, %dma_start3A_1400] : memref<64x100xf32, #tpu.memory_space<vmem>> -> memref<1x100xf32, #tpu.memory_space<vmem>>
    %dma_start3A_1402 = arith.constant 0 : i32
    %dma_start3A_1403 = tpu.memref_slice %arg3[%reduce_sum3A_1393, %dma_start3A_1402] : memref<100000x100xf32, #tpu.memory_space<hbm>> -> memref<1x100xf32, #tpu.memory_space<hbm>>
    tpu.enqueue_dma source(%dma_start3A_1403 : memref<1x100xf32, #tpu.memory_space<hbm>>) target(%dma_start3A_1401 : memref<1x100xf32, #tpu.memory_space<vmem>>) target_semaphore(%arg7 : memref<!tpu.dma_semaphore, #tpu.memory_space<semaphore_mem>>)
    %dma_wait3A = arith.constant 0 : i32
    %dma_wait3A_1404 = arith.constant 0 : i32
    %dma_wait3A_1405 = tpu.memref_slice %arg6[%dma_wait3A, %dma_wait3A_1404] : memref<64x100xf32, #tpu.memory_space<vmem>> -> memref<1x100xf32, #tpu.memory_space<vmem>>
    %dma_wait3A_1406 = arith.constant 0 : i32
    %dma_wait3A_1407 = tpu.memref_slice %arg3[%reduce_sum3A_8, %dma_wait3A_1406] : memref<100000x100xf32, #tpu.memory_space<hbm>> -> memref<1x100xf32, #tpu.memory_space<hbm>>
    %dma_wait3A_1408 = arith.constant 0 : i32
    %dma_wait3A_1409 = arith.constant 0 : i32
    %dma_wait3A_1410 = tpu.memref_slice %arg6[%dma_wait3A_1408, %dma_wait3A_1409] : memref<64x100xf32, #tpu.memory_space<vmem>> -> memref<1x100xf32, #tpu.memory_space<vmem>>
    %dma_wait3A_1411 = arith.constant 0 : i32
    %dma_wait3A_1412 = tpu.memref_slice %arg3[%reduce_sum3A_8, %dma_wait3A_1411] : memref<100000x100xf32, #tpu.memory_space<hbm>> -> memref<1x100xf32, #tpu.memory_space<hbm>>
    tpu.wait_dma2 semaphore(%arg7 : memref<!tpu.dma_semaphore, #tpu.memory_space<semaphore_mem>>) src(%dma_wait3A_1412 : memref<1x100xf32, #tpu.memory_space<hbm>>) dst(%dma_wait3A_1410 : memref<1x100xf32, #tpu.memory_space<vmem>>)
    %dma_wait3A_1413 = arith.constant 1 : i32
    %dma_wait3A_1414 = arith.constant 0 : i32
    %dma_wait3A_1415 = tpu.memref_slice %arg6[%dma_wait3A_1413, %dma_wait3A_1414] : memref<64x100xf32, #tpu.memory_space<vmem>> -> memref<1x100xf32, #tpu.memory_space<vmem>>
    %dma_wait3A_1416 = arith.constant 0 : i32
    %dma_wait3A_1417 = tpu.memref_slice %arg3[%reduce_sum3A_29, %dma_wait3A_1416] : memref<100000x100xf32, #tpu.memory_space<hbm>> -> memref<1x100xf32, #tpu.memory_space<hbm>>
    %dma_wait3A_1418 = arith.constant 1 : i32
    %dma_wait3A_1419 = arith.constant 0 : i32
    %dma_wait3A_1420 = tpu.memref_slice %arg6[%dma_wait3A_1418, %dma_wait3A_1419] : memref<64x100xf32, #tpu.memory_space<vmem>> -> memref<1x100xf32, #tpu.memory_space<vmem>>
    %dma_wait3A_1421 = arith.constant 0 : i32
    %dma_wait3A_1422 = tpu.memref_slice %arg3[%reduce_sum3A_29, %dma_wait3A_1421] : memref<100000x100xf32, #tpu.memory_space<hbm>> -> memref<1x100xf32, #tpu.memory_space<hbm>>
    tpu.wait_dma2 semaphore(%arg7 : memref<!tpu.dma_semaphore, #tpu.memory_space<semaphore_mem>>) src(%dma_wait3A_1422 : memref<1x100xf32, #tpu.memory_space<hbm>>) dst(%dma_wait3A_1420 : memref<1x100xf32, #tpu.memory_space<vmem>>)
    %dma_wait3A_1423 = arith.constant 2 : i32
    %dma_wait3A_1424 = arith.constant 0 : i32
    %dma_wait3A_1425 = tpu.memref_slice %arg6[%dma_wait3A_1423, %dma_wait3A_1424] : memref<64x100xf32, #tpu.memory_space<vmem>> -> memref<1x100xf32, #tpu.memory_space<vmem>>
    %dma_wait3A_1426 = arith.constant 0 : i32
    %dma_wait3A_1427 = tpu.memref_slice %arg3[%reduce_sum3A_51, %dma_wait3A_1426] : memref<100000x100xf32, #tpu.memory_space<hbm>> -> memref<1x100xf32, #tpu.memory_space<hbm>>
    %dma_wait3A_1428 = arith.constant 2 : i32
    %dma_wait3A_1429 = arith.constant 0 : i32
    %dma_wait3A_1430 = tpu.memref_slice %arg6[%dma_wait3A_1428, %dma_wait3A_1429] : memref<64x100xf32, #tpu.memory_space<vmem>> -> memref<1x100xf32, #tpu.memory_space<vmem>>
    %dma_wait3A_1431 = arith.constant 0 : i32
    %dma_wait3A_1432 = tpu.memref_slice %arg3[%reduce_sum3A_51, %dma_wait3A_1431] : memref<100000x100xf32, #tpu.memory_space<hbm>> -> memref<1x100xf32, #tpu.memory_space<hbm>>
    tpu.wait_dma2 semaphore(%arg7 : memref<!tpu.dma_semaphore, #tpu.memory_space<semaphore_mem>>) src(%dma_wait3A_1432 : memref<1x100xf32, #tpu.memory_space<hbm>>) dst(%dma_wait3A_1430 : memref<1x100xf32, #tpu.memory_space<vmem>>)
    %dma_wait3A_1433 = arith.constant 3 : i32
    %dma_wait3A_1434 = arith.constant 0 : i32
    %dma_wait3A_1435 = tpu.memref_slice %arg6[%dma_wait3A_1433, %dma_wait3A_1434] : memref<64x100xf32, #tpu.memory_space<vmem>> -> memref<1x100xf32, #tpu.memory_space<vmem>>
    %dma_wait3A_1436 = arith.constant 0 : i32
    %dma_wait3A_1437 = tpu.memref_slice %arg3[%reduce_sum3A_73, %dma_wait3A_1436] : memref<100000x100xf32, #tpu.memory_space<hbm>> -> memref<1x100xf32, #tpu.memory_space<hbm>>
    %dma_wait3A_1438 = arith.constant 3 : i32
    %dma_wait3A_1439 = arith.constant 0 : i32
    %dma_wait3A_1440 = tpu.memref_slice %arg6[%dma_wait3A_1438, %dma_wait3A_1439] : memref<64x100xf32, #tpu.memory_space<vmem>> -> memref<1x100xf32, #tpu.memory_space<vmem>>
    %dma_wait3A_1441 = arith.constant 0 : i32
    %dma_wait3A_1442 = tpu.memref_slice %arg3[%reduce_sum3A_73, %dma_wait3A_1441] : memref<100000x100xf32, #tpu.memory_space<hbm>> -> memref<1x100xf32, #tpu.memory_space<hbm>>
    tpu.wait_dma2 semaphore(%arg7 : memref<!tpu.dma_semaphore, #tpu.memory_space<semaphore_mem>>) src(%dma_wait3A_1442 : memref<1x100xf32, #tpu.memory_space<hbm>>) dst(%dma_wait3A_1440 : memref<1x100xf32, #tpu.memory_space<vmem>>)
    %dma_wait3A_1443 = arith.constant 4 : i32
    %dma_wait3A_1444 = arith.constant 0 : i32
    %dma_wait3A_1445 = tpu.memref_slice %arg6[%dma_wait3A_1443, %dma_wait3A_1444] : memref<64x100xf32, #tpu.memory_space<vmem>> -> memref<1x100xf32, #tpu.memory_space<vmem>>
    %dma_wait3A_1446 = arith.constant 0 : i32
    %dma_wait3A_1447 = tpu.memref_slice %arg3[%reduce_sum3A_95, %dma_wait3A_1446] : memref<100000x100xf32, #tpu.memory_space<hbm>> -> memref<1x100xf32, #tpu.memory_space<hbm>>
    %dma_wait3A_1448 = arith.constant 4 : i32
    %dma_wait3A_1449 = arith.constant 0 : i32
    %dma_wait3A_1450 = tpu.memref_slice %arg6[%dma_wait3A_1448, %dma_wait3A_1449] : memref<64x100xf32, #tpu.memory_space<vmem>> -> memref<1x100xf32, #tpu.memory_space<vmem>>
    %dma_wait3A_1451 = arith.constant 0 : i32
    %dma_wait3A_1452 = tpu.memref_slice %arg3[%reduce_sum3A_95, %dma_wait3A_1451] : memref<100000x100xf32, #tpu.memory_space<hbm>> -> memref<1x100xf32, #tpu.memory_space<hbm>>
    tpu.wait_dma2 semaphore(%arg7 : memref<!tpu.dma_semaphore, #tpu.memory_space<semaphore_mem>>) src(%dma_wait3A_1452 : memref<1x100xf32, #tpu.memory_space<hbm>>) dst(%dma_wait3A_1450 : memref<1x100xf32, #tpu.memory_space<vmem>>)
    %dma_wait3A_1453 = arith.constant 5 : i32
    %dma_wait3A_1454 = arith.constant 0 : i32
    %dma_wait3A_1455 = tpu.memref_slice %arg6[%dma_wait3A_1453, %dma_wait3A_1454] : memref<64x100xf32, #tpu.memory_space<vmem>> -> memref<1x100xf32, #tpu.memory_space<vmem>>
    %dma_wait3A_1456 = arith.constant 0 : i32
    %dma_wait3A_1457 = tpu.memref_slice %arg3[%reduce_sum3A_117, %dma_wait3A_1456] : memref<100000x100xf32, #tpu.memory_space<hbm>> -> memref<1x100xf32, #tpu.memory_space<hbm>>
    %dma_wait3A_1458 = arith.constant 5 : i32
    %dma_wait3A_1459 = arith.constant 0 : i32
    %dma_wait3A_1460 = tpu.memref_slice %arg6[%dma_wait3A_1458, %dma_wait3A_1459] : memref<64x100xf32, #tpu.memory_space<vmem>> -> memref<1x100xf32, #tpu.memory_space<vmem>>
    %dma_wait3A_1461 = arith.constant 0 : i32
    %dma_wait3A_1462 = tpu.memref_slice %arg3[%reduce_sum3A_117, %dma_wait3A_1461] : memref<100000x100xf32, #tpu.memory_space<hbm>> -> memref<1x100xf32, #tpu.memory_space<hbm>>
    tpu.wait_dma2 semaphore(%arg7 : memref<!tpu.dma_semaphore, #tpu.memory_space<semaphore_mem>>) src(%dma_wait3A_1462 : memref<1x100xf32, #tpu.memory_space<hbm>>) dst(%dma_wait3A_1460 : memref<1x100xf32, #tpu.memory_space<vmem>>)
    %dma_wait3A_1463 = arith.constant 6 : i32
    %dma_wait3A_1464 = arith.constant 0 : i32
    %dma_wait3A_1465 = tpu.memref_slice %arg6[%dma_wait3A_1463, %dma_wait3A_1464] : memref<64x100xf32, #tpu.memory_space<vmem>> -> memref<1x100xf32, #tpu.memory_space<vmem>>
    %dma_wait3A_1466 = arith.constant 0 : i32
    %dma_wait3A_1467 = tpu.memref_slice %arg3[%reduce_sum3A_139, %dma_wait3A_1466] : memref<100000x100xf32, #tpu.memory_space<hbm>> -> memref<1x100xf32, #tpu.memory_space<hbm>>
    %dma_wait3A_1468 = arith.constant 6 : i32
    %dma_wait3A_1469 = arith.constant 0 : i32
    %dma_wait3A_1470 = tpu.memref_slice %arg6[%dma_wait3A_1468, %dma_wait3A_1469] : memref<64x100xf32, #tpu.memory_space<vmem>> -> memref<1x100xf32, #tpu.memory_space<vmem>>
    %dma_wait3A_1471 = arith.constant 0 : i32
    %dma_wait3A_1472 = tpu.memref_slice %arg3[%reduce_sum3A_139, %dma_wait3A_1471] : memref<100000x100xf32, #tpu.memory_space<hbm>> -> memref<1x100xf32, #tpu.memory_space<hbm>>
    tpu.wait_dma2 semaphore(%arg7 : memref<!tpu.dma_semaphore, #tpu.memory_space<semaphore_mem>>) src(%dma_wait3A_1472 : memref<1x100xf32, #tpu.memory_space<hbm>>) dst(%dma_wait3A_1470 : memref<1x100xf32, #tpu.memory_space<vmem>>)
    %dma_wait3A_1473 = arith.constant 7 : i32
    %dma_wait3A_1474 = arith.constant 0 : i32
    %dma_wait3A_1475 = tpu.memref_slice %arg6[%dma_wait3A_1473, %dma_wait3A_1474] : memref<64x100xf32, #tpu.memory_space<vmem>> -> memref<1x100xf32, #tpu.memory_space<vmem>>
    %dma_wait3A_1476 = arith.constant 0 : i32
    %dma_wait3A_1477 = tpu.memref_slice %arg3[%reduce_sum3A_161, %dma_wait3A_1476] : memref<100000x100xf32, #tpu.memory_space<hbm>> -> memref<1x100xf32, #tpu.memory_space<hbm>>
    %dma_wait3A_1478 = arith.constant 7 : i32
    %dma_wait3A_1479 = arith.constant 0 : i32
    %dma_wait3A_1480 = tpu.memref_slice %arg6[%dma_wait3A_1478, %dma_wait3A_1479] : memref<64x100xf32, #tpu.memory_space<vmem>> -> memref<1x100xf32, #tpu.memory_space<vmem>>
    %dma_wait3A_1481 = arith.constant 0 : i32
    %dma_wait3A_1482 = tpu.memref_slice %arg3[%reduce_sum3A_161, %dma_wait3A_1481] : memref<100000x100xf32, #tpu.memory_space<hbm>> -> memref<1x100xf32, #tpu.memory_space<hbm>>
    tpu.wait_dma2 semaphore(%arg7 : memref<!tpu.dma_semaphore, #tpu.memory_space<semaphore_mem>>) src(%dma_wait3A_1482 : memref<1x100xf32, #tpu.memory_space<hbm>>) dst(%dma_wait3A_1480 : memref<1x100xf32, #tpu.memory_space<vmem>>)
    %dma_wait3A_1483 = arith.constant 8 : i32
    %dma_wait3A_1484 = arith.constant 0 : i32
    %dma_wait3A_1485 = tpu.memref_slice %arg6[%dma_wait3A_1483, %dma_wait3A_1484] : memref<64x100xf32, #tpu.memory_space<vmem>> -> memref<1x100xf32, #tpu.memory_space<vmem>>
    %dma_wait3A_1486 = arith.constant 0 : i32
    %dma_wait3A_1487 = tpu.memref_slice %arg3[%reduce_sum3A_183, %dma_wait3A_1486] : memref<100000x100xf32, #tpu.memory_space<hbm>> -> memref<1x100xf32, #tpu.memory_space<hbm>>
    %dma_wait3A_1488 = arith.constant 8 : i32
    %dma_wait3A_1489 = arith.constant 0 : i32
    %dma_wait3A_1490 = tpu.memref_slice %arg6[%dma_wait3A_1488, %dma_wait3A_1489] : memref<64x100xf32, #tpu.memory_space<vmem>> -> memref<1x100xf32, #tpu.memory_space<vmem>>
    %dma_wait3A_1491 = arith.constant 0 : i32
    %dma_wait3A_1492 = tpu.memref_slice %arg3[%reduce_sum3A_183, %dma_wait3A_1491] : memref<100000x100xf32, #tpu.memory_space<hbm>> -> memref<1x100xf32, #tpu.memory_space<hbm>>
    tpu.wait_dma2 semaphore(%arg7 : memref<!tpu.dma_semaphore, #tpu.memory_space<semaphore_mem>>) src(%dma_wait3A_1492 : memref<1x100xf32, #tpu.memory_space<hbm>>) dst(%dma_wait3A_1490 : memref<1x100xf32, #tpu.memory_space<vmem>>)
    %dma_wait3A_1493 = arith.constant 9 : i32
    %dma_wait3A_1494 = arith.constant 0 : i32
    %dma_wait3A_1495 = tpu.memref_slice %arg6[%dma_wait3A_1493, %dma_wait3A_1494] : memref<64x100xf32, #tpu.memory_space<vmem>> -> memref<1x100xf32, #tpu.memory_space<vmem>>
    %dma_wait3A_1496 = arith.constant 0 : i32
    %dma_wait3A_1497 = tpu.memref_slice %arg3[%reduce_sum3A_205, %dma_wait3A_1496] : memref<100000x100xf32, #tpu.memory_space<hbm>> -> memref<1x100xf32, #tpu.memory_space<hbm>>
    %dma_wait3A_1498 = arith.constant 9 : i32
    %dma_wait3A_1499 = arith.constant 0 : i32
    %dma_wait3A_1500 = tpu.memref_slice %arg6[%dma_wait3A_1498, %dma_wait3A_1499] : memref<64x100xf32, #tpu.memory_space<vmem>> -> memref<1x100xf32, #tpu.memory_space<vmem>>
    %dma_wait3A_1501 = arith.constant 0 : i32
    %dma_wait3A_1502 = tpu.memref_slice %arg3[%reduce_sum3A_205, %dma_wait3A_1501] : memref<100000x100xf32, #tpu.memory_space<hbm>> -> memref<1x100xf32, #tpu.memory_space<hbm>>
    tpu.wait_dma2 semaphore(%arg7 : memref<!tpu.dma_semaphore, #tpu.memory_space<semaphore_mem>>) src(%dma_wait3A_1502 : memref<1x100xf32, #tpu.memory_space<hbm>>) dst(%dma_wait3A_1500 : memref<1x100xf32, #tpu.memory_space<vmem>>)
    %dma_wait3A_1503 = arith.constant 10 : i32
    %dma_wait3A_1504 = arith.constant 0 : i32
    %dma_wait3A_1505 = tpu.memref_slice %arg6[%dma_wait3A_1503, %dma_wait3A_1504] : memref<64x100xf32, #tpu.memory_space<vmem>> -> memref<1x100xf32, #tpu.memory_space<vmem>>
    %dma_wait3A_1506 = arith.constant 0 : i32
    %dma_wait3A_1507 = tpu.memref_slice %arg3[%reduce_sum3A_227, %dma_wait3A_1506] : memref<100000x100xf32, #tpu.memory_space<hbm>> -> memref<1x100xf32, #tpu.memory_space<hbm>>
    %dma_wait3A_1508 = arith.constant 10 : i32
    %dma_wait3A_1509 = arith.constant 0 : i32
    %dma_wait3A_1510 = tpu.memref_slice %arg6[%dma_wait3A_1508, %dma_wait3A_1509] : memref<64x100xf32, #tpu.memory_space<vmem>> -> memref<1x100xf32, #tpu.memory_space<vmem>>
    %dma_wait3A_1511 = arith.constant 0 : i32
    %dma_wait3A_1512 = tpu.memref_slice %arg3[%reduce_sum3A_227, %dma_wait3A_1511] : memref<100000x100xf32, #tpu.memory_space<hbm>> -> memref<1x100xf32, #tpu.memory_space<hbm>>
    tpu.wait_dma2 semaphore(%arg7 : memref<!tpu.dma_semaphore, #tpu.memory_space<semaphore_mem>>) src(%dma_wait3A_1512 : memref<1x100xf32, #tpu.memory_space<hbm>>) dst(%dma_wait3A_1510 : memref<1x100xf32, #tpu.memory_space<vmem>>)
    %dma_wait3A_1513 = arith.constant 11 : i32
    %dma_wait3A_1514 = arith.constant 0 : i32
    %dma_wait3A_1515 = tpu.memref_slice %arg6[%dma_wait3A_1513, %dma_wait3A_1514] : memref<64x100xf32, #tpu.memory_space<vmem>> -> memref<1x100xf32, #tpu.memory_space<vmem>>
    %dma_wait3A_1516 = arith.constant 0 : i32
    %dma_wait3A_1517 = tpu.memref_slice %arg3[%reduce_sum3A_249, %dma_wait3A_1516] : memref<100000x100xf32, #tpu.memory_space<hbm>> -> memref<1x100xf32, #tpu.memory_space<hbm>>
    %dma_wait3A_1518 = arith.constant 11 : i32
    %dma_wait3A_1519 = arith.constant 0 : i32
    %dma_wait3A_1520 = tpu.memref_slice %arg6[%dma_wait3A_1518, %dma_wait3A_1519] : memref<64x100xf32, #tpu.memory_space<vmem>> -> memref<1x100xf32, #tpu.memory_space<vmem>>
    %dma_wait3A_1521 = arith.constant 0 : i32
    %dma_wait3A_1522 = tpu.memref_slice %arg3[%reduce_sum3A_249, %dma_wait3A_1521] : memref<100000x100xf32, #tpu.memory_space<hbm>> -> memref<1x100xf32, #tpu.memory_space<hbm>>
    tpu.wait_dma2 semaphore(%arg7 : memref<!tpu.dma_semaphore, #tpu.memory_space<semaphore_mem>>) src(%dma_wait3A_1522 : memref<1x100xf32, #tpu.memory_space<hbm>>) dst(%dma_wait3A_1520 : memref<1x100xf32, #tpu.memory_space<vmem>>)
    %dma_wait3A_1523 = arith.constant 12 : i32
    %dma_wait3A_1524 = arith.constant 0 : i32
    %dma_wait3A_1525 = tpu.memref_slice %arg6[%dma_wait3A_1523, %dma_wait3A_1524] : memref<64x100xf32, #tpu.memory_space<vmem>> -> memref<1x100xf32, #tpu.memory_space<vmem>>
    %dma_wait3A_1526 = arith.constant 0 : i32
    %dma_wait3A_1527 = tpu.memref_slice %arg3[%reduce_sum3A_271, %dma_wait3A_1526] : memref<100000x100xf32, #tpu.memory_space<hbm>> -> memref<1x100xf32, #tpu.memory_space<hbm>>
    %dma_wait3A_1528 = arith.constant 12 : i32
    %dma_wait3A_1529 = arith.constant 0 : i32
    %dma_wait3A_1530 = tpu.memref_slice %arg6[%dma_wait3A_1528, %dma_wait3A_1529] : memref<64x100xf32, #tpu.memory_space<vmem>> -> memref<1x100xf32, #tpu.memory_space<vmem>>
    %dma_wait3A_1531 = arith.constant 0 : i32
    %dma_wait3A_1532 = tpu.memref_slice %arg3[%reduce_sum3A_271, %dma_wait3A_1531] : memref<100000x100xf32, #tpu.memory_space<hbm>> -> memref<1x100xf32, #tpu.memory_space<hbm>>
    tpu.wait_dma2 semaphore(%arg7 : memref<!tpu.dma_semaphore, #tpu.memory_space<semaphore_mem>>) src(%dma_wait3A_1532 : memref<1x100xf32, #tpu.memory_space<hbm>>) dst(%dma_wait3A_1530 : memref<1x100xf32, #tpu.memory_space<vmem>>)
    %dma_wait3A_1533 = arith.constant 13 : i32
    %dma_wait3A_1534 = arith.constant 0 : i32
    %dma_wait3A_1535 = tpu.memref_slice %arg6[%dma_wait3A_1533, %dma_wait3A_1534] : memref<64x100xf32, #tpu.memory_space<vmem>> -> memref<1x100xf32, #tpu.memory_space<vmem>>
    %dma_wait3A_1536 = arith.constant 0 : i32
    %dma_wait3A_1537 = tpu.memref_slice %arg3[%reduce_sum3A_293, %dma_wait3A_1536] : memref<100000x100xf32, #tpu.memory_space<hbm>> -> memref<1x100xf32, #tpu.memory_space<hbm>>
    %dma_wait3A_1538 = arith.constant 13 : i32
    %dma_wait3A_1539 = arith.constant 0 : i32
    %dma_wait3A_1540 = tpu.memref_slice %arg6[%dma_wait3A_1538, %dma_wait3A_1539] : memref<64x100xf32, #tpu.memory_space<vmem>> -> memref<1x100xf32, #tpu.memory_space<vmem>>
    %dma_wait3A_1541 = arith.constant 0 : i32
    %dma_wait3A_1542 = tpu.memref_slice %arg3[%reduce_sum3A_293, %dma_wait3A_1541] : memref<100000x100xf32, #tpu.memory_space<hbm>> -> memref<1x100xf32, #tpu.memory_space<hbm>>
    tpu.wait_dma2 semaphore(%arg7 : memref<!tpu.dma_semaphore, #tpu.memory_space<semaphore_mem>>) src(%dma_wait3A_1542 : memref<1x100xf32, #tpu.memory_space<hbm>>) dst(%dma_wait3A_1540 : memref<1x100xf32, #tpu.memory_space<vmem>>)
    %dma_wait3A_1543 = arith.constant 14 : i32
    %dma_wait3A_1544 = arith.constant 0 : i32
    %dma_wait3A_1545 = tpu.memref_slice %arg6[%dma_wait3A_1543, %dma_wait3A_1544] : memref<64x100xf32, #tpu.memory_space<vmem>> -> memref<1x100xf32, #tpu.memory_space<vmem>>
    %dma_wait3A_1546 = arith.constant 0 : i32
    %dma_wait3A_1547 = tpu.memref_slice %arg3[%reduce_sum3A_315, %dma_wait3A_1546] : memref<100000x100xf32, #tpu.memory_space<hbm>> -> memref<1x100xf32, #tpu.memory_space<hbm>>
    %dma_wait3A_1548 = arith.constant 14 : i32
    %dma_wait3A_1549 = arith.constant 0 : i32
    %dma_wait3A_1550 = tpu.memref_slice %arg6[%dma_wait3A_1548, %dma_wait3A_1549] : memref<64x100xf32, #tpu.memory_space<vmem>> -> memref<1x100xf32, #tpu.memory_space<vmem>>
    %dma_wait3A_1551 = arith.constant 0 : i32
    %dma_wait3A_1552 = tpu.memref_slice %arg3[%reduce_sum3A_315, %dma_wait3A_1551] : memref<100000x100xf32, #tpu.memory_space<hbm>> -> memref<1x100xf32, #tpu.memory_space<hbm>>
    tpu.wait_dma2 semaphore(%arg7 : memref<!tpu.dma_semaphore, #tpu.memory_space<semaphore_mem>>) src(%dma_wait3A_1552 : memref<1x100xf32, #tpu.memory_space<hbm>>) dst(%dma_wait3A_1550 : memref<1x100xf32, #tpu.memory_space<vmem>>)
    %dma_wait3A_1553 = arith.constant 15 : i32
    %dma_wait3A_1554 = arith.constant 0 : i32
    %dma_wait3A_1555 = tpu.memref_slice %arg6[%dma_wait3A_1553, %dma_wait3A_1554] : memref<64x100xf32, #tpu.memory_space<vmem>> -> memref<1x100xf32, #tpu.memory_space<vmem>>
    %dma_wait3A_1556 = arith.constant 0 : i32
    %dma_wait3A_1557 = tpu.memref_slice %arg3[%reduce_sum3A_337, %dma_wait3A_1556] : memref<100000x100xf32, #tpu.memory_space<hbm>> -> memref<1x100xf32, #tpu.memory_space<hbm>>
    %dma_wait3A_1558 = arith.constant 15 : i32
    %dma_wait3A_1559 = arith.constant 0 : i32
    %dma_wait3A_1560 = tpu.memref_slice %arg6[%dma_wait3A_1558, %dma_wait3A_1559] : memref<64x100xf32, #tpu.memory_space<vmem>> -> memref<1x100xf32, #tpu.memory_space<vmem>>
    %dma_wait3A_1561 = arith.constant 0 : i32
    %dma_wait3A_1562 = tpu.memref_slice %arg3[%reduce_sum3A_337, %dma_wait3A_1561] : memref<100000x100xf32, #tpu.memory_space<hbm>> -> memref<1x100xf32, #tpu.memory_space<hbm>>
    tpu.wait_dma2 semaphore(%arg7 : memref<!tpu.dma_semaphore, #tpu.memory_space<semaphore_mem>>) src(%dma_wait3A_1562 : memref<1x100xf32, #tpu.memory_space<hbm>>) dst(%dma_wait3A_1560 : memref<1x100xf32, #tpu.memory_space<vmem>>)
    %dma_wait3A_1563 = arith.constant 16 : i32
    %dma_wait3A_1564 = arith.constant 0 : i32
    %dma_wait3A_1565 = tpu.memref_slice %arg6[%dma_wait3A_1563, %dma_wait3A_1564] : memref<64x100xf32, #tpu.memory_space<vmem>> -> memref<1x100xf32, #tpu.memory_space<vmem>>
    %dma_wait3A_1566 = arith.constant 0 : i32
    %dma_wait3A_1567 = tpu.memref_slice %arg3[%reduce_sum3A_359, %dma_wait3A_1566] : memref<100000x100xf32, #tpu.memory_space<hbm>> -> memref<1x100xf32, #tpu.memory_space<hbm>>
    %dma_wait3A_1568 = arith.constant 16 : i32
    %dma_wait3A_1569 = arith.constant 0 : i32
    %dma_wait3A_1570 = tpu.memref_slice %arg6[%dma_wait3A_1568, %dma_wait3A_1569] : memref<64x100xf32, #tpu.memory_space<vmem>> -> memref<1x100xf32, #tpu.memory_space<vmem>>
    %dma_wait3A_1571 = arith.constant 0 : i32
    %dma_wait3A_1572 = tpu.memref_slice %arg3[%reduce_sum3A_359, %dma_wait3A_1571] : memref<100000x100xf32, #tpu.memory_space<hbm>> -> memref<1x100xf32, #tpu.memory_space<hbm>>
    tpu.wait_dma2 semaphore(%arg7 : memref<!tpu.dma_semaphore, #tpu.memory_space<semaphore_mem>>) src(%dma_wait3A_1572 : memref<1x100xf32, #tpu.memory_space<hbm>>) dst(%dma_wait3A_1570 : memref<1x100xf32, #tpu.memory_space<vmem>>)
    %dma_wait3A_1573 = arith.constant 17 : i32
    %dma_wait3A_1574 = arith.constant 0 : i32
    %dma_wait3A_1575 = tpu.memref_slice %arg6[%dma_wait3A_1573, %dma_wait3A_1574] : memref<64x100xf32, #tpu.memory_space<vmem>> -> memref<1x100xf32, #tpu.memory_space<vmem>>
    %dma_wait3A_1576 = arith.constant 0 : i32
    %dma_wait3A_1577 = tpu.memref_slice %arg3[%reduce_sum3A_381, %dma_wait3A_1576] : memref<100000x100xf32, #tpu.memory_space<hbm>> -> memref<1x100xf32, #tpu.memory_space<hbm>>
    %dma_wait3A_1578 = arith.constant 17 : i32
    %dma_wait3A_1579 = arith.constant 0 : i32
    %dma_wait3A_1580 = tpu.memref_slice %arg6[%dma_wait3A_1578, %dma_wait3A_1579] : memref<64x100xf32, #tpu.memory_space<vmem>> -> memref<1x100xf32, #tpu.memory_space<vmem>>
    %dma_wait3A_1581 = arith.constant 0 : i32
    %dma_wait3A_1582 = tpu.memref_slice %arg3[%reduce_sum3A_381, %dma_wait3A_1581] : memref<100000x100xf32, #tpu.memory_space<hbm>> -> memref<1x100xf32, #tpu.memory_space<hbm>>
    tpu.wait_dma2 semaphore(%arg7 : memref<!tpu.dma_semaphore, #tpu.memory_space<semaphore_mem>>) src(%dma_wait3A_1582 : memref<1x100xf32, #tpu.memory_space<hbm>>) dst(%dma_wait3A_1580 : memref<1x100xf32, #tpu.memory_space<vmem>>)
    %dma_wait3A_1583 = arith.constant 18 : i32
    %dma_wait3A_1584 = arith.constant 0 : i32
    %dma_wait3A_1585 = tpu.memref_slice %arg6[%dma_wait3A_1583, %dma_wait3A_1584] : memref<64x100xf32, #tpu.memory_space<vmem>> -> memref<1x100xf32, #tpu.memory_space<vmem>>
    %dma_wait3A_1586 = arith.constant 0 : i32
    %dma_wait3A_1587 = tpu.memref_slice %arg3[%reduce_sum3A_403, %dma_wait3A_1586] : memref<100000x100xf32, #tpu.memory_space<hbm>> -> memref<1x100xf32, #tpu.memory_space<hbm>>
    %dma_wait3A_1588 = arith.constant 18 : i32
    %dma_wait3A_1589 = arith.constant 0 : i32
    %dma_wait3A_1590 = tpu.memref_slice %arg6[%dma_wait3A_1588, %dma_wait3A_1589] : memref<64x100xf32, #tpu.memory_space<vmem>> -> memref<1x100xf32, #tpu.memory_space<vmem>>
    %dma_wait3A_1591 = arith.constant 0 : i32
    %dma_wait3A_1592 = tpu.memref_slice %arg3[%reduce_sum3A_403, %dma_wait3A_1591] : memref<100000x100xf32, #tpu.memory_space<hbm>> -> memref<1x100xf32, #tpu.memory_space<hbm>>
    tpu.wait_dma2 semaphore(%arg7 : memref<!tpu.dma_semaphore, #tpu.memory_space<semaphore_mem>>) src(%dma_wait3A_1592 : memref<1x100xf32, #tpu.memory_space<hbm>>) dst(%dma_wait3A_1590 : memref<1x100xf32, #tpu.memory_space<vmem>>)
    %dma_wait3A_1593 = arith.constant 19 : i32
    %dma_wait3A_1594 = arith.constant 0 : i32
    %dma_wait3A_1595 = tpu.memref_slice %arg6[%dma_wait3A_1593, %dma_wait3A_1594] : memref<64x100xf32, #tpu.memory_space<vmem>> -> memref<1x100xf32, #tpu.memory_space<vmem>>
    %dma_wait3A_1596 = arith.constant 0 : i32
    %dma_wait3A_1597 = tpu.memref_slice %arg3[%reduce_sum3A_425, %dma_wait3A_1596] : memref<100000x100xf32, #tpu.memory_space<hbm>> -> memref<1x100xf32, #tpu.memory_space<hbm>>
    %dma_wait3A_1598 = arith.constant 19 : i32
    %dma_wait3A_1599 = arith.constant 0 : i32
    %dma_wait3A_1600 = tpu.memref_slice %arg6[%dma_wait3A_1598, %dma_wait3A_1599] : memref<64x100xf32, #tpu.memory_space<vmem>> -> memref<1x100xf32, #tpu.memory_space<vmem>>
    %dma_wait3A_1601 = arith.constant 0 : i32
    %dma_wait3A_1602 = tpu.memref_slice %arg3[%reduce_sum3A_425, %dma_wait3A_1601] : memref<100000x100xf32, #tpu.memory_space<hbm>> -> memref<1x100xf32, #tpu.memory_space<hbm>>
    tpu.wait_dma2 semaphore(%arg7 : memref<!tpu.dma_semaphore, #tpu.memory_space<semaphore_mem>>) src(%dma_wait3A_1602 : memref<1x100xf32, #tpu.memory_space<hbm>>) dst(%dma_wait3A_1600 : memref<1x100xf32, #tpu.memory_space<vmem>>)
    %dma_wait3A_1603 = arith.constant 20 : i32
    %dma_wait3A_1604 = arith.constant 0 : i32
    %dma_wait3A_1605 = tpu.memref_slice %arg6[%dma_wait3A_1603, %dma_wait3A_1604] : memref<64x100xf32, #tpu.memory_space<vmem>> -> memref<1x100xf32, #tpu.memory_space<vmem>>
    %dma_wait3A_1606 = arith.constant 0 : i32
    %dma_wait3A_1607 = tpu.memref_slice %arg3[%reduce_sum3A_447, %dma_wait3A_1606] : memref<100000x100xf32, #tpu.memory_space<hbm>> -> memref<1x100xf32, #tpu.memory_space<hbm>>
    %dma_wait3A_1608 = arith.constant 20 : i32
    %dma_wait3A_1609 = arith.constant 0 : i32
    %dma_wait3A_1610 = tpu.memref_slice %arg6[%dma_wait3A_1608, %dma_wait3A_1609] : memref<64x100xf32, #tpu.memory_space<vmem>> -> memref<1x100xf32, #tpu.memory_space<vmem>>
    %dma_wait3A_1611 = arith.constant 0 : i32
    %dma_wait3A_1612 = tpu.memref_slice %arg3[%reduce_sum3A_447, %dma_wait3A_1611] : memref<100000x100xf32, #tpu.memory_space<hbm>> -> memref<1x100xf32, #tpu.memory_space<hbm>>
    tpu.wait_dma2 semaphore(%arg7 : memref<!tpu.dma_semaphore, #tpu.memory_space<semaphore_mem>>) src(%dma_wait3A_1612 : memref<1x100xf32, #tpu.memory_space<hbm>>) dst(%dma_wait3A_1610 : memref<1x100xf32, #tpu.memory_space<vmem>>)
    %dma_wait3A_1613 = arith.constant 21 : i32
    %dma_wait3A_1614 = arith.constant 0 : i32
    %dma_wait3A_1615 = tpu.memref_slice %arg6[%dma_wait3A_1613, %dma_wait3A_1614] : memref<64x100xf32, #tpu.memory_space<vmem>> -> memref<1x100xf32, #tpu.memory_space<vmem>>
    %dma_wait3A_1616 = arith.constant 0 : i32
    %dma_wait3A_1617 = tpu.memref_slice %arg3[%reduce_sum3A_469, %dma_wait3A_1616] : memref<100000x100xf32, #tpu.memory_space<hbm>> -> memref<1x100xf32, #tpu.memory_space<hbm>>
    %dma_wait3A_1618 = arith.constant 21 : i32
    %dma_wait3A_1619 = arith.constant 0 : i32
    %dma_wait3A_1620 = tpu.memref_slice %arg6[%dma_wait3A_1618, %dma_wait3A_1619] : memref<64x100xf32, #tpu.memory_space<vmem>> -> memref<1x100xf32, #tpu.memory_space<vmem>>
    %dma_wait3A_1621 = arith.constant 0 : i32
    %dma_wait3A_1622 = tpu.memref_slice %arg3[%reduce_sum3A_469, %dma_wait3A_1621] : memref<100000x100xf32, #tpu.memory_space<hbm>> -> memref<1x100xf32, #tpu.memory_space<hbm>>
    tpu.wait_dma2 semaphore(%arg7 : memref<!tpu.dma_semaphore, #tpu.memory_space<semaphore_mem>>) src(%dma_wait3A_1622 : memref<1x100xf32, #tpu.memory_space<hbm>>) dst(%dma_wait3A_1620 : memref<1x100xf32, #tpu.memory_space<vmem>>)
    %dma_wait3A_1623 = arith.constant 22 : i32
    %dma_wait3A_1624 = arith.constant 0 : i32
    %dma_wait3A_1625 = tpu.memref_slice %arg6[%dma_wait3A_1623, %dma_wait3A_1624] : memref<64x100xf32, #tpu.memory_space<vmem>> -> memref<1x100xf32, #tpu.memory_space<vmem>>
    %dma_wait3A_1626 = arith.constant 0 : i32
    %dma_wait3A_1627 = tpu.memref_slice %arg3[%reduce_sum3A_491, %dma_wait3A_1626] : memref<100000x100xf32, #tpu.memory_space<hbm>> -> memref<1x100xf32, #tpu.memory_space<hbm>>
    %dma_wait3A_1628 = arith.constant 22 : i32
    %dma_wait3A_1629 = arith.constant 0 : i32
    %dma_wait3A_1630 = tpu.memref_slice %arg6[%dma_wait3A_1628, %dma_wait3A_1629] : memref<64x100xf32, #tpu.memory_space<vmem>> -> memref<1x100xf32, #tpu.memory_space<vmem>>
    %dma_wait3A_1631 = arith.constant 0 : i32
    %dma_wait3A_1632 = tpu.memref_slice %arg3[%reduce_sum3A_491, %dma_wait3A_1631] : memref<100000x100xf32, #tpu.memory_space<hbm>> -> memref<1x100xf32, #tpu.memory_space<hbm>>
    tpu.wait_dma2 semaphore(%arg7 : memref<!tpu.dma_semaphore, #tpu.memory_space<semaphore_mem>>) src(%dma_wait3A_1632 : memref<1x100xf32, #tpu.memory_space<hbm>>) dst(%dma_wait3A_1630 : memref<1x100xf32, #tpu.memory_space<vmem>>)
    %dma_wait3A_1633 = arith.constant 23 : i32
    %dma_wait3A_1634 = arith.constant 0 : i32
    %dma_wait3A_1635 = tpu.memref_slice %arg6[%dma_wait3A_1633, %dma_wait3A_1634] : memref<64x100xf32, #tpu.memory_space<vmem>> -> memref<1x100xf32, #tpu.memory_space<vmem>>
    %dma_wait3A_1636 = arith.constant 0 : i32
    %dma_wait3A_1637 = tpu.memref_slice %arg3[%reduce_sum3A_513, %dma_wait3A_1636] : memref<100000x100xf32, #tpu.memory_space<hbm>> -> memref<1x100xf32, #tpu.memory_space<hbm>>
    %dma_wait3A_1638 = arith.constant 23 : i32
    %dma_wait3A_1639 = arith.constant 0 : i32
    %dma_wait3A_1640 = tpu.memref_slice %arg6[%dma_wait3A_1638, %dma_wait3A_1639] : memref<64x100xf32, #tpu.memory_space<vmem>> -> memref<1x100xf32, #tpu.memory_space<vmem>>
    %dma_wait3A_1641 = arith.constant 0 : i32
    %dma_wait3A_1642 = tpu.memref_slice %arg3[%reduce_sum3A_513, %dma_wait3A_1641] : memref<100000x100xf32, #tpu.memory_space<hbm>> -> memref<1x100xf32, #tpu.memory_space<hbm>>
    tpu.wait_dma2 semaphore(%arg7 : memref<!tpu.dma_semaphore, #tpu.memory_space<semaphore_mem>>) src(%dma_wait3A_1642 : memref<1x100xf32, #tpu.memory_space<hbm>>) dst(%dma_wait3A_1640 : memref<1x100xf32, #tpu.memory_space<vmem>>)
    %dma_wait3A_1643 = arith.constant 24 : i32
    %dma_wait3A_1644 = arith.constant 0 : i32
    %dma_wait3A_1645 = tpu.memref_slice %arg6[%dma_wait3A_1643, %dma_wait3A_1644] : memref<64x100xf32, #tpu.memory_space<vmem>> -> memref<1x100xf32, #tpu.memory_space<vmem>>
    %dma_wait3A_1646 = arith.constant 0 : i32
    %dma_wait3A_1647 = tpu.memref_slice %arg3[%reduce_sum3A_535, %dma_wait3A_1646] : memref<100000x100xf32, #tpu.memory_space<hbm>> -> memref<1x100xf32, #tpu.memory_space<hbm>>
    %dma_wait3A_1648 = arith.constant 24 : i32
    %dma_wait3A_1649 = arith.constant 0 : i32
    %dma_wait3A_1650 = tpu.memref_slice %arg6[%dma_wait3A_1648, %dma_wait3A_1649] : memref<64x100xf32, #tpu.memory_space<vmem>> -> memref<1x100xf32, #tpu.memory_space<vmem>>
    %dma_wait3A_1651 = arith.constant 0 : i32
    %dma_wait3A_1652 = tpu.memref_slice %arg3[%reduce_sum3A_535, %dma_wait3A_1651] : memref<100000x100xf32, #tpu.memory_space<hbm>> -> memref<1x100xf32, #tpu.memory_space<hbm>>
    tpu.wait_dma2 semaphore(%arg7 : memref<!tpu.dma_semaphore, #tpu.memory_space<semaphore_mem>>) src(%dma_wait3A_1652 : memref<1x100xf32, #tpu.memory_space<hbm>>) dst(%dma_wait3A_1650 : memref<1x100xf32, #tpu.memory_space<vmem>>)
    %dma_wait3A_1653 = arith.constant 25 : i32
    %dma_wait3A_1654 = arith.constant 0 : i32
    %dma_wait3A_1655 = tpu.memref_slice %arg6[%dma_wait3A_1653, %dma_wait3A_1654] : memref<64x100xf32, #tpu.memory_space<vmem>> -> memref<1x100xf32, #tpu.memory_space<vmem>>
    %dma_wait3A_1656 = arith.constant 0 : i32
    %dma_wait3A_1657 = tpu.memref_slice %arg3[%reduce_sum3A_557, %dma_wait3A_1656] : memref<100000x100xf32, #tpu.memory_space<hbm>> -> memref<1x100xf32, #tpu.memory_space<hbm>>
    %dma_wait3A_1658 = arith.constant 25 : i32
    %dma_wait3A_1659 = arith.constant 0 : i32
    %dma_wait3A_1660 = tpu.memref_slice %arg6[%dma_wait3A_1658, %dma_wait3A_1659] : memref<64x100xf32, #tpu.memory_space<vmem>> -> memref<1x100xf32, #tpu.memory_space<vmem>>
    %dma_wait3A_1661 = arith.constant 0 : i32
    %dma_wait3A_1662 = tpu.memref_slice %arg3[%reduce_sum3A_557, %dma_wait3A_1661] : memref<100000x100xf32, #tpu.memory_space<hbm>> -> memref<1x100xf32, #tpu.memory_space<hbm>>
    tpu.wait_dma2 semaphore(%arg7 : memref<!tpu.dma_semaphore, #tpu.memory_space<semaphore_mem>>) src(%dma_wait3A_1662 : memref<1x100xf32, #tpu.memory_space<hbm>>) dst(%dma_wait3A_1660 : memref<1x100xf32, #tpu.memory_space<vmem>>)
    %dma_wait3A_1663 = arith.constant 26 : i32
    %dma_wait3A_1664 = arith.constant 0 : i32
    %dma_wait3A_1665 = tpu.memref_slice %arg6[%dma_wait3A_1663, %dma_wait3A_1664] : memref<64x100xf32, #tpu.memory_space<vmem>> -> memref<1x100xf32, #tpu.memory_space<vmem>>
    %dma_wait3A_1666 = arith.constant 0 : i32
    %dma_wait3A_1667 = tpu.memref_slice %arg3[%reduce_sum3A_579, %dma_wait3A_1666] : memref<100000x100xf32, #tpu.memory_space<hbm>> -> memref<1x100xf32, #tpu.memory_space<hbm>>
    %dma_wait3A_1668 = arith.constant 26 : i32
    %dma_wait3A_1669 = arith.constant 0 : i32
    %dma_wait3A_1670 = tpu.memref_slice %arg6[%dma_wait3A_1668, %dma_wait3A_1669] : memref<64x100xf32, #tpu.memory_space<vmem>> -> memref<1x100xf32, #tpu.memory_space<vmem>>
    %dma_wait3A_1671 = arith.constant 0 : i32
    %dma_wait3A_1672 = tpu.memref_slice %arg3[%reduce_sum3A_579, %dma_wait3A_1671] : memref<100000x100xf32, #tpu.memory_space<hbm>> -> memref<1x100xf32, #tpu.memory_space<hbm>>
    tpu.wait_dma2 semaphore(%arg7 : memref<!tpu.dma_semaphore, #tpu.memory_space<semaphore_mem>>) src(%dma_wait3A_1672 : memref<1x100xf32, #tpu.memory_space<hbm>>) dst(%dma_wait3A_1670 : memref<1x100xf32, #tpu.memory_space<vmem>>)
    %dma_wait3A_1673 = arith.constant 27 : i32
    %dma_wait3A_1674 = arith.constant 0 : i32
    %dma_wait3A_1675 = tpu.memref_slice %arg6[%dma_wait3A_1673, %dma_wait3A_1674] : memref<64x100xf32, #tpu.memory_space<vmem>> -> memref<1x100xf32, #tpu.memory_space<vmem>>
    %dma_wait3A_1676 = arith.constant 0 : i32
    %dma_wait3A_1677 = tpu.memref_slice %arg3[%reduce_sum3A_601, %dma_wait3A_1676] : memref<100000x100xf32, #tpu.memory_space<hbm>> -> memref<1x100xf32, #tpu.memory_space<hbm>>
    %dma_wait3A_1678 = arith.constant 27 : i32
    %dma_wait3A_1679 = arith.constant 0 : i32
    %dma_wait3A_1680 = tpu.memref_slice %arg6[%dma_wait3A_1678, %dma_wait3A_1679] : memref<64x100xf32, #tpu.memory_space<vmem>> -> memref<1x100xf32, #tpu.memory_space<vmem>>
    %dma_wait3A_1681 = arith.constant 0 : i32
    %dma_wait3A_1682 = tpu.memref_slice %arg3[%reduce_sum3A_601, %dma_wait3A_1681] : memref<100000x100xf32, #tpu.memory_space<hbm>> -> memref<1x100xf32, #tpu.memory_space<hbm>>
    tpu.wait_dma2 semaphore(%arg7 : memref<!tpu.dma_semaphore, #tpu.memory_space<semaphore_mem>>) src(%dma_wait3A_1682 : memref<1x100xf32, #tpu.memory_space<hbm>>) dst(%dma_wait3A_1680 : memref<1x100xf32, #tpu.memory_space<vmem>>)
    %dma_wait3A_1683 = arith.constant 28 : i32
    %dma_wait3A_1684 = arith.constant 0 : i32
    %dma_wait3A_1685 = tpu.memref_slice %arg6[%dma_wait3A_1683, %dma_wait3A_1684] : memref<64x100xf32, #tpu.memory_space<vmem>> -> memref<1x100xf32, #tpu.memory_space<vmem>>
    %dma_wait3A_1686 = arith.constant 0 : i32
    %dma_wait3A_1687 = tpu.memref_slice %arg3[%reduce_sum3A_623, %dma_wait3A_1686] : memref<100000x100xf32, #tpu.memory_space<hbm>> -> memref<1x100xf32, #tpu.memory_space<hbm>>
    %dma_wait3A_1688 = arith.constant 28 : i32
    %dma_wait3A_1689 = arith.constant 0 : i32
    %dma_wait3A_1690 = tpu.memref_slice %arg6[%dma_wait3A_1688, %dma_wait3A_1689] : memref<64x100xf32, #tpu.memory_space<vmem>> -> memref<1x100xf32, #tpu.memory_space<vmem>>
    %dma_wait3A_1691 = arith.constant 0 : i32
    %dma_wait3A_1692 = tpu.memref_slice %arg3[%reduce_sum3A_623, %dma_wait3A_1691] : memref<100000x100xf32, #tpu.memory_space<hbm>> -> memref<1x100xf32, #tpu.memory_space<hbm>>
    tpu.wait_dma2 semaphore(%arg7 : memref<!tpu.dma_semaphore, #tpu.memory_space<semaphore_mem>>) src(%dma_wait3A_1692 : memref<1x100xf32, #tpu.memory_space<hbm>>) dst(%dma_wait3A_1690 : memref<1x100xf32, #tpu.memory_space<vmem>>)
    %dma_wait3A_1693 = arith.constant 29 : i32
    %dma_wait3A_1694 = arith.constant 0 : i32
    %dma_wait3A_1695 = tpu.memref_slice %arg6[%dma_wait3A_1693, %dma_wait3A_1694] : memref<64x100xf32, #tpu.memory_space<vmem>> -> memref<1x100xf32, #tpu.memory_space<vmem>>
    %dma_wait3A_1696 = arith.constant 0 : i32
    %dma_wait3A_1697 = tpu.memref_slice %arg3[%reduce_sum3A_645, %dma_wait3A_1696] : memref<100000x100xf32, #tpu.memory_space<hbm>> -> memref<1x100xf32, #tpu.memory_space<hbm>>
    %dma_wait3A_1698 = arith.constant 29 : i32
    %dma_wait3A_1699 = arith.constant 0 : i32
    %dma_wait3A_1700 = tpu.memref_slice %arg6[%dma_wait3A_1698, %dma_wait3A_1699] : memref<64x100xf32, #tpu.memory_space<vmem>> -> memref<1x100xf32, #tpu.memory_space<vmem>>
    %dma_wait3A_1701 = arith.constant 0 : i32
    %dma_wait3A_1702 = tpu.memref_slice %arg3[%reduce_sum3A_645, %dma_wait3A_1701] : memref<100000x100xf32, #tpu.memory_space<hbm>> -> memref<1x100xf32, #tpu.memory_space<hbm>>
    tpu.wait_dma2 semaphore(%arg7 : memref<!tpu.dma_semaphore, #tpu.memory_space<semaphore_mem>>) src(%dma_wait3A_1702 : memref<1x100xf32, #tpu.memory_space<hbm>>) dst(%dma_wait3A_1700 : memref<1x100xf32, #tpu.memory_space<vmem>>)
    %dma_wait3A_1703 = arith.constant 30 : i32
    %dma_wait3A_1704 = arith.constant 0 : i32
    %dma_wait3A_1705 = tpu.memref_slice %arg6[%dma_wait3A_1703, %dma_wait3A_1704] : memref<64x100xf32, #tpu.memory_space<vmem>> -> memref<1x100xf32, #tpu.memory_space<vmem>>
    %dma_wait3A_1706 = arith.constant 0 : i32
    %dma_wait3A_1707 = tpu.memref_slice %arg3[%reduce_sum3A_667, %dma_wait3A_1706] : memref<100000x100xf32, #tpu.memory_space<hbm>> -> memref<1x100xf32, #tpu.memory_space<hbm>>
    %dma_wait3A_1708 = arith.constant 30 : i32
    %dma_wait3A_1709 = arith.constant 0 : i32
    %dma_wait3A_1710 = tpu.memref_slice %arg6[%dma_wait3A_1708, %dma_wait3A_1709] : memref<64x100xf32, #tpu.memory_space<vmem>> -> memref<1x100xf32, #tpu.memory_space<vmem>>
    %dma_wait3A_1711 = arith.constant 0 : i32
    %dma_wait3A_1712 = tpu.memref_slice %arg3[%reduce_sum3A_667, %dma_wait3A_1711] : memref<100000x100xf32, #tpu.memory_space<hbm>> -> memref<1x100xf32, #tpu.memory_space<hbm>>
    tpu.wait_dma2 semaphore(%arg7 : memref<!tpu.dma_semaphore, #tpu.memory_space<semaphore_mem>>) src(%dma_wait3A_1712 : memref<1x100xf32, #tpu.memory_space<hbm>>) dst(%dma_wait3A_1710 : memref<1x100xf32, #tpu.memory_space<vmem>>)
    %dma_wait3A_1713 = arith.constant 31 : i32
    %dma_wait3A_1714 = arith.constant 0 : i32
    %dma_wait3A_1715 = tpu.memref_slice %arg6[%dma_wait3A_1713, %dma_wait3A_1714] : memref<64x100xf32, #tpu.memory_space<vmem>> -> memref<1x100xf32, #tpu.memory_space<vmem>>
    %dma_wait3A_1716 = arith.constant 0 : i32
    %dma_wait3A_1717 = tpu.memref_slice %arg3[%reduce_sum3A_689, %dma_wait3A_1716] : memref<100000x100xf32, #tpu.memory_space<hbm>> -> memref<1x100xf32, #tpu.memory_space<hbm>>
    %dma_wait3A_1718 = arith.constant 31 : i32
    %dma_wait3A_1719 = arith.constant 0 : i32
    %dma_wait3A_1720 = tpu.memref_slice %arg6[%dma_wait3A_1718, %dma_wait3A_1719] : memref<64x100xf32, #tpu.memory_space<vmem>> -> memref<1x100xf32, #tpu.memory_space<vmem>>
    %dma_wait3A_1721 = arith.constant 0 : i32
    %dma_wait3A_1722 = tpu.memref_slice %arg3[%reduce_sum3A_689, %dma_wait3A_1721] : memref<100000x100xf32, #tpu.memory_space<hbm>> -> memref<1x100xf32, #tpu.memory_space<hbm>>
    tpu.wait_dma2 semaphore(%arg7 : memref<!tpu.dma_semaphore, #tpu.memory_space<semaphore_mem>>) src(%dma_wait3A_1722 : memref<1x100xf32, #tpu.memory_space<hbm>>) dst(%dma_wait3A_1720 : memref<1x100xf32, #tpu.memory_space<vmem>>)
    %dma_wait3A_1723 = arith.constant 32 : i32
    %dma_wait3A_1724 = arith.constant 0 : i32
    %dma_wait3A_1725 = tpu.memref_slice %arg6[%dma_wait3A_1723, %dma_wait3A_1724] : memref<64x100xf32, #tpu.memory_space<vmem>> -> memref<1x100xf32, #tpu.memory_space<vmem>>
    %dma_wait3A_1726 = arith.constant 0 : i32
    %dma_wait3A_1727 = tpu.memref_slice %arg3[%reduce_sum3A_711, %dma_wait3A_1726] : memref<100000x100xf32, #tpu.memory_space<hbm>> -> memref<1x100xf32, #tpu.memory_space<hbm>>
    %dma_wait3A_1728 = arith.constant 32 : i32
    %dma_wait3A_1729 = arith.constant 0 : i32
    %dma_wait3A_1730 = tpu.memref_slice %arg6[%dma_wait3A_1728, %dma_wait3A_1729] : memref<64x100xf32, #tpu.memory_space<vmem>> -> memref<1x100xf32, #tpu.memory_space<vmem>>
    %dma_wait3A_1731 = arith.constant 0 : i32
    %dma_wait3A_1732 = tpu.memref_slice %arg3[%reduce_sum3A_711, %dma_wait3A_1731] : memref<100000x100xf32, #tpu.memory_space<hbm>> -> memref<1x100xf32, #tpu.memory_space<hbm>>
    tpu.wait_dma2 semaphore(%arg7 : memref<!tpu.dma_semaphore, #tpu.memory_space<semaphore_mem>>) src(%dma_wait3A_1732 : memref<1x100xf32, #tpu.memory_space<hbm>>) dst(%dma_wait3A_1730 : memref<1x100xf32, #tpu.memory_space<vmem>>)
    %dma_wait3A_1733 = arith.constant 33 : i32
    %dma_wait3A_1734 = arith.constant 0 : i32
    %dma_wait3A_1735 = tpu.memref_slice %arg6[%dma_wait3A_1733, %dma_wait3A_1734] : memref<64x100xf32, #tpu.memory_space<vmem>> -> memref<1x100xf32, #tpu.memory_space<vmem>>
    %dma_wait3A_1736 = arith.constant 0 : i32
    %dma_wait3A_1737 = tpu.memref_slice %arg3[%reduce_sum3A_733, %dma_wait3A_1736] : memref<100000x100xf32, #tpu.memory_space<hbm>> -> memref<1x100xf32, #tpu.memory_space<hbm>>
    %dma_wait3A_1738 = arith.constant 33 : i32
    %dma_wait3A_1739 = arith.constant 0 : i32
    %dma_wait3A_1740 = tpu.memref_slice %arg6[%dma_wait3A_1738, %dma_wait3A_1739] : memref<64x100xf32, #tpu.memory_space<vmem>> -> memref<1x100xf32, #tpu.memory_space<vmem>>
    %dma_wait3A_1741 = arith.constant 0 : i32
    %dma_wait3A_1742 = tpu.memref_slice %arg3[%reduce_sum3A_733, %dma_wait3A_1741] : memref<100000x100xf32, #tpu.memory_space<hbm>> -> memref<1x100xf32, #tpu.memory_space<hbm>>
    tpu.wait_dma2 semaphore(%arg7 : memref<!tpu.dma_semaphore, #tpu.memory_space<semaphore_mem>>) src(%dma_wait3A_1742 : memref<1x100xf32, #tpu.memory_space<hbm>>) dst(%dma_wait3A_1740 : memref<1x100xf32, #tpu.memory_space<vmem>>)
    %dma_wait3A_1743 = arith.constant 34 : i32
    %dma_wait3A_1744 = arith.constant 0 : i32
    %dma_wait3A_1745 = tpu.memref_slice %arg6[%dma_wait3A_1743, %dma_wait3A_1744] : memref<64x100xf32, #tpu.memory_space<vmem>> -> memref<1x100xf32, #tpu.memory_space<vmem>>
    %dma_wait3A_1746 = arith.constant 0 : i32
    %dma_wait3A_1747 = tpu.memref_slice %arg3[%reduce_sum3A_755, %dma_wait3A_1746] : memref<100000x100xf32, #tpu.memory_space<hbm>> -> memref<1x100xf32, #tpu.memory_space<hbm>>
    %dma_wait3A_1748 = arith.constant 34 : i32
    %dma_wait3A_1749 = arith.constant 0 : i32
    %dma_wait3A_1750 = tpu.memref_slice %arg6[%dma_wait3A_1748, %dma_wait3A_1749] : memref<64x100xf32, #tpu.memory_space<vmem>> -> memref<1x100xf32, #tpu.memory_space<vmem>>
    %dma_wait3A_1751 = arith.constant 0 : i32
    %dma_wait3A_1752 = tpu.memref_slice %arg3[%reduce_sum3A_755, %dma_wait3A_1751] : memref<100000x100xf32, #tpu.memory_space<hbm>> -> memref<1x100xf32, #tpu.memory_space<hbm>>
    tpu.wait_dma2 semaphore(%arg7 : memref<!tpu.dma_semaphore, #tpu.memory_space<semaphore_mem>>) src(%dma_wait3A_1752 : memref<1x100xf32, #tpu.memory_space<hbm>>) dst(%dma_wait3A_1750 : memref<1x100xf32, #tpu.memory_space<vmem>>)
    %dma_wait3A_1753 = arith.constant 35 : i32
    %dma_wait3A_1754 = arith.constant 0 : i32
    %dma_wait3A_1755 = tpu.memref_slice %arg6[%dma_wait3A_1753, %dma_wait3A_1754] : memref<64x100xf32, #tpu.memory_space<vmem>> -> memref<1x100xf32, #tpu.memory_space<vmem>>
    %dma_wait3A_1756 = arith.constant 0 : i32
    %dma_wait3A_1757 = tpu.memref_slice %arg3[%reduce_sum3A_777, %dma_wait3A_1756] : memref<100000x100xf32, #tpu.memory_space<hbm>> -> memref<1x100xf32, #tpu.memory_space<hbm>>
    %dma_wait3A_1758 = arith.constant 35 : i32
    %dma_wait3A_1759 = arith.constant 0 : i32
    %dma_wait3A_1760 = tpu.memref_slice %arg6[%dma_wait3A_1758, %dma_wait3A_1759] : memref<64x100xf32, #tpu.memory_space<vmem>> -> memref<1x100xf32, #tpu.memory_space<vmem>>
    %dma_wait3A_1761 = arith.constant 0 : i32
    %dma_wait3A_1762 = tpu.memref_slice %arg3[%reduce_sum3A_777, %dma_wait3A_1761] : memref<100000x100xf32, #tpu.memory_space<hbm>> -> memref<1x100xf32, #tpu.memory_space<hbm>>
    tpu.wait_dma2 semaphore(%arg7 : memref<!tpu.dma_semaphore, #tpu.memory_space<semaphore_mem>>) src(%dma_wait3A_1762 : memref<1x100xf32, #tpu.memory_space<hbm>>) dst(%dma_wait3A_1760 : memref<1x100xf32, #tpu.memory_space<vmem>>)
    %dma_wait3A_1763 = arith.constant 36 : i32
    %dma_wait3A_1764 = arith.constant 0 : i32
    %dma_wait3A_1765 = tpu.memref_slice %arg6[%dma_wait3A_1763, %dma_wait3A_1764] : memref<64x100xf32, #tpu.memory_space<vmem>> -> memref<1x100xf32, #tpu.memory_space<vmem>>
    %dma_wait3A_1766 = arith.constant 0 : i32
    %dma_wait3A_1767 = tpu.memref_slice %arg3[%reduce_sum3A_799, %dma_wait3A_1766] : memref<100000x100xf32, #tpu.memory_space<hbm>> -> memref<1x100xf32, #tpu.memory_space<hbm>>
    %dma_wait3A_1768 = arith.constant 36 : i32
    %dma_wait3A_1769 = arith.constant 0 : i32
    %dma_wait3A_1770 = tpu.memref_slice %arg6[%dma_wait3A_1768, %dma_wait3A_1769] : memref<64x100xf32, #tpu.memory_space<vmem>> -> memref<1x100xf32, #tpu.memory_space<vmem>>
    %dma_wait3A_1771 = arith.constant 0 : i32
    %dma_wait3A_1772 = tpu.memref_slice %arg3[%reduce_sum3A_799, %dma_wait3A_1771] : memref<100000x100xf32, #tpu.memory_space<hbm>> -> memref<1x100xf32, #tpu.memory_space<hbm>>
    tpu.wait_dma2 semaphore(%arg7 : memref<!tpu.dma_semaphore, #tpu.memory_space<semaphore_mem>>) src(%dma_wait3A_1772 : memref<1x100xf32, #tpu.memory_space<hbm>>) dst(%dma_wait3A_1770 : memref<1x100xf32, #tpu.memory_space<vmem>>)
    %dma_wait3A_1773 = arith.constant 37 : i32
    %dma_wait3A_1774 = arith.constant 0 : i32
    %dma_wait3A_1775 = tpu.memref_slice %arg6[%dma_wait3A_1773, %dma_wait3A_1774] : memref<64x100xf32, #tpu.memory_space<vmem>> -> memref<1x100xf32, #tpu.memory_space<vmem>>
    %dma_wait3A_1776 = arith.constant 0 : i32
    %dma_wait3A_1777 = tpu.memref_slice %arg3[%reduce_sum3A_821, %dma_wait3A_1776] : memref<100000x100xf32, #tpu.memory_space<hbm>> -> memref<1x100xf32, #tpu.memory_space<hbm>>
    %dma_wait3A_1778 = arith.constant 37 : i32
    %dma_wait3A_1779 = arith.constant 0 : i32
    %dma_wait3A_1780 = tpu.memref_slice %arg6[%dma_wait3A_1778, %dma_wait3A_1779] : memref<64x100xf32, #tpu.memory_space<vmem>> -> memref<1x100xf32, #tpu.memory_space<vmem>>
    %dma_wait3A_1781 = arith.constant 0 : i32
    %dma_wait3A_1782 = tpu.memref_slice %arg3[%reduce_sum3A_821, %dma_wait3A_1781] : memref<100000x100xf32, #tpu.memory_space<hbm>> -> memref<1x100xf32, #tpu.memory_space<hbm>>
    tpu.wait_dma2 semaphore(%arg7 : memref<!tpu.dma_semaphore, #tpu.memory_space<semaphore_mem>>) src(%dma_wait3A_1782 : memref<1x100xf32, #tpu.memory_space<hbm>>) dst(%dma_wait3A_1780 : memref<1x100xf32, #tpu.memory_space<vmem>>)
    %dma_wait3A_1783 = arith.constant 38 : i32
    %dma_wait3A_1784 = arith.constant 0 : i32
    %dma_wait3A_1785 = tpu.memref_slice %arg6[%dma_wait3A_1783, %dma_wait3A_1784] : memref<64x100xf32, #tpu.memory_space<vmem>> -> memref<1x100xf32, #tpu.memory_space<vmem>>
    %dma_wait3A_1786 = arith.constant 0 : i32
    %dma_wait3A_1787 = tpu.memref_slice %arg3[%reduce_sum3A_843, %dma_wait3A_1786] : memref<100000x100xf32, #tpu.memory_space<hbm>> -> memref<1x100xf32, #tpu.memory_space<hbm>>
    %dma_wait3A_1788 = arith.constant 38 : i32
    %dma_wait3A_1789 = arith.constant 0 : i32
    %dma_wait3A_1790 = tpu.memref_slice %arg6[%dma_wait3A_1788, %dma_wait3A_1789] : memref<64x100xf32, #tpu.memory_space<vmem>> -> memref<1x100xf32, #tpu.memory_space<vmem>>
    %dma_wait3A_1791 = arith.constant 0 : i32
    %dma_wait3A_1792 = tpu.memref_slice %arg3[%reduce_sum3A_843, %dma_wait3A_1791] : memref<100000x100xf32, #tpu.memory_space<hbm>> -> memref<1x100xf32, #tpu.memory_space<hbm>>
    tpu.wait_dma2 semaphore(%arg7 : memref<!tpu.dma_semaphore, #tpu.memory_space<semaphore_mem>>) src(%dma_wait3A_1792 : memref<1x100xf32, #tpu.memory_space<hbm>>) dst(%dma_wait3A_1790 : memref<1x100xf32, #tpu.memory_space<vmem>>)
    %dma_wait3A_1793 = arith.constant 39 : i32
    %dma_wait3A_1794 = arith.constant 0 : i32
    %dma_wait3A_1795 = tpu.memref_slice %arg6[%dma_wait3A_1793, %dma_wait3A_1794] : memref<64x100xf32, #tpu.memory_space<vmem>> -> memref<1x100xf32, #tpu.memory_space<vmem>>
    %dma_wait3A_1796 = arith.constant 0 : i32
    %dma_wait3A_1797 = tpu.memref_slice %arg3[%reduce_sum3A_865, %dma_wait3A_1796] : memref<100000x100xf32, #tpu.memory_space<hbm>> -> memref<1x100xf32, #tpu.memory_space<hbm>>
    %dma_wait3A_1798 = arith.constant 39 : i32
    %dma_wait3A_1799 = arith.constant 0 : i32
    %dma_wait3A_1800 = tpu.memref_slice %arg6[%dma_wait3A_1798, %dma_wait3A_1799] : memref<64x100xf32, #tpu.memory_space<vmem>> -> memref<1x100xf32, #tpu.memory_space<vmem>>
    %dma_wait3A_1801 = arith.constant 0 : i32
    %dma_wait3A_1802 = tpu.memref_slice %arg3[%reduce_sum3A_865, %dma_wait3A_1801] : memref<100000x100xf32, #tpu.memory_space<hbm>> -> memref<1x100xf32, #tpu.memory_space<hbm>>
    tpu.wait_dma2 semaphore(%arg7 : memref<!tpu.dma_semaphore, #tpu.memory_space<semaphore_mem>>) src(%dma_wait3A_1802 : memref<1x100xf32, #tpu.memory_space<hbm>>) dst(%dma_wait3A_1800 : memref<1x100xf32, #tpu.memory_space<vmem>>)
    %dma_wait3A_1803 = arith.constant 40 : i32
    %dma_wait3A_1804 = arith.constant 0 : i32
    %dma_wait3A_1805 = tpu.memref_slice %arg6[%dma_wait3A_1803, %dma_wait3A_1804] : memref<64x100xf32, #tpu.memory_space<vmem>> -> memref<1x100xf32, #tpu.memory_space<vmem>>
    %dma_wait3A_1806 = arith.constant 0 : i32
    %dma_wait3A_1807 = tpu.memref_slice %arg3[%reduce_sum3A_887, %dma_wait3A_1806] : memref<100000x100xf32, #tpu.memory_space<hbm>> -> memref<1x100xf32, #tpu.memory_space<hbm>>
    %dma_wait3A_1808 = arith.constant 40 : i32
    %dma_wait3A_1809 = arith.constant 0 : i32
    %dma_wait3A_1810 = tpu.memref_slice %arg6[%dma_wait3A_1808, %dma_wait3A_1809] : memref<64x100xf32, #tpu.memory_space<vmem>> -> memref<1x100xf32, #tpu.memory_space<vmem>>
    %dma_wait3A_1811 = arith.constant 0 : i32
    %dma_wait3A_1812 = tpu.memref_slice %arg3[%reduce_sum3A_887, %dma_wait3A_1811] : memref<100000x100xf32, #tpu.memory_space<hbm>> -> memref<1x100xf32, #tpu.memory_space<hbm>>
    tpu.wait_dma2 semaphore(%arg7 : memref<!tpu.dma_semaphore, #tpu.memory_space<semaphore_mem>>) src(%dma_wait3A_1812 : memref<1x100xf32, #tpu.memory_space<hbm>>) dst(%dma_wait3A_1810 : memref<1x100xf32, #tpu.memory_space<vmem>>)
    %dma_wait3A_1813 = arith.constant 41 : i32
    %dma_wait3A_1814 = arith.constant 0 : i32
    %dma_wait3A_1815 = tpu.memref_slice %arg6[%dma_wait3A_1813, %dma_wait3A_1814] : memref<64x100xf32, #tpu.memory_space<vmem>> -> memref<1x100xf32, #tpu.memory_space<vmem>>
    %dma_wait3A_1816 = arith.constant 0 : i32
    %dma_wait3A_1817 = tpu.memref_slice %arg3[%reduce_sum3A_909, %dma_wait3A_1816] : memref<100000x100xf32, #tpu.memory_space<hbm>> -> memref<1x100xf32, #tpu.memory_space<hbm>>
    %dma_wait3A_1818 = arith.constant 41 : i32
    %dma_wait3A_1819 = arith.constant 0 : i32
    %dma_wait3A_1820 = tpu.memref_slice %arg6[%dma_wait3A_1818, %dma_wait3A_1819] : memref<64x100xf32, #tpu.memory_space<vmem>> -> memref<1x100xf32, #tpu.memory_space<vmem>>
    %dma_wait3A_1821 = arith.constant 0 : i32
    %dma_wait3A_1822 = tpu.memref_slice %arg3[%reduce_sum3A_909, %dma_wait3A_1821] : memref<100000x100xf32, #tpu.memory_space<hbm>> -> memref<1x100xf32, #tpu.memory_space<hbm>>
    tpu.wait_dma2 semaphore(%arg7 : memref<!tpu.dma_semaphore, #tpu.memory_space<semaphore_mem>>) src(%dma_wait3A_1822 : memref<1x100xf32, #tpu.memory_space<hbm>>) dst(%dma_wait3A_1820 : memref<1x100xf32, #tpu.memory_space<vmem>>)
    %dma_wait3A_1823 = arith.constant 42 : i32
    %dma_wait3A_1824 = arith.constant 0 : i32
    %dma_wait3A_1825 = tpu.memref_slice %arg6[%dma_wait3A_1823, %dma_wait3A_1824] : memref<64x100xf32, #tpu.memory_space<vmem>> -> memref<1x100xf32, #tpu.memory_space<vmem>>
    %dma_wait3A_1826 = arith.constant 0 : i32
    %dma_wait3A_1827 = tpu.memref_slice %arg3[%reduce_sum3A_931, %dma_wait3A_1826] : memref<100000x100xf32, #tpu.memory_space<hbm>> -> memref<1x100xf32, #tpu.memory_space<hbm>>
    %dma_wait3A_1828 = arith.constant 42 : i32
    %dma_wait3A_1829 = arith.constant 0 : i32
    %dma_wait3A_1830 = tpu.memref_slice %arg6[%dma_wait3A_1828, %dma_wait3A_1829] : memref<64x100xf32, #tpu.memory_space<vmem>> -> memref<1x100xf32, #tpu.memory_space<vmem>>
    %dma_wait3A_1831 = arith.constant 0 : i32
    %dma_wait3A_1832 = tpu.memref_slice %arg3[%reduce_sum3A_931, %dma_wait3A_1831] : memref<100000x100xf32, #tpu.memory_space<hbm>> -> memref<1x100xf32, #tpu.memory_space<hbm>>
    tpu.wait_dma2 semaphore(%arg7 : memref<!tpu.dma_semaphore, #tpu.memory_space<semaphore_mem>>) src(%dma_wait3A_1832 : memref<1x100xf32, #tpu.memory_space<hbm>>) dst(%dma_wait3A_1830 : memref<1x100xf32, #tpu.memory_space<vmem>>)
    %dma_wait3A_1833 = arith.constant 43 : i32
    %dma_wait3A_1834 = arith.constant 0 : i32
    %dma_wait3A_1835 = tpu.memref_slice %arg6[%dma_wait3A_1833, %dma_wait3A_1834] : memref<64x100xf32, #tpu.memory_space<vmem>> -> memref<1x100xf32, #tpu.memory_space<vmem>>
    %dma_wait3A_1836 = arith.constant 0 : i32
    %dma_wait3A_1837 = tpu.memref_slice %arg3[%reduce_sum3A_953, %dma_wait3A_1836] : memref<100000x100xf32, #tpu.memory_space<hbm>> -> memref<1x100xf32, #tpu.memory_space<hbm>>
    %dma_wait3A_1838 = arith.constant 43 : i32
    %dma_wait3A_1839 = arith.constant 0 : i32
    %dma_wait3A_1840 = tpu.memref_slice %arg6[%dma_wait3A_1838, %dma_wait3A_1839] : memref<64x100xf32, #tpu.memory_space<vmem>> -> memref<1x100xf32, #tpu.memory_space<vmem>>
    %dma_wait3A_1841 = arith.constant 0 : i32
    %dma_wait3A_1842 = tpu.memref_slice %arg3[%reduce_sum3A_953, %dma_wait3A_1841] : memref<100000x100xf32, #tpu.memory_space<hbm>> -> memref<1x100xf32, #tpu.memory_space<hbm>>
    tpu.wait_dma2 semaphore(%arg7 : memref<!tpu.dma_semaphore, #tpu.memory_space<semaphore_mem>>) src(%dma_wait3A_1842 : memref<1x100xf32, #tpu.memory_space<hbm>>) dst(%dma_wait3A_1840 : memref<1x100xf32, #tpu.memory_space<vmem>>)
    %dma_wait3A_1843 = arith.constant 44 : i32
    %dma_wait3A_1844 = arith.constant 0 : i32
    %dma_wait3A_1845 = tpu.memref_slice %arg6[%dma_wait3A_1843, %dma_wait3A_1844] : memref<64x100xf32, #tpu.memory_space<vmem>> -> memref<1x100xf32, #tpu.memory_space<vmem>>
    %dma_wait3A_1846 = arith.constant 0 : i32
    %dma_wait3A_1847 = tpu.memref_slice %arg3[%reduce_sum3A_975, %dma_wait3A_1846] : memref<100000x100xf32, #tpu.memory_space<hbm>> -> memref<1x100xf32, #tpu.memory_space<hbm>>
    %dma_wait3A_1848 = arith.constant 44 : i32
    %dma_wait3A_1849 = arith.constant 0 : i32
    %dma_wait3A_1850 = tpu.memref_slice %arg6[%dma_wait3A_1848, %dma_wait3A_1849] : memref<64x100xf32, #tpu.memory_space<vmem>> -> memref<1x100xf32, #tpu.memory_space<vmem>>
    %dma_wait3A_1851 = arith.constant 0 : i32
    %dma_wait3A_1852 = tpu.memref_slice %arg3[%reduce_sum3A_975, %dma_wait3A_1851] : memref<100000x100xf32, #tpu.memory_space<hbm>> -> memref<1x100xf32, #tpu.memory_space<hbm>>
    tpu.wait_dma2 semaphore(%arg7 : memref<!tpu.dma_semaphore, #tpu.memory_space<semaphore_mem>>) src(%dma_wait3A_1852 : memref<1x100xf32, #tpu.memory_space<hbm>>) dst(%dma_wait3A_1850 : memref<1x100xf32, #tpu.memory_space<vmem>>)
    %dma_wait3A_1853 = arith.constant 45 : i32
    %dma_wait3A_1854 = arith.constant 0 : i32
    %dma_wait3A_1855 = tpu.memref_slice %arg6[%dma_wait3A_1853, %dma_wait3A_1854] : memref<64x100xf32, #tpu.memory_space<vmem>> -> memref<1x100xf32, #tpu.memory_space<vmem>>
    %dma_wait3A_1856 = arith.constant 0 : i32
    %dma_wait3A_1857 = tpu.memref_slice %arg3[%reduce_sum3A_997, %dma_wait3A_1856] : memref<100000x100xf32, #tpu.memory_space<hbm>> -> memref<1x100xf32, #tpu.memory_space<hbm>>
    %dma_wait3A_1858 = arith.constant 45 : i32
    %dma_wait3A_1859 = arith.constant 0 : i32
    %dma_wait3A_1860 = tpu.memref_slice %arg6[%dma_wait3A_1858, %dma_wait3A_1859] : memref<64x100xf32, #tpu.memory_space<vmem>> -> memref<1x100xf32, #tpu.memory_space<vmem>>
    %dma_wait3A_1861 = arith.constant 0 : i32
    %dma_wait3A_1862 = tpu.memref_slice %arg3[%reduce_sum3A_997, %dma_wait3A_1861] : memref<100000x100xf32, #tpu.memory_space<hbm>> -> memref<1x100xf32, #tpu.memory_space<hbm>>
    tpu.wait_dma2 semaphore(%arg7 : memref<!tpu.dma_semaphore, #tpu.memory_space<semaphore_mem>>) src(%dma_wait3A_1862 : memref<1x100xf32, #tpu.memory_space<hbm>>) dst(%dma_wait3A_1860 : memref<1x100xf32, #tpu.memory_space<vmem>>)
    %dma_wait3A_1863 = arith.constant 46 : i32
    %dma_wait3A_1864 = arith.constant 0 : i32
    %dma_wait3A_1865 = tpu.memref_slice %arg6[%dma_wait3A_1863, %dma_wait3A_1864] : memref<64x100xf32, #tpu.memory_space<vmem>> -> memref<1x100xf32, #tpu.memory_space<vmem>>
    %dma_wait3A_1866 = arith.constant 0 : i32
    %dma_wait3A_1867 = tpu.memref_slice %arg3[%reduce_sum3A_1019, %dma_wait3A_1866] : memref<100000x100xf32, #tpu.memory_space<hbm>> -> memref<1x100xf32, #tpu.memory_space<hbm>>
    %dma_wait3A_1868 = arith.constant 46 : i32
    %dma_wait3A_1869 = arith.constant 0 : i32
    %dma_wait3A_1870 = tpu.memref_slice %arg6[%dma_wait3A_1868, %dma_wait3A_1869] : memref<64x100xf32, #tpu.memory_space<vmem>> -> memref<1x100xf32, #tpu.memory_space<vmem>>
    %dma_wait3A_1871 = arith.constant 0 : i32
    %dma_wait3A_1872 = tpu.memref_slice %arg3[%reduce_sum3A_1019, %dma_wait3A_1871] : memref<100000x100xf32, #tpu.memory_space<hbm>> -> memref<1x100xf32, #tpu.memory_space<hbm>>
    tpu.wait_dma2 semaphore(%arg7 : memref<!tpu.dma_semaphore, #tpu.memory_space<semaphore_mem>>) src(%dma_wait3A_1872 : memref<1x100xf32, #tpu.memory_space<hbm>>) dst(%dma_wait3A_1870 : memref<1x100xf32, #tpu.memory_space<vmem>>)
    %dma_wait3A_1873 = arith.constant 47 : i32
    %dma_wait3A_1874 = arith.constant 0 : i32
    %dma_wait3A_1875 = tpu.memref_slice %arg6[%dma_wait3A_1873, %dma_wait3A_1874] : memref<64x100xf32, #tpu.memory_space<vmem>> -> memref<1x100xf32, #tpu.memory_space<vmem>>
    %dma_wait3A_1876 = arith.constant 0 : i32
    %dma_wait3A_1877 = tpu.memref_slice %arg3[%reduce_sum3A_1041, %dma_wait3A_1876] : memref<100000x100xf32, #tpu.memory_space<hbm>> -> memref<1x100xf32, #tpu.memory_space<hbm>>
    %dma_wait3A_1878 = arith.constant 47 : i32
    %dma_wait3A_1879 = arith.constant 0 : i32
    %dma_wait3A_1880 = tpu.memref_slice %arg6[%dma_wait3A_1878, %dma_wait3A_1879] : memref<64x100xf32, #tpu.memory_space<vmem>> -> memref<1x100xf32, #tpu.memory_space<vmem>>
    %dma_wait3A_1881 = arith.constant 0 : i32
    %dma_wait3A_1882 = tpu.memref_slice %arg3[%reduce_sum3A_1041, %dma_wait3A_1881] : memref<100000x100xf32, #tpu.memory_space<hbm>> -> memref<1x100xf32, #tpu.memory_space<hbm>>
    tpu.wait_dma2 semaphore(%arg7 : memref<!tpu.dma_semaphore, #tpu.memory_space<semaphore_mem>>) src(%dma_wait3A_1882 : memref<1x100xf32, #tpu.memory_space<hbm>>) dst(%dma_wait3A_1880 : memref<1x100xf32, #tpu.memory_space<vmem>>)
    %dma_wait3A_1883 = arith.constant 48 : i32
    %dma_wait3A_1884 = arith.constant 0 : i32
    %dma_wait3A_1885 = tpu.memref_slice %arg6[%dma_wait3A_1883, %dma_wait3A_1884] : memref<64x100xf32, #tpu.memory_space<vmem>> -> memref<1x100xf32, #tpu.memory_space<vmem>>
    %dma_wait3A_1886 = arith.constant 0 : i32
    %dma_wait3A_1887 = tpu.memref_slice %arg3[%reduce_sum3A_1063, %dma_wait3A_1886] : memref<100000x100xf32, #tpu.memory_space<hbm>> -> memref<1x100xf32, #tpu.memory_space<hbm>>
    %dma_wait3A_1888 = arith.constant 48 : i32
    %dma_wait3A_1889 = arith.constant 0 : i32
    %dma_wait3A_1890 = tpu.memref_slice %arg6[%dma_wait3A_1888, %dma_wait3A_1889] : memref<64x100xf32, #tpu.memory_space<vmem>> -> memref<1x100xf32, #tpu.memory_space<vmem>>
    %dma_wait3A_1891 = arith.constant 0 : i32
    %dma_wait3A_1892 = tpu.memref_slice %arg3[%reduce_sum3A_1063, %dma_wait3A_1891] : memref<100000x100xf32, #tpu.memory_space<hbm>> -> memref<1x100xf32, #tpu.memory_space<hbm>>
    tpu.wait_dma2 semaphore(%arg7 : memref<!tpu.dma_semaphore, #tpu.memory_space<semaphore_mem>>) src(%dma_wait3A_1892 : memref<1x100xf32, #tpu.memory_space<hbm>>) dst(%dma_wait3A_1890 : memref<1x100xf32, #tpu.memory_space<vmem>>)
    %dma_wait3A_1893 = arith.constant 49 : i32
    %dma_wait3A_1894 = arith.constant 0 : i32
    %dma_wait3A_1895 = tpu.memref_slice %arg6[%dma_wait3A_1893, %dma_wait3A_1894] : memref<64x100xf32, #tpu.memory_space<vmem>> -> memref<1x100xf32, #tpu.memory_space<vmem>>
    %dma_wait3A_1896 = arith.constant 0 : i32
    %dma_wait3A_1897 = tpu.memref_slice %arg3[%reduce_sum3A_1085, %dma_wait3A_1896] : memref<100000x100xf32, #tpu.memory_space<hbm>> -> memref<1x100xf32, #tpu.memory_space<hbm>>
    %dma_wait3A_1898 = arith.constant 49 : i32
    %dma_wait3A_1899 = arith.constant 0 : i32
    %dma_wait3A_1900 = tpu.memref_slice %arg6[%dma_wait3A_1898, %dma_wait3A_1899] : memref<64x100xf32, #tpu.memory_space<vmem>> -> memref<1x100xf32, #tpu.memory_space<vmem>>
    %dma_wait3A_1901 = arith.constant 0 : i32
    %dma_wait3A_1902 = tpu.memref_slice %arg3[%reduce_sum3A_1085, %dma_wait3A_1901] : memref<100000x100xf32, #tpu.memory_space<hbm>> -> memref<1x100xf32, #tpu.memory_space<hbm>>
    tpu.wait_dma2 semaphore(%arg7 : memref<!tpu.dma_semaphore, #tpu.memory_space<semaphore_mem>>) src(%dma_wait3A_1902 : memref<1x100xf32, #tpu.memory_space<hbm>>) dst(%dma_wait3A_1900 : memref<1x100xf32, #tpu.memory_space<vmem>>)
    %dma_wait3A_1903 = arith.constant 50 : i32
    %dma_wait3A_1904 = arith.constant 0 : i32
    %dma_wait3A_1905 = tpu.memref_slice %arg6[%dma_wait3A_1903, %dma_wait3A_1904] : memref<64x100xf32, #tpu.memory_space<vmem>> -> memref<1x100xf32, #tpu.memory_space<vmem>>
    %dma_wait3A_1906 = arith.constant 0 : i32
    %dma_wait3A_1907 = tpu.memref_slice %arg3[%reduce_sum3A_1107, %dma_wait3A_1906] : memref<100000x100xf32, #tpu.memory_space<hbm>> -> memref<1x100xf32, #tpu.memory_space<hbm>>
    %dma_wait3A_1908 = arith.constant 50 : i32
    %dma_wait3A_1909 = arith.constant 0 : i32
    %dma_wait3A_1910 = tpu.memref_slice %arg6[%dma_wait3A_1908, %dma_wait3A_1909] : memref<64x100xf32, #tpu.memory_space<vmem>> -> memref<1x100xf32, #tpu.memory_space<vmem>>
    %dma_wait3A_1911 = arith.constant 0 : i32
    %dma_wait3A_1912 = tpu.memref_slice %arg3[%reduce_sum3A_1107, %dma_wait3A_1911] : memref<100000x100xf32, #tpu.memory_space<hbm>> -> memref<1x100xf32, #tpu.memory_space<hbm>>
    tpu.wait_dma2 semaphore(%arg7 : memref<!tpu.dma_semaphore, #tpu.memory_space<semaphore_mem>>) src(%dma_wait3A_1912 : memref<1x100xf32, #tpu.memory_space<hbm>>) dst(%dma_wait3A_1910 : memref<1x100xf32, #tpu.memory_space<vmem>>)
    %dma_wait3A_1913 = arith.constant 51 : i32
    %dma_wait3A_1914 = arith.constant 0 : i32
    %dma_wait3A_1915 = tpu.memref_slice %arg6[%dma_wait3A_1913, %dma_wait3A_1914] : memref<64x100xf32, #tpu.memory_space<vmem>> -> memref<1x100xf32, #tpu.memory_space<vmem>>
    %dma_wait3A_1916 = arith.constant 0 : i32
    %dma_wait3A_1917 = tpu.memref_slice %arg3[%reduce_sum3A_1129, %dma_wait3A_1916] : memref<100000x100xf32, #tpu.memory_space<hbm>> -> memref<1x100xf32, #tpu.memory_space<hbm>>
    %dma_wait3A_1918 = arith.constant 51 : i32
    %dma_wait3A_1919 = arith.constant 0 : i32
    %dma_wait3A_1920 = tpu.memref_slice %arg6[%dma_wait3A_1918, %dma_wait3A_1919] : memref<64x100xf32, #tpu.memory_space<vmem>> -> memref<1x100xf32, #tpu.memory_space<vmem>>
    %dma_wait3A_1921 = arith.constant 0 : i32
    %dma_wait3A_1922 = tpu.memref_slice %arg3[%reduce_sum3A_1129, %dma_wait3A_1921] : memref<100000x100xf32, #tpu.memory_space<hbm>> -> memref<1x100xf32, #tpu.memory_space<hbm>>
    tpu.wait_dma2 semaphore(%arg7 : memref<!tpu.dma_semaphore, #tpu.memory_space<semaphore_mem>>) src(%dma_wait3A_1922 : memref<1x100xf32, #tpu.memory_space<hbm>>) dst(%dma_wait3A_1920 : memref<1x100xf32, #tpu.memory_space<vmem>>)
    %dma_wait3A_1923 = arith.constant 52 : i32
    %dma_wait3A_1924 = arith.constant 0 : i32
    %dma_wait3A_1925 = tpu.memref_slice %arg6[%dma_wait3A_1923, %dma_wait3A_1924] : memref<64x100xf32, #tpu.memory_space<vmem>> -> memref<1x100xf32, #tpu.memory_space<vmem>>
    %dma_wait3A_1926 = arith.constant 0 : i32
    %dma_wait3A_1927 = tpu.memref_slice %arg3[%reduce_sum3A_1151, %dma_wait3A_1926] : memref<100000x100xf32, #tpu.memory_space<hbm>> -> memref<1x100xf32, #tpu.memory_space<hbm>>
    %dma_wait3A_1928 = arith.constant 52 : i32
    %dma_wait3A_1929 = arith.constant 0 : i32
    %dma_wait3A_1930 = tpu.memref_slice %arg6[%dma_wait3A_1928, %dma_wait3A_1929] : memref<64x100xf32, #tpu.memory_space<vmem>> -> memref<1x100xf32, #tpu.memory_space<vmem>>
    %dma_wait3A_1931 = arith.constant 0 : i32
    %dma_wait3A_1932 = tpu.memref_slice %arg3[%reduce_sum3A_1151, %dma_wait3A_1931] : memref<100000x100xf32, #tpu.memory_space<hbm>> -> memref<1x100xf32, #tpu.memory_space<hbm>>
    tpu.wait_dma2 semaphore(%arg7 : memref<!tpu.dma_semaphore, #tpu.memory_space<semaphore_mem>>) src(%dma_wait3A_1932 : memref<1x100xf32, #tpu.memory_space<hbm>>) dst(%dma_wait3A_1930 : memref<1x100xf32, #tpu.memory_space<vmem>>)
    %dma_wait3A_1933 = arith.constant 53 : i32
    %dma_wait3A_1934 = arith.constant 0 : i32
    %dma_wait3A_1935 = tpu.memref_slice %arg6[%dma_wait3A_1933, %dma_wait3A_1934] : memref<64x100xf32, #tpu.memory_space<vmem>> -> memref<1x100xf32, #tpu.memory_space<vmem>>
    %dma_wait3A_1936 = arith.constant 0 : i32
    %dma_wait3A_1937 = tpu.memref_slice %arg3[%reduce_sum3A_1173, %dma_wait3A_1936] : memref<100000x100xf32, #tpu.memory_space<hbm>> -> memref<1x100xf32, #tpu.memory_space<hbm>>
    %dma_wait3A_1938 = arith.constant 53 : i32
    %dma_wait3A_1939 = arith.constant 0 : i32
    %dma_wait3A_1940 = tpu.memref_slice %arg6[%dma_wait3A_1938, %dma_wait3A_1939] : memref<64x100xf32, #tpu.memory_space<vmem>> -> memref<1x100xf32, #tpu.memory_space<vmem>>
    %dma_wait3A_1941 = arith.constant 0 : i32
    %dma_wait3A_1942 = tpu.memref_slice %arg3[%reduce_sum3A_1173, %dma_wait3A_1941] : memref<100000x100xf32, #tpu.memory_space<hbm>> -> memref<1x100xf32, #tpu.memory_space<hbm>>
    tpu.wait_dma2 semaphore(%arg7 : memref<!tpu.dma_semaphore, #tpu.memory_space<semaphore_mem>>) src(%dma_wait3A_1942 : memref<1x100xf32, #tpu.memory_space<hbm>>) dst(%dma_wait3A_1940 : memref<1x100xf32, #tpu.memory_space<vmem>>)
    %dma_wait3A_1943 = arith.constant 54 : i32
    %dma_wait3A_1944 = arith.constant 0 : i32
    %dma_wait3A_1945 = tpu.memref_slice %arg6[%dma_wait3A_1943, %dma_wait3A_1944] : memref<64x100xf32, #tpu.memory_space<vmem>> -> memref<1x100xf32, #tpu.memory_space<vmem>>
    %dma_wait3A_1946 = arith.constant 0 : i32
    %dma_wait3A_1947 = tpu.memref_slice %arg3[%reduce_sum3A_1195, %dma_wait3A_1946] : memref<100000x100xf32, #tpu.memory_space<hbm>> -> memref<1x100xf32, #tpu.memory_space<hbm>>
    %dma_wait3A_1948 = arith.constant 54 : i32
    %dma_wait3A_1949 = arith.constant 0 : i32
    %dma_wait3A_1950 = tpu.memref_slice %arg6[%dma_wait3A_1948, %dma_wait3A_1949] : memref<64x100xf32, #tpu.memory_space<vmem>> -> memref<1x100xf32, #tpu.memory_space<vmem>>
    %dma_wait3A_1951 = arith.constant 0 : i32
    %dma_wait3A_1952 = tpu.memref_slice %arg3[%reduce_sum3A_1195, %dma_wait3A_1951] : memref<100000x100xf32, #tpu.memory_space<hbm>> -> memref<1x100xf32, #tpu.memory_space<hbm>>
    tpu.wait_dma2 semaphore(%arg7 : memref<!tpu.dma_semaphore, #tpu.memory_space<semaphore_mem>>) src(%dma_wait3A_1952 : memref<1x100xf32, #tpu.memory_space<hbm>>) dst(%dma_wait3A_1950 : memref<1x100xf32, #tpu.memory_space<vmem>>)
    %dma_wait3A_1953 = arith.constant 55 : i32
    %dma_wait3A_1954 = arith.constant 0 : i32
    %dma_wait3A_1955 = tpu.memref_slice %arg6[%dma_wait3A_1953, %dma_wait3A_1954] : memref<64x100xf32, #tpu.memory_space<vmem>> -> memref<1x100xf32, #tpu.memory_space<vmem>>
    %dma_wait3A_1956 = arith.constant 0 : i32
    %dma_wait3A_1957 = tpu.memref_slice %arg3[%reduce_sum3A_1217, %dma_wait3A_1956] : memref<100000x100xf32, #tpu.memory_space<hbm>> -> memref<1x100xf32, #tpu.memory_space<hbm>>
    %dma_wait3A_1958 = arith.constant 55 : i32
    %dma_wait3A_1959 = arith.constant 0 : i32
    %dma_wait3A_1960 = tpu.memref_slice %arg6[%dma_wait3A_1958, %dma_wait3A_1959] : memref<64x100xf32, #tpu.memory_space<vmem>> -> memref<1x100xf32, #tpu.memory_space<vmem>>
    %dma_wait3A_1961 = arith.constant 0 : i32
    %dma_wait3A_1962 = tpu.memref_slice %arg3[%reduce_sum3A_1217, %dma_wait3A_1961] : memref<100000x100xf32, #tpu.memory_space<hbm>> -> memref<1x100xf32, #tpu.memory_space<hbm>>
    tpu.wait_dma2 semaphore(%arg7 : memref<!tpu.dma_semaphore, #tpu.memory_space<semaphore_mem>>) src(%dma_wait3A_1962 : memref<1x100xf32, #tpu.memory_space<hbm>>) dst(%dma_wait3A_1960 : memref<1x100xf32, #tpu.memory_space<vmem>>)
    %dma_wait3A_1963 = arith.constant 56 : i32
    %dma_wait3A_1964 = arith.constant 0 : i32
    %dma_wait3A_1965 = tpu.memref_slice %arg6[%dma_wait3A_1963, %dma_wait3A_1964] : memref<64x100xf32, #tpu.memory_space<vmem>> -> memref<1x100xf32, #tpu.memory_space<vmem>>
    %dma_wait3A_1966 = arith.constant 0 : i32
    %dma_wait3A_1967 = tpu.memref_slice %arg3[%reduce_sum3A_1239, %dma_wait3A_1966] : memref<100000x100xf32, #tpu.memory_space<hbm>> -> memref<1x100xf32, #tpu.memory_space<hbm>>
    %dma_wait3A_1968 = arith.constant 56 : i32
    %dma_wait3A_1969 = arith.constant 0 : i32
    %dma_wait3A_1970 = tpu.memref_slice %arg6[%dma_wait3A_1968, %dma_wait3A_1969] : memref<64x100xf32, #tpu.memory_space<vmem>> -> memref<1x100xf32, #tpu.memory_space<vmem>>
    %dma_wait3A_1971 = arith.constant 0 : i32
    %dma_wait3A_1972 = tpu.memref_slice %arg3[%reduce_sum3A_1239, %dma_wait3A_1971] : memref<100000x100xf32, #tpu.memory_space<hbm>> -> memref<1x100xf32, #tpu.memory_space<hbm>>
    tpu.wait_dma2 semaphore(%arg7 : memref<!tpu.dma_semaphore, #tpu.memory_space<semaphore_mem>>) src(%dma_wait3A_1972 : memref<1x100xf32, #tpu.memory_space<hbm>>) dst(%dma_wait3A_1970 : memref<1x100xf32, #tpu.memory_space<vmem>>)
    %dma_wait3A_1973 = arith.constant 57 : i32
    %dma_wait3A_1974 = arith.constant 0 : i32
    %dma_wait3A_1975 = tpu.memref_slice %arg6[%dma_wait3A_1973, %dma_wait3A_1974] : memref<64x100xf32, #tpu.memory_space<vmem>> -> memref<1x100xf32, #tpu.memory_space<vmem>>
    %dma_wait3A_1976 = arith.constant 0 : i32
    %dma_wait3A_1977 = tpu.memref_slice %arg3[%reduce_sum3A_1261, %dma_wait3A_1976] : memref<100000x100xf32, #tpu.memory_space<hbm>> -> memref<1x100xf32, #tpu.memory_space<hbm>>
    %dma_wait3A_1978 = arith.constant 57 : i32
    %dma_wait3A_1979 = arith.constant 0 : i32
    %dma_wait3A_1980 = tpu.memref_slice %arg6[%dma_wait3A_1978, %dma_wait3A_1979] : memref<64x100xf32, #tpu.memory_space<vmem>> -> memref<1x100xf32, #tpu.memory_space<vmem>>
    %dma_wait3A_1981 = arith.constant 0 : i32
    %dma_wait3A_1982 = tpu.memref_slice %arg3[%reduce_sum3A_1261, %dma_wait3A_1981] : memref<100000x100xf32, #tpu.memory_space<hbm>> -> memref<1x100xf32, #tpu.memory_space<hbm>>
    tpu.wait_dma2 semaphore(%arg7 : memref<!tpu.dma_semaphore, #tpu.memory_space<semaphore_mem>>) src(%dma_wait3A_1982 : memref<1x100xf32, #tpu.memory_space<hbm>>) dst(%dma_wait3A_1980 : memref<1x100xf32, #tpu.memory_space<vmem>>)
    %dma_wait3A_1983 = arith.constant 58 : i32
    %dma_wait3A_1984 = arith.constant 0 : i32
    %dma_wait3A_1985 = tpu.memref_slice %arg6[%dma_wait3A_1983, %dma_wait3A_1984] : memref<64x100xf32, #tpu.memory_space<vmem>> -> memref<1x100xf32, #tpu.memory_space<vmem>>
    %dma_wait3A_1986 = arith.constant 0 : i32
    %dma_wait3A_1987 = tpu.memref_slice %arg3[%reduce_sum3A_1283, %dma_wait3A_1986] : memref<100000x100xf32, #tpu.memory_space<hbm>> -> memref<1x100xf32, #tpu.memory_space<hbm>>
    %dma_wait3A_1988 = arith.constant 58 : i32
    %dma_wait3A_1989 = arith.constant 0 : i32
    %dma_wait3A_1990 = tpu.memref_slice %arg6[%dma_wait3A_1988, %dma_wait3A_1989] : memref<64x100xf32, #tpu.memory_space<vmem>> -> memref<1x100xf32, #tpu.memory_space<vmem>>
    %dma_wait3A_1991 = arith.constant 0 : i32
    %dma_wait3A_1992 = tpu.memref_slice %arg3[%reduce_sum3A_1283, %dma_wait3A_1991] : memref<100000x100xf32, #tpu.memory_space<hbm>> -> memref<1x100xf32, #tpu.memory_space<hbm>>
    tpu.wait_dma2 semaphore(%arg7 : memref<!tpu.dma_semaphore, #tpu.memory_space<semaphore_mem>>) src(%dma_wait3A_1992 : memref<1x100xf32, #tpu.memory_space<hbm>>) dst(%dma_wait3A_1990 : memref<1x100xf32, #tpu.memory_space<vmem>>)
    %dma_wait3A_1993 = arith.constant 59 : i32
    %dma_wait3A_1994 = arith.constant 0 : i32
    %dma_wait3A_1995 = tpu.memref_slice %arg6[%dma_wait3A_1993, %dma_wait3A_1994] : memref<64x100xf32, #tpu.memory_space<vmem>> -> memref<1x100xf32, #tpu.memory_space<vmem>>
    %dma_wait3A_1996 = arith.constant 0 : i32
    %dma_wait3A_1997 = tpu.memref_slice %arg3[%reduce_sum3A_1305, %dma_wait3A_1996] : memref<100000x100xf32, #tpu.memory_space<hbm>> -> memref<1x100xf32, #tpu.memory_space<hbm>>
    %dma_wait3A_1998 = arith.constant 59 : i32
    %dma_wait3A_1999 = arith.constant 0 : i32
    %dma_wait3A_2000 = tpu.memref_slice %arg6[%dma_wait3A_1998, %dma_wait3A_1999] : memref<64x100xf32, #tpu.memory_space<vmem>> -> memref<1x100xf32, #tpu.memory_space<vmem>>
    %dma_wait3A_2001 = arith.constant 0 : i32
    %dma_wait3A_2002 = tpu.memref_slice %arg3[%reduce_sum3A_1305, %dma_wait3A_2001] : memref<100000x100xf32, #tpu.memory_space<hbm>> -> memref<1x100xf32, #tpu.memory_space<hbm>>
    tpu.wait_dma2 semaphore(%arg7 : memref<!tpu.dma_semaphore, #tpu.memory_space<semaphore_mem>>) src(%dma_wait3A_2002 : memref<1x100xf32, #tpu.memory_space<hbm>>) dst(%dma_wait3A_2000 : memref<1x100xf32, #tpu.memory_space<vmem>>)
    %dma_wait3A_2003 = arith.constant 60 : i32
    %dma_wait3A_2004 = arith.constant 0 : i32
    %dma_wait3A_2005 = tpu.memref_slice %arg6[%dma_wait3A_2003, %dma_wait3A_2004] : memref<64x100xf32, #tpu.memory_space<vmem>> -> memref<1x100xf32, #tpu.memory_space<vmem>>
    %dma_wait3A_2006 = arith.constant 0 : i32
    %dma_wait3A_2007 = tpu.memref_slice %arg3[%reduce_sum3A_1327, %dma_wait3A_2006] : memref<100000x100xf32, #tpu.memory_space<hbm>> -> memref<1x100xf32, #tpu.memory_space<hbm>>
    %dma_wait3A_2008 = arith.constant 60 : i32
    %dma_wait3A_2009 = arith.constant 0 : i32
    %dma_wait3A_2010 = tpu.memref_slice %arg6[%dma_wait3A_2008, %dma_wait3A_2009] : memref<64x100xf32, #tpu.memory_space<vmem>> -> memref<1x100xf32, #tpu.memory_space<vmem>>
    %dma_wait3A_2011 = arith.constant 0 : i32
    %dma_wait3A_2012 = tpu.memref_slice %arg3[%reduce_sum3A_1327, %dma_wait3A_2011] : memref<100000x100xf32, #tpu.memory_space<hbm>> -> memref<1x100xf32, #tpu.memory_space<hbm>>
    tpu.wait_dma2 semaphore(%arg7 : memref<!tpu.dma_semaphore, #tpu.memory_space<semaphore_mem>>) src(%dma_wait3A_2012 : memref<1x100xf32, #tpu.memory_space<hbm>>) dst(%dma_wait3A_2010 : memref<1x100xf32, #tpu.memory_space<vmem>>)
    %dma_wait3A_2013 = arith.constant 61 : i32
    %dma_wait3A_2014 = arith.constant 0 : i32
    %dma_wait3A_2015 = tpu.memref_slice %arg6[%dma_wait3A_2013, %dma_wait3A_2014] : memref<64x100xf32, #tpu.memory_space<vmem>> -> memref<1x100xf32, #tpu.memory_space<vmem>>
    %dma_wait3A_2016 = arith.constant 0 : i32
    %dma_wait3A_2017 = tpu.memref_slice %arg3[%reduce_sum3A_1349, %dma_wait3A_2016] : memref<100000x100xf32, #tpu.memory_space<hbm>> -> memref<1x100xf32, #tpu.memory_space<hbm>>
    %dma_wait3A_2018 = arith.constant 61 : i32
    %dma_wait3A_2019 = arith.constant 0 : i32
    %dma_wait3A_2020 = tpu.memref_slice %arg6[%dma_wait3A_2018, %dma_wait3A_2019] : memref<64x100xf32, #tpu.memory_space<vmem>> -> memref<1x100xf32, #tpu.memory_space<vmem>>
    %dma_wait3A_2021 = arith.constant 0 : i32
    %dma_wait3A_2022 = tpu.memref_slice %arg3[%reduce_sum3A_1349, %dma_wait3A_2021] : memref<100000x100xf32, #tpu.memory_space<hbm>> -> memref<1x100xf32, #tpu.memory_space<hbm>>
    tpu.wait_dma2 semaphore(%arg7 : memref<!tpu.dma_semaphore, #tpu.memory_space<semaphore_mem>>) src(%dma_wait3A_2022 : memref<1x100xf32, #tpu.memory_space<hbm>>) dst(%dma_wait3A_2020 : memref<1x100xf32, #tpu.memory_space<vmem>>)
    %dma_wait3A_2023 = arith.constant 62 : i32
    %dma_wait3A_2024 = arith.constant 0 : i32
    %dma_wait3A_2025 = tpu.memref_slice %arg6[%dma_wait3A_2023, %dma_wait3A_2024] : memref<64x100xf32, #tpu.memory_space<vmem>> -> memref<1x100xf32, #tpu.memory_space<vmem>>
    %dma_wait3A_2026 = arith.constant 0 : i32
    %dma_wait3A_2027 = tpu.memref_slice %arg3[%reduce_sum3A_1371, %dma_wait3A_2026] : memref<100000x100xf32, #tpu.memory_space<hbm>> -> memref<1x100xf32, #tpu.memory_space<hbm>>
    %dma_wait3A_2028 = arith.constant 62 : i32
    %dma_wait3A_2029 = arith.constant 0 : i32
    %dma_wait3A_2030 = tpu.memref_slice %arg6[%dma_wait3A_2028, %dma_wait3A_2029] : memref<64x100xf32, #tpu.memory_space<vmem>> -> memref<1x100xf32, #tpu.memory_space<vmem>>
    %dma_wait3A_2031 = arith.constant 0 : i32
    %dma_wait3A_2032 = tpu.memref_slice %arg3[%reduce_sum3A_1371, %dma_wait3A_2031] : memref<100000x100xf32, #tpu.memory_space<hbm>> -> memref<1x100xf32, #tpu.memory_space<hbm>>
    tpu.wait_dma2 semaphore(%arg7 : memref<!tpu.dma_semaphore, #tpu.memory_space<semaphore_mem>>) src(%dma_wait3A_2032 : memref<1x100xf32, #tpu.memory_space<hbm>>) dst(%dma_wait3A_2030 : memref<1x100xf32, #tpu.memory_space<vmem>>)
    %dma_wait3A_2033 = arith.constant 63 : i32
    %dma_wait3A_2034 = arith.constant 0 : i32
    %dma_wait3A_2035 = tpu.memref_slice %arg6[%dma_wait3A_2033, %dma_wait3A_2034] : memref<64x100xf32, #tpu.memory_space<vmem>> -> memref<1x100xf32, #tpu.memory_space<vmem>>
    %dma_wait3A_2036 = arith.constant 0 : i32
    %dma_wait3A_2037 = tpu.memref_slice %arg3[%reduce_sum3A_1393, %dma_wait3A_2036] : memref<100000x100xf32, #tpu.memory_space<hbm>> -> memref<1x100xf32, #tpu.memory_space<hbm>>
    %dma_wait3A_2038 = arith.constant 63 : i32
    %dma_wait3A_2039 = arith.constant 0 : i32
    %dma_wait3A_2040 = tpu.memref_slice %arg6[%dma_wait3A_2038, %dma_wait3A_2039] : memref<64x100xf32, #tpu.memory_space<vmem>> -> memref<1x100xf32, #tpu.memory_space<vmem>>
    %dma_wait3A_2041 = arith.constant 0 : i32
    %dma_wait3A_2042 = tpu.memref_slice %arg3[%reduce_sum3A_1393, %dma_wait3A_2041] : memref<100000x100xf32, #tpu.memory_space<hbm>> -> memref<1x100xf32, #tpu.memory_space<hbm>>
    tpu.wait_dma2 semaphore(%arg7 : memref<!tpu.dma_semaphore, #tpu.memory_space<semaphore_mem>>) src(%dma_wait3A_2042 : memref<1x100xf32, #tpu.memory_space<hbm>>) dst(%dma_wait3A_2040 : memref<1x100xf32, #tpu.memory_space<vmem>>)
    "tpu.region"() ({
      %run_scoped3A = tpu.sem_alloc : memref<!tpu.dma_semaphore, #tpu.memory_space<semaphore_mem>>
      %dma_start3A_2043 = arith.constant 0 : i32
      %dma_start3A_2044 = tpu.memref_slice %arg4[%mul3A_2, %dma_start3A_2043] : memref<2048x100xf32, #tpu.memory_space<hbm>> -> memref<64x100xf32, #tpu.memory_space<hbm>>
      %dma_start3A_2045 = arith.constant 0 : i32
      %dma_start3A_2046 = tpu.memref_slice %arg4[%mul3A_2, %dma_start3A_2045] : memref<2048x100xf32, #tpu.memory_space<hbm>> -> memref<64x100xf32, #tpu.memory_space<hbm>>
      tpu.enqueue_dma source(%arg6 : memref<64x100xf32, #tpu.memory_space<vmem>>) target(%dma_start3A_2046 : memref<64x100xf32, #tpu.memory_space<hbm>>) target_semaphore(%run_scoped3A : memref<!tpu.dma_semaphore, #tpu.memory_space<semaphore_mem>>)
      %dma_wait3A_2047 = arith.constant 0 : i32
      %dma_wait3A_2048 = tpu.memref_slice %arg4[%mul3A_2, %dma_wait3A_2047] : memref<2048x100xf32, #tpu.memory_space<hbm>> -> memref<64x100xf32, #tpu.memory_space<hbm>>
      %dma_wait3A_2049 = arith.constant 0 : i32
      %dma_wait3A_2050 = tpu.memref_slice %arg4[%mul3A_2, %dma_wait3A_2049] : memref<2048x100xf32, #tpu.memory_space<hbm>> -> memref<64x100xf32, #tpu.memory_space<hbm>>
      tpu.wait_dma2 semaphore(%run_scoped3A : memref<!tpu.dma_semaphore, #tpu.memory_space<semaphore_mem>>) src(%arg6 : memref<64x100xf32, #tpu.memory_space<vmem>>) dst(%dma_wait3A_2050 : memref<64x100xf32, #tpu.memory_space<hbm>>)
      tpu.yield
    }) : () -> ()
    return
  }
}

module attributes {stable_mosaic.version = 14 : i64} {
  func.func @_softmax_body(%arg0: i32, %arg1: i32, %arg2: memref<1024x200xbf16, #tpu.memory_space<vmem>>, %arg3: memref<200x2048xbf16, #tpu.memory_space<vmem>>, %arg4: memref<1x2048xf32, #tpu.memory_space<vmem>>, %arg5: memref<1024x2048xf32, #tpu.memory_space<vmem>>, %arg6: memref<1024x128xf32, #tpu.memory_space<vmem>>) attributes {dimension_semantics = [#tpu.dimension_semantics<arbitrary>, #tpu.dimension_semantics<arbitrary>], iteration_bounds = array<i64: 2, 49>, scalar_prefetch = 0 : i64, scratch_operands = 1 : i64, tpu.core_type = #tpu.core_type<tc>, window_params = [{pipeline_mode = #tpu.pipeline_mode<synchronous>, transform_indices = @transform_0, window_bounds = array<i64: 1024, 200>}, {transform_indices = @transform_1, window_bounds = array<i64: 200, 2048>}, {transform_indices = @transform_2, window_bounds = array<i64: 1, 2048>}, {transform_indices = @transform_3, window_bounds = array<i64: 1024, 2048>}]} {
    %eq3A = arith.constant 0 : i32
    %eq3A_0 = arith.cmpi eq, %arg0, %eq3A : i32
    %eq3A_1 = arith.constant 0 : i32
    %eq3A_2 = arith.cmpi eq, %arg1, %eq3A_1 : i32
    %and3A = arith.andi %eq3A_0, %eq3A_2 : i1
    %convert_element_type3A = arith.extui %and3A : i1 to i32
    %cond3A = arith.constant 0 : i32
    %cond3A_3 = arith.cmpi ne, %convert_element_type3A, %cond3A : i32
    scf.if %cond3A_3 {
      %broadcast_in_dim3A = arith.constant 0.000000e+00 : f32
      %broadcast_in_dim3A_42 = vector.broadcast %broadcast_in_dim3A : f32 to vector<1024x128xf32>
      %swap3A = arith.constant 0 : index
      %swap3A_43 = arith.constant 0 : index
      %swap3A_44 = vector.load %arg6[%swap3A, %swap3A_43] : memref<1024x128xf32, #tpu.memory_space<vmem>>, vector<1024x128xf32>
      tpu.vector_store %arg6[%swap3A, %swap3A_43], %broadcast_in_dim3A_42 {strides = array<i32>} : memref<1024x128xf32, #tpu.memory_space<vmem>>, vector<1024x128xf32>,
    } else {
    }
    %get3A = arith.constant 0 : index
    %get3A_4 = arith.constant 0 : index
    %get3A_5 = vector.load %arg2[%get3A, %get3A_4] : memref<1024x200xbf16, #tpu.memory_space<vmem>>, vector<1024x200xbf16>
    %get3A_6 = arith.constant 0 : index
    %get3A_7 = arith.constant 0 : index
    %get3A_8 = vector.load %arg3[%get3A_6, %get3A_7] : memref<200x2048xbf16, #tpu.memory_space<vmem>>, vector<200x2048xbf16>
    %dot_general3A = arith.constant dense<0.000000e+00> : vector<1024x2048xf32>
    %dot_general3A_9 = tpu.matmul %get3A_5, %get3A_8, %dot_general3A {dimension_numbers = #tpu.dot_dimension_numbers<[1], [0], [0], [1], [0, 0, 1, 1], [], []>, transpose_lhs_hint = false} : vector<1024x200xbf16>, vector<200x2048xbf16>, vector<1024x2048xf32> -> vector<1024x2048xf32>
    %get3A_10 = arith.constant 0 : index
    %get3A_11 = arith.constant 0 : index
    %get3A_12 = vector.load %arg4[%get3A_10, %get3A_11] : memref<1x2048xf32, #tpu.memory_space<vmem>>, vector<1x2048xf32>
    %add3A = vector.broadcast %get3A_12 : vector<1x2048xf32> to vector<1024x2048xf32>
    %add3A_13 = arith.addf %dot_general3A_9, %add3A : vector<1024x2048xf32>
    %exp23A = math.exp2 %add3A_13 : vector<1024x2048xf32>
    %eq3A_14 = arith.constant 0 : i32
    %eq3A_15 = arith.cmpi eq, %arg0, %eq3A_14 : i32
    %lt3A = arith.constant 48 : i32
    %lt3A_16 = arith.cmpi slt, %arg1, %lt3A : i32
    %and3A_17 = arith.andi %eq3A_15, %lt3A_16 : i1
    %convert_element_type3A_18 = arith.extui %and3A_17 : i1 to i32
    %cond3A_19 = arith.constant 0 : i32
    %cond3A_20 = arith.cmpi ne, %convert_element_type3A_18, %cond3A_19 : i32
    scf.if %cond3A_20 {
      %get3A_42 = arith.constant 0 : index
      %get3A_43 = arith.constant 0 : index
      %get3A_44 = vector.load %arg6[%get3A_42, %get3A_43] : memref<1024x128xf32, #tpu.memory_space<vmem>>, vector<1024x128xf32>
      %slice3A = vector.extract_strided_slice %exp23A {offsets = [0, 0], sizes = [1024, 128], strides = [1, 1]} : vector<1024x2048xf32> to vector<1024x128xf32>
      %add3A_45 = arith.addf %get3A_44, %slice3A : vector<1024x128xf32>
      %slice3A_46 = vector.extract_strided_slice %exp23A {offsets = [0, 128], sizes = [1024, 128], strides = [1, 1]} : vector<1024x2048xf32> to vector<1024x128xf32>
      %add3A_47 = arith.addf %add3A_45, %slice3A_46 : vector<1024x128xf32>
      %slice3A_48 = vector.extract_strided_slice %exp23A {offsets = [0, 256], sizes = [1024, 128], strides = [1, 1]} : vector<1024x2048xf32> to vector<1024x128xf32>
      %add3A_49 = arith.addf %add3A_47, %slice3A_48 : vector<1024x128xf32>
      %slice3A_50 = vector.extract_strided_slice %exp23A {offsets = [0, 384], sizes = [1024, 128], strides = [1, 1]} : vector<1024x2048xf32> to vector<1024x128xf32>
      %add3A_51 = arith.addf %add3A_49, %slice3A_50 : vector<1024x128xf32>
      %slice3A_52 = vector.extract_strided_slice %exp23A {offsets = [0, 512], sizes = [1024, 128], strides = [1, 1]} : vector<1024x2048xf32> to vector<1024x128xf32>
      %add3A_53 = arith.addf %add3A_51, %slice3A_52 : vector<1024x128xf32>
      %slice3A_54 = vector.extract_strided_slice %exp23A {offsets = [0, 640], sizes = [1024, 128], strides = [1, 1]} : vector<1024x2048xf32> to vector<1024x128xf32>
      %add3A_55 = arith.addf %add3A_53, %slice3A_54 : vector<1024x128xf32>
      %slice3A_56 = vector.extract_strided_slice %exp23A {offsets = [0, 768], sizes = [1024, 128], strides = [1, 1]} : vector<1024x2048xf32> to vector<1024x128xf32>
      %add3A_57 = arith.addf %add3A_55, %slice3A_56 : vector<1024x128xf32>
      %slice3A_58 = vector.extract_strided_slice %exp23A {offsets = [0, 896], sizes = [1024, 128], strides = [1, 1]} : vector<1024x2048xf32> to vector<1024x128xf32>
      %add3A_59 = arith.addf %add3A_57, %slice3A_58 : vector<1024x128xf32>
      %slice3A_60 = vector.extract_strided_slice %exp23A {offsets = [0, 1024], sizes = [1024, 128], strides = [1, 1]} : vector<1024x2048xf32> to vector<1024x128xf32>
      %add3A_61 = arith.addf %add3A_59, %slice3A_60 : vector<1024x128xf32>
      %slice3A_62 = vector.extract_strided_slice %exp23A {offsets = [0, 1152], sizes = [1024, 128], strides = [1, 1]} : vector<1024x2048xf32> to vector<1024x128xf32>
      %add3A_63 = arith.addf %add3A_61, %slice3A_62 : vector<1024x128xf32>
      %slice3A_64 = vector.extract_strided_slice %exp23A {offsets = [0, 1280], sizes = [1024, 128], strides = [1, 1]} : vector<1024x2048xf32> to vector<1024x128xf32>
      %add3A_65 = arith.addf %add3A_63, %slice3A_64 : vector<1024x128xf32>
      %slice3A_66 = vector.extract_strided_slice %exp23A {offsets = [0, 1408], sizes = [1024, 128], strides = [1, 1]} : vector<1024x2048xf32> to vector<1024x128xf32>
      %add3A_67 = arith.addf %add3A_65, %slice3A_66 : vector<1024x128xf32>
      %slice3A_68 = vector.extract_strided_slice %exp23A {offsets = [0, 1536], sizes = [1024, 128], strides = [1, 1]} : vector<1024x2048xf32> to vector<1024x128xf32>
      %add3A_69 = arith.addf %add3A_67, %slice3A_68 : vector<1024x128xf32>
      %slice3A_70 = vector.extract_strided_slice %exp23A {offsets = [0, 1664], sizes = [1024, 128], strides = [1, 1]} : vector<1024x2048xf32> to vector<1024x128xf32>
      %add3A_71 = arith.addf %add3A_69, %slice3A_70 : vector<1024x128xf32>
      %slice3A_72 = vector.extract_strided_slice %exp23A {offsets = [0, 1792], sizes = [1024, 128], strides = [1, 1]} : vector<1024x2048xf32> to vector<1024x128xf32>
      %add3A_73 = arith.addf %add3A_71, %slice3A_72 : vector<1024x128xf32>
      %slice3A_74 = vector.extract_strided_slice %exp23A {offsets = [0, 1920], sizes = [1024, 128], strides = [1, 1]} : vector<1024x2048xf32> to vector<1024x128xf32>
      %add3A_75 = arith.addf %add3A_73, %slice3A_74 : vector<1024x128xf32>
      %swap3A = arith.constant 0 : index
      %swap3A_76 = arith.constant 0 : index
      %swap3A_77 = vector.load %arg6[%swap3A, %swap3A_76] : memref<1024x128xf32, #tpu.memory_space<vmem>>, vector<1024x128xf32>
      tpu.vector_store %arg6[%swap3A, %swap3A_76], %add3A_75 {strides = array<i32>} : memref<1024x128xf32, #tpu.memory_space<vmem>>, vector<1024x128xf32>,
    } else {
    }
    %eq3A_21 = arith.constant 0 : i32
    %eq3A_22 = arith.cmpi eq, %arg0, %eq3A_21 : i32
    %eq3A_23 = arith.constant 48 : i32
    %eq3A_24 = arith.cmpi eq, %arg1, %eq3A_23 : i32
    %and3A_25 = arith.andi %eq3A_22, %eq3A_24 : i1
    %convert_element_type3A_26 = arith.extui %and3A_25 : i1 to i32
    %cond3A_27 = arith.constant 0 : i32
    %cond3A_28 = arith.cmpi ne, %convert_element_type3A_26, %cond3A_27 : i32
    scf.if %cond3A_28 {
      %mul3A = arith.constant 2048 : i32
      %mul3A_42 = arith.muli %arg1, %mul3A : i32
      %iota3A = tpu.iota {dimensions = array<i32: 1>} : vector<1x2048xi32>
      %add3A_43 = vector.broadcast %mul3A_42 : i32 to vector<1x2048xi32>
      %add3A_44 = arith.addi %add3A_43, %iota3A : vector<1x2048xi32>
      %lt3A_45 = arith.constant 100000 : i32
      %lt3A_46 = vector.broadcast %lt3A_45 : i32 to vector<1x2048xi32>
      %lt3A_47 = arith.cmpi slt, %add3A_44, %lt3A_46 : vector<1x2048xi32>
      %jit3A = arith.constant 0.000000e+00 : f32
      %broadcast_in_dim3A = vector.shape_cast %lt3A_47 : vector<1x2048xi1> to vector<1x2048xi1>
      %broadcast_in_dim3A_48 = vector.broadcast %broadcast_in_dim3A : vector<1x2048xi1> to vector<1024x2048xi1>
      %broadcast_in_dim3A_49 = vector.broadcast %jit3A : f32 to vector<1024x2048xf32>
      %select_n3A = arith.select %broadcast_in_dim3A_48, %exp23A, %broadcast_in_dim3A_49 : vector<1024x2048xi1>, vector<1024x2048xf32>
      %get3A_50 = arith.constant 0 : index
      %get3A_51 = arith.constant 0 : index
      %get3A_52 = vector.load %arg6[%get3A_50, %get3A_51] : memref<1024x128xf32, #tpu.memory_space<vmem>>, vector<1024x128xf32>
      %slice3A = vector.extract_strided_slice %select_n3A {offsets = [0, 0], sizes = [1024, 128], strides = [1, 1]} : vector<1024x2048xf32> to vector<1024x128xf32>
      %add3A_53 = arith.addf %get3A_52, %slice3A : vector<1024x128xf32>
      %slice3A_54 = vector.extract_strided_slice %select_n3A {offsets = [0, 128], sizes = [1024, 128], strides = [1, 1]} : vector<1024x2048xf32> to vector<1024x128xf32>
      %add3A_55 = arith.addf %add3A_53, %slice3A_54 : vector<1024x128xf32>
      %slice3A_56 = vector.extract_strided_slice %select_n3A {offsets = [0, 256], sizes = [1024, 128], strides = [1, 1]} : vector<1024x2048xf32> to vector<1024x128xf32>
      %add3A_57 = arith.addf %add3A_55, %slice3A_56 : vector<1024x128xf32>
      %slice3A_58 = vector.extract_strided_slice %select_n3A {offsets = [0, 384], sizes = [1024, 128], strides = [1, 1]} : vector<1024x2048xf32> to vector<1024x128xf32>
      %add3A_59 = arith.addf %add3A_57, %slice3A_58 : vector<1024x128xf32>
      %slice3A_60 = vector.extract_strided_slice %select_n3A {offsets = [0, 512], sizes = [1024, 128], strides = [1, 1]} : vector<1024x2048xf32> to vector<1024x128xf32>
      %add3A_61 = arith.addf %add3A_59, %slice3A_60 : vector<1024x128xf32>
      %slice3A_62 = vector.extract_strided_slice %select_n3A {offsets = [0, 640], sizes = [1024, 128], strides = [1, 1]} : vector<1024x2048xf32> to vector<1024x128xf32>
      %add3A_63 = arith.addf %add3A_61, %slice3A_62 : vector<1024x128xf32>
      %slice3A_64 = vector.extract_strided_slice %select_n3A {offsets = [0, 768], sizes = [1024, 128], strides = [1, 1]} : vector<1024x2048xf32> to vector<1024x128xf32>
      %add3A_65 = arith.addf %add3A_63, %slice3A_64 : vector<1024x128xf32>
      %slice3A_66 = vector.extract_strided_slice %select_n3A {offsets = [0, 896], sizes = [1024, 128], strides = [1, 1]} : vector<1024x2048xf32> to vector<1024x128xf32>
      %add3A_67 = arith.addf %add3A_65, %slice3A_66 : vector<1024x128xf32>
      %slice3A_68 = vector.extract_strided_slice %select_n3A {offsets = [0, 1024], sizes = [1024, 128], strides = [1, 1]} : vector<1024x2048xf32> to vector<1024x128xf32>
      %add3A_69 = arith.addf %add3A_67, %slice3A_68 : vector<1024x128xf32>
      %slice3A_70 = vector.extract_strided_slice %select_n3A {offsets = [0, 1152], sizes = [1024, 128], strides = [1, 1]} : vector<1024x2048xf32> to vector<1024x128xf32>
      %add3A_71 = arith.addf %add3A_69, %slice3A_70 : vector<1024x128xf32>
      %slice3A_72 = vector.extract_strided_slice %select_n3A {offsets = [0, 1280], sizes = [1024, 128], strides = [1, 1]} : vector<1024x2048xf32> to vector<1024x128xf32>
      %add3A_73 = arith.addf %add3A_71, %slice3A_72 : vector<1024x128xf32>
      %slice3A_74 = vector.extract_strided_slice %select_n3A {offsets = [0, 1408], sizes = [1024, 128], strides = [1, 1]} : vector<1024x2048xf32> to vector<1024x128xf32>
      %add3A_75 = arith.addf %add3A_73, %slice3A_74 : vector<1024x128xf32>
      %slice3A_76 = vector.extract_strided_slice %select_n3A {offsets = [0, 1536], sizes = [1024, 128], strides = [1, 1]} : vector<1024x2048xf32> to vector<1024x128xf32>
      %add3A_77 = arith.addf %add3A_75, %slice3A_76 : vector<1024x128xf32>
      %slice3A_78 = vector.extract_strided_slice %select_n3A {offsets = [0, 1664], sizes = [1024, 128], strides = [1, 1]} : vector<1024x2048xf32> to vector<1024x128xf32>
      %add3A_79 = arith.addf %add3A_77, %slice3A_78 : vector<1024x128xf32>
      %slice3A_80 = vector.extract_strided_slice %select_n3A {offsets = [0, 1792], sizes = [1024, 128], strides = [1, 1]} : vector<1024x2048xf32> to vector<1024x128xf32>
      %add3A_81 = arith.addf %add3A_79, %slice3A_80 : vector<1024x128xf32>
      %slice3A_82 = vector.extract_strided_slice %select_n3A {offsets = [0, 1920], sizes = [1024, 128], strides = [1, 1]} : vector<1024x2048xf32> to vector<1024x128xf32>
      %add3A_83 = arith.addf %add3A_81, %slice3A_82 : vector<1024x128xf32>
      %swap3A = arith.constant 0 : index
      %swap3A_84 = arith.constant 0 : index
      %swap3A_85 = vector.load %arg6[%swap3A, %swap3A_84] : memref<1024x128xf32, #tpu.memory_space<vmem>>, vector<1024x128xf32>
      tpu.vector_store %arg6[%swap3A, %swap3A_84], %add3A_83 {strides = array<i32>} : memref<1024x128xf32, #tpu.memory_space<vmem>>, vector<1024x128xf32>,
    } else {
    }
    %eq3A_29 = arith.constant 1 : i32
    %eq3A_30 = arith.cmpi eq, %arg0, %eq3A_29 : i32
    %eq3A_31 = arith.constant 0 : i32
    %eq3A_32 = arith.cmpi eq, %arg1, %eq3A_31 : i32
    %and3A_33 = arith.andi %eq3A_30, %eq3A_32 : i1
    %convert_element_type3A_34 = arith.extui %and3A_33 : i1 to i32
    %cond3A_35 = arith.constant 0 : i32
    %cond3A_36 = arith.cmpi ne, %convert_element_type3A_34, %cond3A_35 : i32
    scf.if %cond3A_36 {
      %get3A_42 = arith.constant 0 : index
      %get3A_43 = arith.constant 0 : index
      %get3A_44 = vector.load %arg6[%get3A_42, %get3A_43] : memref<1024x128xf32, #tpu.memory_space<vmem>>, vector<1024x128xf32>
      %reduce_sum3A = arith.constant dense<0.000000e+00> : vector<1024xf32>
      %reduce_sum3A_45 = vector.multi_reduction <add>, %get3A_44, %reduce_sum3A [1] : vector<1024x128xf32> to vector<1024xf32>
      %broadcast_in_dim3A = vector.shape_cast %reduce_sum3A_45 : vector<1024xf32> to vector<1024x1xf32>
      %div3A = arith.constant 1.000000e+00 : f32
      %div3A_46 = vector.broadcast %div3A : f32 to vector<1024x1xf32>
      %div3A_47 = arith.divf %div3A_46, %broadcast_in_dim3A : vector<1024x1xf32>
      %broadcast_in_dim3A_48 = vector.shape_cast %div3A_47 : vector<1024x1xf32> to vector<1024x1xf32>
      %broadcast_in_dim3A_49 = vector.broadcast %broadcast_in_dim3A_48 : vector<1024x1xf32> to vector<1024x128xf32>
      %swap3A = arith.constant 0 : index
      %swap3A_50 = arith.constant 0 : index
      %swap3A_51 = vector.load %arg6[%swap3A, %swap3A_50] : memref<1024x128xf32, #tpu.memory_space<vmem>>, vector<1024x128xf32>
      tpu.vector_store %arg6[%swap3A, %swap3A_50], %broadcast_in_dim3A_49 {strides = array<i32>} : memref<1024x128xf32, #tpu.memory_space<vmem>>, vector<1024x128xf32>,
    } else {
    }
    %eq3A_37 = arith.constant 1 : i32
    %eq3A_38 = arith.cmpi eq, %arg0, %eq3A_37 : i32
    %convert_element_type3A_39 = arith.extui %eq3A_38 : i1 to i32
    %cond3A_40 = arith.constant 0 : i32
    %cond3A_41 = arith.cmpi ne, %convert_element_type3A_39, %cond3A_40 : i32
    scf.if %cond3A_41 {
      %get3A_42 = arith.constant 0 : index
      %get3A_43 = arith.constant 0 : index
      %get3A_44 = vector.load %arg6[%get3A_42, %get3A_43] : memref<1024x128xf32, #tpu.memory_space<vmem>>, vector<1024x1xf32>
      %mul3A = vector.broadcast %get3A_44 : vector<1024x1xf32> to vector<1024x2048xf32>
      %mul3A_45 = arith.mulf %exp23A, %mul3A : vector<1024x2048xf32>
      %swap3A = arith.constant 0 : index
      %swap3A_46 = arith.constant 0 : index
      %swap3A_47 = vector.load %arg5[%swap3A, %swap3A_46] : memref<1024x2048xf32, #tpu.memory_space<vmem>>, vector<1024x2048xf32>
      tpu.vector_store %arg5[%swap3A, %swap3A_46], %mul3A_45 {strides = array<i32>} : memref<1024x2048xf32, #tpu.memory_space<vmem>>, vector<1024x2048xf32>,
    } else {
    }
    return
  }
  func.func @transform_0(%arg0: i32, %arg1: i32) -> (i32, i32) {
    %c0_i32 = arith.constant 0 : i32
    %c0_i32_0 = arith.constant 0 : i32
    %c0_i32_1 = arith.constant 0 : i32
    return %c0_i32, %c0_i32_0 : i32, i32
  }
  func.func @transform_1(%arg0: i32, %arg1: i32) -> (i32, i32) {
    %c0_i32 = arith.constant 0 : i32
    %c0_i32_0 = arith.constant 0 : i32
    return %c0_i32, %arg1 : i32, i32
  }
  func.func @transform_2(%arg0: i32, %arg1: i32) -> (i32, i32) {
    %c0_i32 = arith.constant 0 : i32
    %c0_i32_0 = arith.constant 0 : i32
    return %c0_i32, %arg1 : i32, i32
  }
  func.func @transform_3(%arg0: i32, %arg1: i32) -> (i32, i32) {
    %mul3A = arith.muli %arg1, %arg0 : i32
    %c0_i32 = arith.constant 0 : i32
    %c0_i32_0 = arith.constant 0 : i32
    return %c0_i32, %mul3A : i32, i32
  }
}

</mosaic_0001>

<sc_bundles>
// kernel: kernel.4.cloned.1.call-start
scs
__scs_entry_jumppad:
0x0: {  	(pc) =	sbr.rel $0x88, $3  }
0x1: {  	(tag) =	ssettag $0x0;
	lr =	simm.s32 $0x1  }
0x2: {  	[smem:$0x3F9D] =	sst lr;
	_ =	strace $0xD0000000  }
0x3: {  	_ = 	snop  }
0x4: {  	_ = 	snop  }
0x5: {  	_ = 	snop  }
0x6: {  	_ = 	snop  }
0x7: {  	_ = 	snop  }
__scs_overlays_trampoline_lowered:
0x8: {  	[smem:$0x3FAC] =	sst s0  }
0x9: {  	[smem:$0x3FAD] =	sst s1  }
0xa: {  	[smem:$0x3FAE] =	sst s2  }
0xb: {  	[smem:$0x3FAF] =	sst s3  }
0xc: {  	[smem:$0x3FB0] =	sst s4  }
0xd: {  	[smem:$0x3FB1] =	sst s5  }
0xe: {  	[smem:$0x3FB2] =	sst s6  }
0xf: {  	[smem:$0x3FB3] =	sst s7  }
0x10: {  	[smem:$0x3FB4] =	sst s8  }
0x11: {  	[smem:$0x3FB5] =	sst s9;
	s0 =	simm.s32 @!p0 $0x0  }
0x12: {  	s1 =	sld [smem:$0x3F9B];
	s0 =	simm.s32 @p0 $0x1  }
0x13: {  	[smem:$0x3FB6] =	sst s0;
	s0 =	simm.s32 @!p1 $0x0  }
0x14: {  	s2 =	sld [smem:$0x3F9A];
	s0 =	simm.s32 @p1 $0x1  }
0x15: {  	[smem:$0x3FB7] =	sst s0;
	s0 =	simm.s32 @!p2 $0x0  }
0x16: {  	s3 =	sld [smem:$0x3FDB];
	s0 =	simm.s32 @p2 $0x1  }
0x17: {  	s4 =	simm.s32 $0x1BF5;
	[smem:$0x3FB9] =	sst s0  }
0x18: {  	s0 =	sld [smem:$0x3F9C];
	_ =	swait.ge [sflag:s4], $0x0  }
0x19: {  	s7 =	sld [smem:$0x3F9D]  }
0x1a: {  	s8 =	sadd.s32 $0xFFFFE003, lr  }
0x1b: {  	s9 =	sadd.s32 $0xFFFFFEF7, lr;
	s5 =	simm.s32 $0xFFFFFFFF;
	p2 =	slt.u32 s8, $0xFFFFF086  }
0x1c: {  	p1 =	slt.u32 s9, $0xF7A;
	s5 =	simm.s32 @!p2 $0x0  }
0x1d: {  	s5 =	simm.s32 @p1 $0x1;
	p0 =	seq.s32 s7, s2  }
0x1e: {  	s7 =	smul.u32 @!p0 $0xF7A, s2;
	p2 =	seq.s32 @!p0 s5, $0x0  }
0x1f: {  	s9 =	smul.u32 $0xF7A, s1;
	s8 =	simm.s32 @!p0 $0x1BF5;
	p2 =	por !p2, p0  }
0x20: {  	[sflag:s8] =	ssyncset.s32 @!p0 $0xFFFFF086;
	s6 =	sadd.s32 @!p0 s3, s7;
	s7 =	simm.s32 @!p0 $0x108  }
0x21: {  	s3 =	sadd.s32 s3, s9;
	s6 =	sadd.s32 @!p0 $0x88, s6;
	s7 =	simm.s32 @p2 $0x1082  }
0x22: {  	[simem:s7], [sflag:s8] =	dma.local @!p0 [hbm:s6], $0xF7A  }
0x23: {  	s9 =	sor.u32 $0xD0000000, s2;
	s6 =	simm.s32 $0x108;
	_ =	swait.ge @!p0 [sflag:s8], $0x0  }
0x24: {  	s3 =	sadd.s32 $0x88, s3;
	s6 =	simm.s32 @!p1 $0x1082;
	[sflag:s4] =	ssyncset.s32 $0xFFFFF086  }
0x25: {  	[simem:s6], [sflag:s4] =	dma.local [hbm:s3], $0xF7A  }
0x26: {  	[smem:$0x3F9D] =	sst s1;
	(tag) =	ssettag s2;
	_ =	strace s9  }
0x27: {  	s1 =	sld [smem:$0x3FAD]  }
0x28: {  	s2 =	sld [smem:$0x3FAE]  }
0x29: {  	s4 =	sld [smem:$0x3FB0]  }
0x2a: {  	p0 =	seq.s32 s5, $0x0;
	s5 =	sld [smem:$0x3FB1]  }
0x2b: {  	s6 =	sld [smem:$0x3FB2]  }
0x2c: {  	s7 =	sld [smem:$0x3FB3]  }
0x2d: {  	s3 =	simm.s32 $0x108;
	s8 =	sld [smem:$0x3FB4]  }
0x2e: {  	s3 =	simm.s32 @!p0 $0x1082;
	s9 =	sld [smem:$0x3FB5]  }
0x2f: {  	lr =	sadd.s32 s0, s3;
	s0 =	sld [smem:$0x3FAC]  }
0x30: {  	s3 =	sld [smem:$0x3FAF]  }
0x31: {  	[smem:$0x3FB8] =	sst s10  }
0x32: {  	s10 =	sld [smem:$0x3FB6];
	_ =	sdelay $0x3  }
0x33: {  	p0 =	seq.s32 s10, $0x1;
	s10 =	sld [smem:$0x3FB8];
	_ =	sdelay $0x3  }
0x34: {  	[smem:$0x3FB8] =	sst s10  }
0x35: {  	s10 =	sld [smem:$0x3FB7];
	_ =	sdelay $0x3  }
0x36: {  	p1 =	seq.s32 s10, $0x1;
	s10 =	sld [smem:$0x3FB8];
	_ =	sdelay $0x3  }
0x37: {  	[smem:$0x3FB8] =	sst s10  }
0x38: {  	s10 =	sld [smem:$0x3FB9]  }
0x39: {  	_ = 	snop;
	(pc) =	sbr.ind lr, $3  }
0x3a: {  	_ = 	snop  }
0x3b: {  	_ = 	snop  }
0x3c: {  	p2 =	seq.s32 s10, $0x1;
	s10 =	sld [smem:$0x3FB8]  }
0x3d: {  	_ =	shalt  }
0x3e: {  	_ =	shalt  }
0x3f: {  	_ =	shalt  }
0x40: {  	_ =	shalt  }
0x41: {  	_ =	shalt  }
0x42: {  	_ =	shalt  }
0x43: {  	_ =	shalt  }
0x44: {  	_ =	shalt  }
0x45: {  	_ =	shalt  }
0x46: {  	_ =	shalt  }
0x47: {  	_ =	shalt  }
0x48: {  	_ =	shalt  }
0x49: {  	_ =	shalt  }
0x4a: {  	_ =	shalt  }
0x4b: {  	_ =	shalt  }
0x4c: {  	_ =	shalt  }
0x4d: {  	_ =	shalt  }
0x4e: {  	_ =	shalt  }
0x4f: {  	_ =	shalt  }
0x50: {  	_ =	shalt  }
0x51: {  	_ =	shalt  }
0x52: {  	_ =	shalt  }
0x53: {  	_ =	shalt  }
0x54: {  	_ =	shalt  }
0x55: {  	_ =	shalt  }
0x56: {  	_ =	shalt  }
0x57: {  	_ =	shalt  }
0x58: {  	_ =	shalt  }
0x59: {  	_ =	shalt  }
0x5a: {  	_ =	shalt  }
0x5b: {  	_ =	shalt  }
0x5c: {  	_ =	shalt  }
0x5d: {  	_ =	shalt  }
0x5e: {  	_ =	shalt  }
0x5f: {  	_ =	shalt  }
0x60: {  	_ =	shalt  }
0x61: {  	_ =	shalt  }
0x62: {  	_ =	shalt  }
0x63: {  	_ =	shalt  }
0x64: {  	_ =	shalt  }
0x65: {  	_ =	shalt  }
0x66: {  	_ =	shalt  }
0x67: {  	_ =	shalt  }
0x68: {  	_ =	shalt  }
0x69: {  	_ =	shalt  }
0x6a: {  	_ =	shalt  }
0x6b: {  	_ =	shalt  }
0x6c: {  	_ =	shalt  }
0x6d: {  	_ =	shalt  }
0x6e: {  	_ =	shalt  }
0x6f: {  	_ =	shalt  }
0x70: {  	_ =	shalt  }
0x71: {  	_ =	shalt  }
0x72: {  	_ =	shalt  }
0x73: {  	_ =	shalt  }
0x74: {  	_ =	shalt  }
0x75: {  	_ =	shalt  }
0x76: {  	_ =	shalt  }
0x77: {  	_ =	shalt  }
0x78: {  	_ =	shalt  }
0x79: {  	_ =	shalt  }
0x7a: {  	_ =	shalt  }
0x7b: {  	_ =	shalt  }
0x7c: {  	_ =	shalt  }
0x7d: {  	_ =	shalt  }
0x7e: {  	_ =	shalt  }
0x7f: {  	_ =	shalt  }
0x80: {  	_ =	shalt  }
0x81: {  	_ =	shalt  }
0x82: {  	_ =	shalt  }
0x83: {  	_ =	shalt  }
0x84: {  	_ =	shalt  }
0x85: {  	_ =	shalt  }
0x86: {  	_ =	shalt  }
0x87: {  	_ =	shalt  }
.Lfunc_end0:
.L_simem_size_0:
called_computation_lowered:
.L_overlay_start_0:
0x88: {  	s2 =	sld [smem:$0x3FD9]  }
0x89: {  	s3 =	sld [smem:$0x3FFE];
	_ =	sdelay $0x1  }
0x8a: {  	s1 =	srdreg.scid  }
0x8b: {  	s0 =	sand.u32 $0x1, s1  }
0x8c: {  	s17 =	sshll.u32 s0, $0xA;
	s2 =	sadd.s32 s3, s2  }
0x8d: {  	s2 =	sadd.s32 s2, s17  }
0x8e: {  	[smem:$0x3FC4] =	sst s2  }
0x8f: {  	_ = 	snop  }
0x90: {  	s2 =	sld [smem:$0x3FD0];
	(tm) =	ssettm $0x1  }
0x91: {  	s18 =	sld [smem:$0x3FFB];
	_ =	sdelay $0x3  }
0x92: {  	_ =	strace s18  }
0x93: {  	s3 =	sld [smem:$0x3FFC];
	_ =	sdelay $0x3  }
0x94: {  	_ =	strace s3  }
0x95: {  	s3 =	sld [smem:$0x3FFD];
	_ =	sdelay $0x3  }
0x96: {  	_ =	strace s3  }
0x97: {  	_ =	strace $0x8FFFFFFF  }
0x98: {  	s19 =	sld [smem:$0x3FDB];
	_ =	sdelay $0x1  }
0x99: {  	s4 =	simm.s32 $_scs_section_size  }
0x9a: {  	s5 =	simm.s32 $_size__tile_overlayer_lowered;
	s6 =	simm.s32 $_tile_overlayer_lowered  }
0x9b: {  	s22 =	simm.s32 $0x1BFF;
	s21 =	sshll.u32 s6, $0x1;
	s3 =	sadd.s32 s4, s19  }
0x9c: {  	s7 =	simm.s32 $0x0;
	s20 =	sshll.u32 s5, $0x1;
	s5 =	sadd.s32 s21, s3  }
0x9d: {  	[timem:s7], [sflag:s22] =	dma.local [hbm:s5], s20  }
0x9e: {  	_ =	swait.ge [sflag:s22], s20  }
0x9f: {  	s4 =	ssub.s32 $0x0, s20;
	[sflag:s22] =	ssyncset.done $0x0  }
0xa0: {  	[sflag:s22] =	ssyncadd.s32 s4;
	_ =	sdelay $0x1  }
0xa1: {  	s23 =	simm.s32 $0x1B8B  }
0xa2: {  	_ =	swait.ge [sflag:s23], $0x1  }
0xa3: {  	[sflag:s23] =	ssyncset.done $0x0  }
0xa4: {  	s25 =	simm.s32 $0x1B8E;
	s24 =	sld [smem:$0x3FFE];
	[sflag:s23] =	ssyncadd.s32 $0xFFFFFFFF  }
0xa5: {  	s26 =	simm.s32 $execute0_lowered;
	[smem:$0x3FD2] =	sst s25  }
0xa6: {  	s5 =	sshll.u32 s26, $0x1;
	_ =	strace $0x80000046;
	[dreg:$0x1] =	wrdreg $0xFFFFFFFF  }
0xa7: {  	s28 =	simm.s32 $_size_execute0_lowered;
	s3 =	sadd.s32 s3, s5;
	[dreg:$0x0] =	wrdreg $0x0  }
0xa8: {  	s5 =	sshll.u32 s28, $0x1;
	[dreg:$0x2] =	wrdreg s3  }
0xa9: {  	[dreg:$0x3] =	wrdreg s5  }
0xaa: {  	[dreg:$0x4] =	wrdreg $0xC0  }
0xab: {  	_ =	task [dreg:s7], $0x5FFFF  }
0xac: {  	[dreg:$0x1] =	wrdreg $0xFFFFFFFF  }
0xad: {  	[dreg:$0x0] =	wrdreg $0x60  }
0xae: {  	[dreg:$0x2] =	wrdreg s24  }
0xaf: {  	[dreg:$0x3] =	wrdreg s2  }
0xb0: {  	[dreg:$0x4] =	wrdreg $0x9  }
0xb1: {  	_ =	task.clear_ibuf [dreg:s7], $0x5FFFF;
	_ =	strace $0x90000046  }
0xb2: {  	s29 =	simm.s32 $0x9;
	_ =	strace $0x80000048  }
0xb3: {  	_ =	swait.ge [sflag:s29], $0x1  }
0xb4: {  	[sflag:s29] =	ssyncadd.s32 $0xFFFFFFFF  }
0xb5: {  	_ =	strace $0x90000048  }
0xb6: {  	_ =	sfence  }
0xb7: {  	s30 =	sld [smem:$0x0];
	_ =	sdelay $0x2  }
0xb8: {  	s31 =	sshll.u32 s1, $0xD;
	s1 =	sshrl.u32 s1, $0x2  }
0xb9: {  	s3 =	sand.u32 $0x4000, s31;
	s1 =	sadd.s32 s1, s30  }
0xba: {  	s0 =	sor.u32 s3, s0;
	s1 =	sshll.u32 s1, $0x11  }
0xbb: {  	s0 =	sor.u32 s1, s0  }
0xbc: {  	s0 =	sadd.s32 $0x8F2B, s0  }
0xbd: {  	[sflag:s0] =	ssyncadd.remote.s32 $0x1  }
0xbe: {  	_ =	sfence.sel $0xFFFF  }
0xbf: {  	[dreg:$0x0] =	wrdreg $0xFFFFFFFF;
	(pc) =	sbr.abs _section_cstart, $3  }
0xc0: {  	[dreg:$0x1] =	wrdreg $0xFFFFFFFF  }
0xc1: {  	_ =	task.clear_ibuf [dreg:s7], $0x2FFFF;
	_ =	strace $0x9FFFFFFF  }
0xc2: {  	(tm) =	ssettm $0x7FFFFFFF  }
0xc3: {  	_ =	shalt  }
tec
execute0_lowered:
.L_overlay_start_1:
0x0: {  	(tag) =	ssettag $0x1  }
0x1: {  	s1 =	srdreg.scid  }
0x2: {  	s0 =	stileid.u32;
	s5 =	rddreg [dreg:$0x0];
	s4 =	sand.u32 $0x1, s1  }
0x3: {  	s2 =	rddreg [dreg:$0x1];
	s15 =	sshll.u32 s0, $0x7;
	s3 =	sshll.u32 s4, $0x6  }
0x4: {  	s1 =	rddreg [dreg:$0x2];
	s6 =	sor.u32 s3, s15;
	s3 =	simm.s32 $0x0  }
0x5: {  	s17 =	simm.s32 $0x100;
	[smem:$0x7FF] =	sst s3  }
0x6: {  	s18 =	simm.s32 $0x180;
	_ =	strace $0x80000047;
	[dreg:$0x5] =	wrdreg s17  }
0x7: {  	s19 =	simm.s32 $0x200;
	[dreg:$0x6] =	wrdreg s18  }
0x8: {  	s20 =	simm.s32 $0x280;
	[dreg:$0x7] =	wrdreg s19  }
0x9: {  	s21 =	simm.s32 $0x300;
	[dreg:$0x8] =	wrdreg s20  }
0xa: {  	s22 =	simm.s32 $0x380;
	[dreg:$0x9] =	wrdreg s21  }
0xb: {  	s23 =	simm.s32 $0x400;
	[dreg:$0xa] =	wrdreg s22  }
0xc: {  	s24 =	simm.s32 $0x480;
	[dreg:$0xb] =	wrdreg s23  }
0xd: {  	s25 =	simm.s32 $0x500;
	[dreg:$0xc] =	wrdreg s24  }
0xe: {  	s26 =	simm.s32 $0x580;
	[dreg:$0xd] =	wrdreg s25  }
0xf: {  	s28 =	simm.s32 $0x600;
	[dreg:$0xe] =	wrdreg s26  }
0x10: {  	s29 =	simm.s32 $0x680;
	[dreg:$0xf] =	wrdreg s28  }
0x11: {  	s30 =	simm.s32 $0x700;
	[dreg:$0x10] =	wrdreg s29  }
0x12: {  	s31 =	simm.s32 $0x780;
	[dreg:$0x11] =	wrdreg s30  }
0x13: {  	s8 =	simm.s32 $0x900;
	[dreg:$0x12] =	wrdreg s31  }
0x14: {  	s9 =	simm.s32 $0x980;
	[dreg:$0x15] =	wrdreg s8  }
0x15: {  	s10 =	simm.s32 $0xA00;
	[dreg:$0x16] =	wrdreg s9  }
0x16: {  	s11 =	simm.s32 $0xA80;
	[dreg:$0x17] =	wrdreg s10  }
0x17: {  	s12 =	simm.s32 $0xB00;
	[dreg:$0x18] =	wrdreg s11  }
0x18: {  	s13 =	simm.s32 $0xB80;
	s14 =	simm.s32 $0xC00;
	[dreg:$0x19] =	wrdreg s12  }
0x19: {  	s15 =	simm.s32 $0xC80;
	s7 =	sshrl.u32 s6, $0x3;
	[dreg:$0x1a] =	wrdreg s13  }
0x1a: {  	s6 =	sshll.u32 s6, $0x4;
	s7 =	sadd.s32 s7, s5;
	[dreg:$0x1b] =	wrdreg s14  }
0x1b: {  	s5 =	sadd.s32 s6, s5;
	s6 =	simm.s32 $0x800;
	[dreg:$0x1c] =	wrdreg s15  }
0x1c: {  	s17 =	simm.s32 $0xD80;
	[dreg:$0x13] =	wrdreg s6  }
0x1d: {  	s18 =	simm.s32 $0xE00;
	[dreg:$0x1e] =	wrdreg s17  }
0x1e: {  	s19 =	simm.s32 $0xE80;
	[dreg:$0x1f] =	wrdreg s18  }
0x1f: {  	s20 =	simm.s32 $0xF00;
	[smem:$0x7DA] =	sst s19  }
0x20: {  	s21 =	simm.s32 $0xF80;
	[smem:$0x7DB] =	sst s20  }
0x21: {  	s22 =	simm.s32 $0x1000;
	[smem:$0x7DC] =	sst s21  }
0x22: {  	s23 =	simm.s32 $0x1080;
	[smem:$0x7DD] =	sst s22  }
0x23: {  	s24 =	simm.s32 $0x1100;
	[smem:$0x7DE] =	sst s23  }
0x24: {  	s25 =	simm.s32 $0x1180;
	[smem:$0x7DF] =	sst s24  }
0x25: {  	s26 =	simm.s32 $0x1200;
	[smem:$0x7E0] =	sst s25  }
0x26: {  	s28 =	simm.s32 $0x1280;
	[smem:$0x7E1] =	sst s26  }
0x27: {  	s29 =	simm.s32 $0x1300;
	[smem:$0x7E2] =	sst s28  }
0x28: {  	s30 =	simm.s32 $0x1380;
	[smem:$0x7E3] =	sst s29  }
0x29: {  	s31 =	simm.s32 $0x1400;
	[smem:$0x7E4] =	sst s30  }
0x2a: {  	s8 =	simm.s32 $0x1580;
	[smem:$0x7E5] =	sst s31  }
0x2b: {  	s9 =	simm.s32 $0x1600;
	[smem:$0x7E8] =	sst s8  }
0x2c: {  	s10 =	simm.s32 $0x1680;
	[smem:$0x7E9] =	sst s9  }
0x2d: {  	s11 =	simm.s32 $0x1700;
	[smem:$0x7EA] =	sst s10  }
0x2e: {  	s12 =	simm.s32 $0x1780;
	[smem:$0x7EB] =	sst s11  }
0x2f: {  	s13 =	simm.s32 $0x1800;
	[smem:$0x7EC] =	sst s12  }
0x30: {  	s14 =	simm.s32 $0x1880;
	[smem:$0x7ED] =	sst s13  }
0x31: {  	s15 =	simm.s32 $0x1900;
	[smem:$0x7EE] =	sst s14  }
0x32: {  	s16 =	sadd.s32 $0x600, s7;
	[smem:$0x7EF] =	sst s15  }
0x33: {  	s5 =	sadd.s32 $0x800, s5;
	[dreg:$0x3] =	wrdreg s16  }
0x34: {  	s7 =	simm.s32 $0x880;
	[dreg:$0x4] =	wrdreg s5  }
0x35: {  	s6 =	simm.s32 $0x1480;
	[dreg:$0x14] =	wrdreg s7  }
0x36: {  	s17 =	simm.s32 $0x1A00;
	[smem:$0x7E6] =	sst s6  }
0x37: {  	s18 =	simm.s32 $0x1A80;
	[smem:$0x7F1] =	sst s17  }
0x38: {  	s19 =	simm.s32 $0x1B00;
	[smem:$0x7F2] =	sst s18  }
0x39: {  	s20 =	simm.s32 $0x1B80;
	[smem:$0x7F3] =	sst s19  }
0x3a: {  	s21 =	simm.s32 $0x1C00;
	[smem:$0x7F4] =	sst s20  }
0x3b: {  	s22 =	simm.s32 $0x1C80;
	[smem:$0x7F5] =	sst s21  }
0x3c: {  	s23 =	simm.s32 $0x1D00;
	[smem:$0x7F6] =	sst s22  }
0x3d: {  	s24 =	simm.s32 $0x1D80;
	[smem:$0x7F7] =	sst s23  }
0x3e: {  	s25 =	simm.s32 $0x1E00;
	[smem:$0x7F8] =	sst s24  }
0x3f: {  	s28 =	simm.s32 $0x1E80;
	[smem:$0x7F9] =	sst s25  }
0x40: {  	s29 =	simm.s32 $0x1F00;
	[smem:$0x7FA] =	sst s28  }
0x41: {  	vm0 =	vmmov $0x1;
	s4 =	ssub.s32 $0x2, s4;
	s30 =	simm.s32 $0x1F80;
	[smem:$0x7FB] =	sst s29  }
0x42: {  	vm1 =	vcmask $0x308;
	vm2 =	vcmask $0x70C;
	vm3 =	vcmask $0xB10;
	s26 =	sshrl.u32 s4, $0x1;
	s31 =	simm.s32 $0x2000;
	[smem:$0x7FC] =	sst s30  }
0x43: {  	vm4 =	vcmask $0xF14;
	vm5 =	vcmask $0x1318;
	vm6 =	vcmask $0x171C;
	s16 =	simm.s32 $0xD00;
	s7 =	simm.s32 $0x1500;
	[smem:$0x7FD] =	sst s31  }
0x44: {  	vm7 =	vcmask $0x1B20;
	vm8 =	vcmask $0x1F24;
	vm9 =	vcmask $0x2328;
	s4 =	ssub.s32 s4, s26;
	s5 =	simm.s32 $0x2;
	[dreg:$0x1d] =	wrdreg s16  }
0x45: {  	vm10 =	vcmask $0x272C;
	vm11 =	vcmask $0x2B30;
	vm12 =	vcmask $0x2F34;
	s6 =	simm.s32 $0x80;
	[smem:$0x7E7] =	sst s7;
	s16 =	simm.s32 $0x1980  }
0x46: {  	vm13 =	vcmask $0x3338;
	vm14 =	vcmask $0x373C;
	vm15 =	vmmov $0x7fff;
	s4 =	smax.u32 s4, $0x1;
	s7 =	simm.s32 $0x1;
	[smem:$0x7F0] =	sst s16  }
.LBB2_1:
0x47: {  	s8 =	rddreg [dreg:$0x3]  }
0x48: {  	[tilespmem:s3], [sflag:$0x2] =	stream.linear.gather [hbm4b:s8+s3], $0x40, $0x38;
	[tilespmem:$0x2080] =	vst v63  }
0x49: {  	_ =	swait.ge [sflag:s5], $0x40  }
0x4a: {  	[sflag:s5] =	ssyncset.done $0x0  }
0x4b: {  	[sflag:s5] =	ssyncadd.s32 $0xFFFFFFC0  }
0x4c: {  	v0 =	vld [tilespmem:$0x0];
	_ =	sdelay $0x4  }
0x4d: {  	v0 =	vnsel vm0, $0x0, v0  }
0x4e: {  	(xrf0) =	vadd.scan.msk.s32 $0xffff, v0;
	_ =	sdelay $0x5  }
0x4f: {  	v0, _, _ =	vpop (xrf0)  }
0x50: {  	(v2sf) =	vpush v0, $0xF;
	_ =	sdelay $0xe  }
0x51: {  	s13 =	spop (v2sf)  }
0x52: {  	s8 =	sshll.u32 s13, $0x4  }
0x53: {  	s8 =	sand.u32 $0x1FFFFFF0, s8  }
0x54: {  	s8 =	sadd.s32 s2, s8  }
0x55: {  	[tilespmem:s6], [sflag:$0x1] =	stream.linear.gather [hbm4b:s8+s3], $0x80, $0x38;
	[tilespmem:$0x2080] =	vst v63  }
0x56: {  	v62 =	vld [tilespmem:$0x0];
	_ =	sdelay $0x4  }
0x57: {  	v0 =	vsel vm1, $0x0, v62  }
0x58: {  	(xrf0) =	vadd.scan.msk.s32 $0xffff, v0;
	_ =	sdelay $0x5  }
0x59: {  	v0, _, _ =	vpop (xrf0)  }
0x5a: {  	(v2sf) =	vpush v0, $0xF;
	_ =	sdelay $0xe  }
0x5b: {  	s14 =	spop (v2sf)  }
0x5c: {  	s8 =	sshll.u32 s14, $0x4  }
0x5d: {  	s8 =	sand.u32 $0x1FFFFFF0, s8  }
0x5e: {  	s9 =	rddreg [dreg:$0x5];
	s8 =	sadd.s32 s2, s8  }
0x5f: {  	[tilespmem:s9], [sflag:$0x1] =	stream.linear.gather [hbm4b:s8+s3], $0x80, $0x38;
	[tilespmem:$0x2080] =	vst v63  }
0x60: {  	v63 =	vld [tilespmem:$0x0];
	_ =	sdelay $0x4  }
0x61: {  	v0 =	vsel vm2, $0x0, v63  }
0x62: {  	(xrf0) =	vadd.scan.msk.s32 $0xffff, v0;
	_ =	sdelay $0x5  }
0x63: {  	v0, _, _ =	vpop (xrf0)  }
0x64: {  	(v2sf) =	vpush v0, $0xF;
	_ =	sdelay $0xe  }
0x65: {  	s15 =	spop (v2sf)  }
0x66: {  	s8 =	sshll.u32 s15, $0x4  }
0x67: {  	s8 =	sand.u32 $0x1FFFFFF0, s8  }
0x68: {  	s16 =	rddreg [dreg:$0x6];
	s8 =	sadd.s32 s2, s8  }
0x69: {  	[tilespmem:s16], [sflag:$0x1] =	stream.linear.gather [hbm4b:s8+s3], $0x80, $0x38;
	[tilespmem:$0x2080] =	vst v63  }
0x6a: {  	v4 =	vld [tilespmem:$0x0];
	_ =	sdelay $0x4  }
0x6b: {  	v0 =	vsel vm3, $0x0, v4  }
0x6c: {  	(xrf0) =	vadd.scan.msk.s32 $0xffff, v0;
	_ =	sdelay $0x5  }
0x6d: {  	v0, _, _ =	vpop (xrf0)  }
0x6e: {  	(v2sf) =	vpush v0, $0xF;
	_ =	sdelay $0xe  }
0x6f: {  	s17 =	spop (v2sf)  }
0x70: {  	s8 =	sshll.u32 s17, $0x4  }
0x71: {  	s8 =	sand.u32 $0x1FFFFFF0, s8  }
0x72: {  	s18 =	rddreg [dreg:$0x7];
	s8 =	sadd.s32 s2, s8  }
0x73: {  	[tilespmem:s18], [sflag:$0x1] =	stream.linear.gather [hbm4b:s8+s3], $0x80, $0x38;
	[tilespmem:$0x2080] =	vst v63  }
0x74: {  	v5 =	vld [tilespmem:$0x0];
	_ =	sdelay $0x4  }
0x75: {  	v0 =	vsel vm4, $0x0, v5  }
0x76: {  	(xrf0) =	vadd.scan.msk.s32 $0xffff, v0;
	_ =	sdelay $0x5  }
0x77: {  	v0, _, _ =	vpop (xrf0)  }
0x78: {  	(v2sf) =	vpush v0, $0xF;
	_ =	sdelay $0xe  }
0x79: {  	s19 =	spop (v2sf)  }
0x7a: {  	s8 =	sshll.u32 s19, $0x4  }
0x7b: {  	s8 =	sand.u32 $0x1FFFFFF0, s8  }
0x7c: {  	s20 =	rddreg [dreg:$0x8];
	s8 =	sadd.s32 s2, s8  }
0x7d: {  	[tilespmem:s20], [sflag:$0x1] =	stream.linear.gather [hbm4b:s8+s3], $0x80, $0x38;
	[tilespmem:$0x2080] =	vst v63  }
0x7e: {  	v6 =	vld [tilespmem:$0x0];
	_ =	sdelay $0x4  }
0x7f: {  	v0 =	vsel vm5, $0x0, v6  }
0x80: {  	(xrf0) =	vadd.scan.msk.s32 $0xffff, v0;
	_ =	sdelay $0x5  }
0x81: {  	v0, _, _ =	vpop (xrf0)  }
0x82: {  	(v2sf) =	vpush v0, $0xF;
	_ =	sdelay $0xe  }
0x83: {  	s21 =	spop (v2sf)  }
0x84: {  	s8 =	sshll.u32 s21, $0x4  }
0x85: {  	s8 =	sand.u32 $0x1FFFFFF0, s8  }
0x86: {  	s22 =	rddreg [dreg:$0x9];
	s8 =	sadd.s32 s2, s8  }
0x87: {  	[tilespmem:s22], [sflag:$0x1] =	stream.linear.gather [hbm4b:s8+s3], $0x80, $0x38;
	[tilespmem:$0x2080] =	vst v63  }
0x88: {  	v7 =	vld [tilespmem:$0x0];
	_ =	sdelay $0x4  }
0x89: {  	v0 =	vsel vm6, $0x0, v7  }
0x8a: {  	(xrf0) =	vadd.scan.msk.s32 $0xffff, v0;
	_ =	sdelay $0x5  }
0x8b: {  	v0, _, _ =	vpop (xrf0)  }
0x8c: {  	(v2sf) =	vpush v0, $0xF;
	_ =	sdelay $0xe  }
0x8d: {  	s23 =	spop (v2sf)  }
0x8e: {  	s8 =	sshll.u32 s23, $0x4  }
0x8f: {  	s8 =	sand.u32 $0x1FFFFFF0, s8  }
0x90: {  	s24 =	rddreg [dreg:$0xa];
	s8 =	sadd.s32 s2, s8  }
0x91: {  	[tilespmem:s24], [sflag:$0x1] =	stream.linear.gather [hbm4b:s8+s3], $0x80, $0x38;
	[tilespmem:$0x2080] =	vst v63  }
0x92: {  	v8 =	vld [tilespmem:$0x0];
	_ =	sdelay $0x4  }
0x93: {  	v0 =	vsel vm7, $0x0, v8  }
0x94: {  	(xrf0) =	vadd.scan.msk.s32 $0xffff, v0;
	_ =	sdelay $0x5  }
0x95: {  	v0, _, _ =	vpop (xrf0)  }
0x96: {  	(v2sf) =	vpush v0, $0xF;
	_ =	sdelay $0xe  }
0x97: {  	s25 =	spop (v2sf)  }
0x98: {  	s8 =	sshll.u32 s25, $0x4  }
0x99: {  	s8 =	sand.u32 $0x1FFFFFF0, s8  }
0x9a: {  	s26 =	rddreg [dreg:$0xb];
	s8 =	sadd.s32 s2, s8  }
0x9b: {  	[tilespmem:s26], [sflag:$0x1] =	stream.linear.gather [hbm4b:s8+s3], $0x80, $0x38;
	[tilespmem:$0x2080] =	vst v63  }
0x9c: {  	v9 =	vld [tilespmem:$0x0];
	_ =	sdelay $0x4  }
0x9d: {  	v0 =	vsel vm8, $0x0, v9  }
0x9e: {  	(xrf0) =	vadd.scan.msk.s32 $0xffff, v0;
	_ =	sdelay $0x5  }
0x9f: {  	v0, _, _ =	vpop (xrf0)  }
0xa0: {  	(v2sf) =	vpush v0, $0xF;
	_ =	sdelay $0xe  }
0xa1: {  	s28 =	spop (v2sf)  }
0xa2: {  	s8 =	sshll.u32 s28, $0x4  }
0xa3: {  	s8 =	sand.u32 $0x1FFFFFF0, s8  }
0xa4: {  	s29 =	rddreg [dreg:$0xc];
	s8 =	sadd.s32 s2, s8  }
0xa5: {  	[tilespmem:s29], [sflag:$0x1] =	stream.linear.gather [hbm4b:s8+s3], $0x80, $0x38;
	[tilespmem:$0x2080] =	vst v63  }
0xa6: {  	v10 =	vld [tilespmem:$0x0];
	_ =	sdelay $0x4  }
0xa7: {  	v0 =	vsel vm9, $0x0, v10  }
0xa8: {  	(xrf0) =	vadd.scan.msk.s32 $0xffff, v0;
	_ =	sdelay $0x5  }
0xa9: {  	v0, _, _ =	vpop (xrf0)  }
0xaa: {  	(v2sf) =	vpush v0, $0xF;
	_ =	sdelay $0xe  }
0xab: {  	s30 =	spop (v2sf)  }
0xac: {  	s8 =	sshll.u32 s30, $0x4  }
0xad: {  	s8 =	sand.u32 $0x1FFFFFF0, s8  }
0xae: {  	s31 =	rddreg [dreg:$0xd];
	s8 =	sadd.s32 s2, s8  }
0xaf: {  	[tilespmem:s31], [sflag:$0x1] =	stream.linear.gather [hbm4b:s8+s3], $0x80, $0x38;
	[tilespmem:$0x2080] =	vst v63  }
0xb0: {  	v11 =	vld [tilespmem:$0x0];
	_ =	sdelay $0x4  }
0xb1: {  	v0 =	vsel vm10, $0x0, v11  }
0xb2: {  	(xrf0) =	vadd.scan.msk.s32 $0xffff, v0;
	_ =	sdelay $0x5  }
0xb3: {  	v0, _, _ =	vpop (xrf0)  }
0xb4: {  	(v2sf) =	vpush v0, $0xF;
	_ =	sdelay $0xe  }
0xb5: {  	s9 =	spop (v2sf)  }
0xb6: {  	s8 =	sshll.u32 s9, $0x4  }
0xb7: {  	s8 =	sand.u32 $0x1FFFFFF0, s8  }
0xb8: {  	s10 =	rddreg [dreg:$0xe];
	s8 =	sadd.s32 s2, s8  }
0xb9: {  	[tilespmem:s10], [sflag:$0x1] =	stream.linear.gather [hbm4b:s8+s3], $0x80, $0x38;
	[tilespmem:$0x2080] =	vst v63  }
0xba: {  	v12 =	vld [tilespmem:$0x0];
	_ =	sdelay $0x4  }
0xbb: {  	v0 =	vsel vm11, $0x0, v12  }
0xbc: {  	(xrf0) =	vadd.scan.msk.s32 $0xffff, v0;
	_ =	sdelay $0x5  }
0xbd: {  	v0, _, _ =	vpop (xrf0)  }
0xbe: {  	(v2sf) =	vpush v0, $0xF;
	_ =	sdelay $0xe  }
0xbf: {  	s11 =	spop (v2sf)  }
0xc0: {  	s8 =	sshll.u32 s11, $0x4  }
0xc1: {  	s8 =	sand.u32 $0x1FFFFFF0, s8  }
0xc2: {  	s12 =	rddreg [dreg:$0xf];
	s8 =	sadd.s32 s2, s8  }
0xc3: {  	[tilespmem:s12], [sflag:$0x1] =	stream.linear.gather [hbm4b:s8+s3], $0x80, $0x38;
	[tilespmem:$0x2080] =	vst v63  }
0xc4: {  	v0 =	vld [tilespmem:$0x0];
	_ =	sdelay $0x4  }
0xc5: {  	v0 =	vsel vm12, $0x0, v0  }
0xc6: {  	(xrf0) =	vadd.scan.msk.s32 $0xffff, v0;
	_ =	sdelay $0x5  }
0xc7: {  	v0, _, _ =	vpop (xrf0)  }
0xc8: {  	(v2sf) =	vpush v0, $0xF;
	_ =	sdelay $0xe  }
0xc9: {  	s13 =	spop (v2sf)  }
0xca: {  	s8 =	sshll.u32 s13, $0x4  }
0xcb: {  	s8 =	sand.u32 $0x1FFFFFF0, s8  }
0xcc: {  	s14 =	rddreg [dreg:$0x10];
	s8 =	sadd.s32 s2, s8  }
0xcd: {  	[tilespmem:s14], [sflag:$0x1] =	stream.linear.gather [hbm4b:s8+s3], $0x80, $0x38;
	[tilespmem:$0x2080] =	vst v63  }
0xce: {  	v13 =	vld [tilespmem:$0x0];
	_ =	sdelay $0x4  }
0xcf: {  	v0 =	vsel vm13, $0x0, v13  }
0xd0: {  	(xrf0) =	vadd.scan.msk.s32 $0xffff, v0;
	_ =	sdelay $0x5  }
0xd1: {  	v0, _, _ =	vpop (xrf0)  }
0xd2: {  	(v2sf) =	vpush v0, $0xF;
	_ =	sdelay $0xe  }
0xd3: {  	s15 =	spop (v2sf)  }
0xd4: {  	s8 =	sshll.u32 s15, $0x4  }
0xd5: {  	s8 =	sand.u32 $0x1FFFFFF0, s8  }
0xd6: {  	s16 =	rddreg [dreg:$0x11];
	s8 =	sadd.s32 s2, s8  }
0xd7: {  	[tilespmem:s16], [sflag:$0x1] =	stream.linear.gather [hbm4b:s8+s3], $0x80, $0x38;
	[tilespmem:$0x2080] =	vst v63  }
0xd8: {  	v14 =	vld [tilespmem:$0x0];
	_ =	sdelay $0x4  }
0xd9: {  	v0 =	vsel vm14, $0x0, v14  }
0xda: {  	(xrf0) =	vadd.scan.msk.s32 $0xffff, v0;
	_ =	sdelay $0x5  }
0xdb: {  	v0, _, _ =	vpop (xrf0)  }
0xdc: {  	(v2sf) =	vpush v0, $0xF;
	_ =	sdelay $0xe  }
0xdd: {  	s17 =	spop (v2sf)  }
0xde: {  	s8 =	sshll.u32 s17, $0x4  }
0xdf: {  	s8 =	sand.u32 $0x1FFFFFF0, s8  }
0xe0: {  	s18 =	rddreg [dreg:$0x12];
	s8 =	sadd.s32 s2, s8  }
0xe1: {  	[tilespmem:s18], [sflag:$0x1] =	stream.linear.gather [hbm4b:s8+s3], $0x80, $0x38;
	[tilespmem:$0x2080] =	vst v63  }
0xe2: {  	v15 =	vld [tilespmem:$0x0];
	_ =	sdelay $0x4  }
0xe3: {  	v0 =	vsel vm15, $0x0, v15  }
0xe4: {  	(xrf0) =	vadd.scan.msk.s32 $0xffff, v0;
	_ =	sdelay $0x5  }
0xe5: {  	v0, _, _ =	vpop (xrf0)  }
0xe6: {  	(v2sf) =	vpush v0, $0xF;
	_ =	sdelay $0xe  }
0xe7: {  	s19 =	spop (v2sf)  }
0xe8: {  	s8 =	sshll.u32 s19, $0x4  }
0xe9: {  	s8 =	sand.u32 $0x1FFFFFF0, s8  }
0xea: {  	s20 =	rddreg [dreg:$0x13];
	s8 =	sadd.s32 s2, s8  }
0xeb: {  	[tilespmem:s20], [sflag:$0x1] =	stream.linear.gather [hbm4b:s8+s3], $0x80, $0x38;
	[tilespmem:$0x2080] =	vst v63  }
0xec: {  	v16 =	vld [tilespmem:$0x10];
	_ =	sdelay $0x4  }
0xed: {  	v0 =	vnsel vm0, $0x0, v16  }
0xee: {  	(xrf0) =	vadd.scan.msk.s32 $0xffff, v0;
	_ =	sdelay $0x5  }
0xef: {  	v0, _, _ =	vpop (xrf0)  }
0xf0: {  	(v2sf) =	vpush v0, $0xF;
	_ =	sdelay $0xe  }
0xf1: {  	s21 =	spop (v2sf)  }
0xf2: {  	s8 =	sshll.u32 s21, $0x4  }
0xf3: {  	s8 =	sand.u32 $0x1FFFFFF0, s8  }
0xf4: {  	s22 =	rddreg [dreg:$0x14];
	s8 =	sadd.s32 s2, s8  }
0xf5: {  	[tilespmem:s22], [sflag:$0x1] =	stream.linear.gather [hbm4b:s8+s3], $0x80, $0x38;
	[tilespmem:$0x2080] =	vst v63  }
0xf6: {  	v17 =	vld [tilespmem:$0x10];
	_ =	sdelay $0x4  }
0xf7: {  	v0 =	vsel vm1, $0x0, v17  }
0xf8: {  	(xrf0) =	vadd.scan.msk.s32 $0xffff, v0;
	_ =	sdelay $0x5  }
0xf9: {  	v0, _, _ =	vpop (xrf0)  }
0xfa: {  	(v2sf) =	vpush v0, $0xF;
	_ =	sdelay $0xe  }
0xfb: {  	s23 =	spop (v2sf)  }
0xfc: {  	s8 =	sshll.u32 s23, $0x4  }
0xfd: {  	s8 =	sand.u32 $0x1FFFFFF0, s8  }
0xfe: {  	s24 =	rddreg [dreg:$0x15];
	s8 =	sadd.s32 s2, s8  }
0xff: {  	[tilespmem:s24], [sflag:$0x1] =	stream.linear.gather [hbm4b:s8+s3], $0x80, $0x38;
	[tilespmem:$0x2080] =	vst v63  }
0x100: {  	v18 =	vld [tilespmem:$0x10];
	_ =	sdelay $0x4  }
0x101: {  	v0 =	vsel vm2, $0x0, v18  }
0x102: {  	(xrf0) =	vadd.scan.msk.s32 $0xffff, v0;
	_ =	sdelay $0x5  }
0x103: {  	v0, _, _ =	vpop (xrf0)  }
0x104: {  	(v2sf) =	vpush v0, $0xF;
	_ =	sdelay $0xe  }
0x105: {  	s25 =	spop (v2sf)  }
0x106: {  	s8 =	sshll.u32 s25, $0x4  }
0x107: {  	s8 =	sand.u32 $0x1FFFFFF0, s8  }
0x108: {  	s26 =	rddreg [dreg:$0x16];
	s8 =	sadd.s32 s2, s8  }
0x109: {  	[tilespmem:s26], [sflag:$0x1] =	stream.linear.gather [hbm4b:s8+s3], $0x80, $0x38;
	[tilespmem:$0x2080] =	vst v63  }
0x10a: {  	v19 =	vld [tilespmem:$0x10];
	_ =	sdelay $0x4  }
0x10b: {  	v0 =	vsel vm3, $0x0, v19  }
0x10c: {  	(xrf0) =	vadd.scan.msk.s32 $0xffff, v0;
	_ =	sdelay $0x5  }
0x10d: {  	v0, _, _ =	vpop (xrf0)  }
0x10e: {  	(v2sf) =	vpush v0, $0xF;
	_ =	sdelay $0xe  }
0x10f: {  	s28 =	spop (v2sf)  }
0x110: {  	s8 =	sshll.u32 s28, $0x4  }
0x111: {  	s8 =	sand.u32 $0x1FFFFFF0, s8  }
0x112: {  	s29 =	rddreg [dreg:$0x17];
	s8 =	sadd.s32 s2, s8  }
0x113: {  	[tilespmem:s29], [sflag:$0x1] =	stream.linear.gather [hbm4b:s8+s3], $0x80, $0x38;
	[tilespmem:$0x2080] =	vst v63  }
0x114: {  	v20 =	vld [tilespmem:$0x10];
	_ =	sdelay $0x4  }
0x115: {  	v0 =	vsel vm4, $0x0, v20  }
0x116: {  	(xrf0) =	vadd.scan.msk.s32 $0xffff, v0;
	_ =	sdelay $0x5  }
0x117: {  	v0, _, _ =	vpop (xrf0)  }
0x118: {  	(v2sf) =	vpush v0, $0xF;
	_ =	sdelay $0xe  }
0x119: {  	s30 =	spop (v2sf)  }
0x11a: {  	s8 =	sshll.u32 s30, $0x4  }
0x11b: {  	s8 =	sand.u32 $0x1FFFFFF0, s8  }
0x11c: {  	s31 =	rddreg [dreg:$0x18];
	s8 =	sadd.s32 s2, s8  }
0x11d: {  	[tilespmem:s31], [sflag:$0x1] =	stream.linear.gather [hbm4b:s8+s3], $0x80, $0x38;
	[tilespmem:$0x2080] =	vst v63  }
0x11e: {  	v21 =	vld [tilespmem:$0x10];
	_ =	sdelay $0x4  }
0x11f: {  	v0 =	vsel vm5, $0x0, v21  }
0x120: {  	(xrf0) =	vadd.scan.msk.s32 $0xffff, v0;
	_ =	sdelay $0x5  }
0x121: {  	v0, _, _ =	vpop (xrf0)  }
0x122: {  	(v2sf) =	vpush v0, $0xF;
	_ =	sdelay $0xe  }
0x123: {  	s9 =	spop (v2sf)  }
0x124: {  	s8 =	sshll.u32 s9, $0x4  }
0x125: {  	s8 =	sand.u32 $0x1FFFFFF0, s8  }
0x126: {  	s10 =	rddreg [dreg:$0x19];
	s8 =	sadd.s32 s2, s8  }
0x127: {  	[tilespmem:s10], [sflag:$0x1] =	stream.linear.gather [hbm4b:s8+s3], $0x80, $0x38;
	[tilespmem:$0x2080] =	vst v63  }
0x128: {  	v22 =	vld [tilespmem:$0x10];
	_ =	sdelay $0x4  }
0x129: {  	v0 =	vsel vm6, $0x0, v22  }
0x12a: {  	(xrf0) =	vadd.scan.msk.s32 $0xffff, v0;
	_ =	sdelay $0x5  }
0x12b: {  	v0, _, _ =	vpop (xrf0)  }
0x12c: {  	(v2sf) =	vpush v0, $0xF;
	_ =	sdelay $0xe  }
0x12d: {  	s11 =	spop (v2sf)  }
0x12e: {  	s8 =	sshll.u32 s11, $0x4  }
0x12f: {  	s8 =	sand.u32 $0x1FFFFFF0, s8  }
0x130: {  	s12 =	rddreg [dreg:$0x1a];
	s8 =	sadd.s32 s2, s8  }
0x131: {  	[tilespmem:s12], [sflag:$0x1] =	stream.linear.gather [hbm4b:s8+s3], $0x80, $0x38;
	[tilespmem:$0x2080] =	vst v63  }
0x132: {  	v23 =	vld [tilespmem:$0x10];
	_ =	sdelay $0x4  }
0x133: {  	v0 =	vsel vm7, $0x0, v23  }
0x134: {  	(xrf0) =	vadd.scan.msk.s32 $0xffff, v0;
	_ =	sdelay $0x5  }
0x135: {  	v0, _, _ =	vpop (xrf0)  }
0x136: {  	(v2sf) =	vpush v0, $0xF;
	_ =	sdelay $0xe  }
0x137: {  	s13 =	spop (v2sf)  }
0x138: {  	s8 =	sshll.u32 s13, $0x4  }
0x139: {  	s8 =	sand.u32 $0x1FFFFFF0, s8  }
0x13a: {  	s14 =	rddreg [dreg:$0x1b];
	s8 =	sadd.s32 s2, s8  }
0x13b: {  	[tilespmem:s14], [sflag:$0x1] =	stream.linear.gather [hbm4b:s8+s3], $0x80, $0x38;
	[tilespmem:$0x2080] =	vst v63  }
0x13c: {  	v24 =	vld [tilespmem:$0x10];
	_ =	sdelay $0x4  }
0x13d: {  	v0 =	vsel vm8, $0x0, v24  }
0x13e: {  	(xrf0) =	vadd.scan.msk.s32 $0xffff, v0;
	_ =	sdelay $0x5  }
0x13f: {  	v0, _, _ =	vpop (xrf0)  }
0x140: {  	(v2sf) =	vpush v0, $0xF;
	_ =	sdelay $0xe  }
0x141: {  	s15 =	spop (v2sf)  }
0x142: {  	s8 =	sshll.u32 s15, $0x4  }
0x143: {  	s8 =	sand.u32 $0x1FFFFFF0, s8  }
0x144: {  	s16 =	rddreg [dreg:$0x1c];
	s8 =	sadd.s32 s2, s8  }
0x145: {  	[tilespmem:s16], [sflag:$0x1] =	stream.linear.gather [hbm4b:s8+s3], $0x80, $0x38;
	[tilespmem:$0x2080] =	vst v63  }
0x146: {  	v25 =	vld [tilespmem:$0x10];
	_ =	sdelay $0x4  }
0x147: {  	v0 =	vsel vm9, $0x0, v25  }
0x148: {  	(xrf0) =	vadd.scan.msk.s32 $0xffff, v0;
	_ =	sdelay $0x5  }
0x149: {  	v0, _, _ =	vpop (xrf0)  }
0x14a: {  	(v2sf) =	vpush v0, $0xF;
	_ =	sdelay $0xe  }
0x14b: {  	s17 =	spop (v2sf)  }
0x14c: {  	s8 =	sshll.u32 s17, $0x4  }
0x14d: {  	s8 =	sand.u32 $0x1FFFFFF0, s8  }
0x14e: {  	s18 =	rddreg [dreg:$0x1d];
	s8 =	sadd.s32 s2, s8  }
0x14f: {  	[tilespmem:s18], [sflag:$0x1] =	stream.linear.gather [hbm4b:s8+s3], $0x80, $0x38;
	[tilespmem:$0x2080] =	vst v63  }
0x150: {  	v26 =	vld [tilespmem:$0x10];
	_ =	sdelay $0x4  }
0x151: {  	v0 =	vsel vm10, $0x0, v26  }
0x152: {  	(xrf0) =	vadd.scan.msk.s32 $0xffff, v0;
	_ =	sdelay $0x5  }
0x153: {  	v0, _, _ =	vpop (xrf0)  }
0x154: {  	(v2sf) =	vpush v0, $0xF;
	_ =	sdelay $0xe  }
0x155: {  	s19 =	spop (v2sf)  }
0x156: {  	s8 =	sshll.u32 s19, $0x4  }
0x157: {  	s8 =	sand.u32 $0x1FFFFFF0, s8  }
0x158: {  	s20 =	rddreg [dreg:$0x1e];
	s8 =	sadd.s32 s2, s8  }
0x159: {  	[tilespmem:s20], [sflag:$0x1] =	stream.linear.gather [hbm4b:s8+s3], $0x80, $0x38;
	[tilespmem:$0x2080] =	vst v63  }
0x15a: {  	v27 =	vld [tilespmem:$0x10];
	_ =	sdelay $0x4  }
0x15b: {  	v0 =	vsel vm11, $0x0, v27  }
0x15c: {  	(xrf0) =	vadd.scan.msk.s32 $0xffff, v0;
	_ =	sdelay $0x5  }
0x15d: {  	v0, _, _ =	vpop (xrf0)  }
0x15e: {  	(v2sf) =	vpush v0, $0xF;
	_ =	sdelay $0xe  }
0x15f: {  	s21 =	spop (v2sf)  }
0x160: {  	s8 =	sshll.u32 s21, $0x4  }
0x161: {  	s8 =	sand.u32 $0x1FFFFFF0, s8  }
0x162: {  	s22 =	rddreg [dreg:$0x1f];
	s8 =	sadd.s32 s2, s8  }
0x163: {  	[tilespmem:s22], [sflag:$0x1] =	stream.linear.gather [hbm4b:s8+s3], $0x80, $0x38;
	[tilespmem:$0x2080] =	vst v63  }
0x164: {  	v28 =	vld [tilespmem:$0x10];
	_ =	sdelay $0x4  }
0x165: {  	v0 =	vsel vm12, $0x0, v28  }
0x166: {  	(xrf0) =	vadd.scan.msk.s32 $0xffff, v0;
	_ =	sdelay $0x5  }
0x167: {  	v0, _, _ =	vpop (xrf0)  }
0x168: {  	(v2sf) =	vpush v0, $0xF;
	_ =	sdelay $0xe  }
0x169: {  	s23 =	spop (v2sf)  }
0x16a: {  	s24 =	sld [smem:$0x7DA];
	s8 =	sshll.u32 s23, $0x4  }
0x16b: {  	s8 =	sand.u32 $0x1FFFFFF0, s8  }
0x16c: {  	s8 =	sadd.s32 s2, s8  }
0x16d: {  	[tilespmem:s24], [sflag:$0x1] =	stream.linear.gather [hbm4b:s8+s3], $0x80, $0x38;
	[tilespmem:$0x2080] =	vst v63  }
0x16e: {  	v29 =	vld [tilespmem:$0x10];
	_ =	sdelay $0x4  }
0x16f: {  	v0 =	vsel vm13, $0x0, v29  }
0x170: {  	(xrf0) =	vadd.scan.msk.s32 $0xffff, v0;
	_ =	sdelay $0x5  }
0x171: {  	v0, _, _ =	vpop (xrf0)  }
0x172: {  	(v2sf) =	vpush v0, $0xF;
	_ =	sdelay $0xe  }
0x173: {  	s25 =	spop (v2sf)  }
0x174: {  	s26 =	sld [smem:$0x7DB];
	s8 =	sshll.u32 s25, $0x4  }
0x175: {  	s8 =	sand.u32 $0x1FFFFFF0, s8  }
0x176: {  	s8 =	sadd.s32 s2, s8  }
0x177: {  	[tilespmem:s26], [sflag:$0x1] =	stream.linear.gather [hbm4b:s8+s3], $0x80, $0x38;
	[tilespmem:$0x2080] =	vst v63  }
0x178: {  	v30 =	vld [tilespmem:$0x10];
	_ =	sdelay $0x4  }
0x179: {  	v0 =	vsel vm14, $0x0, v30  }
0x17a: {  	(xrf0) =	vadd.scan.msk.s32 $0xffff, v0;
	_ =	sdelay $0x5  }
0x17b: {  	v0, _, _ =	vpop (xrf0)  }
0x17c: {  	(v2sf) =	vpush v0, $0xF;
	_ =	sdelay $0xe  }
0x17d: {  	s28 =	spop (v2sf)  }
0x17e: {  	s29 =	sld [smem:$0x7DC];
	s8 =	sshll.u32 s28, $0x4  }
0x17f: {  	s8 =	sand.u32 $0x1FFFFFF0, s8  }
0x180: {  	s8 =	sadd.s32 s2, s8  }
0x181: {  	[tilespmem:s29], [sflag:$0x1] =	stream.linear.gather [hbm4b:s8+s3], $0x80, $0x38;
	[tilespmem:$0x2080] =	vst v63  }
0x182: {  	v31 =	vld [tilespmem:$0x10];
	_ =	sdelay $0x4  }
0x183: {  	v0 =	vsel vm15, $0x0, v31  }
0x184: {  	(xrf0) =	vadd.scan.msk.s32 $0xffff, v0;
	_ =	sdelay $0x5  }
0x185: {  	v0, _, _ =	vpop (xrf0)  }
0x186: {  	(v2sf) =	vpush v0, $0xF;
	_ =	sdelay $0xe  }
0x187: {  	s30 =	spop (v2sf)  }
0x188: {  	s31 =	sld [smem:$0x7DD];
	s8 =	sshll.u32 s30, $0x4  }
0x189: {  	s8 =	sand.u32 $0x1FFFFFF0, s8  }
0x18a: {  	s8 =	sadd.s32 s2, s8  }
0x18b: {  	[tilespmem:s31], [sflag:$0x1] =	stream.linear.gather [hbm4b:s8+s3], $0x80, $0x38;
	[tilespmem:$0x2080] =	vst v63  }
0x18c: {  	v32 =	vld [tilespmem:$0x20];
	_ =	sdelay $0x4  }
0x18d: {  	v0 =	vnsel vm0, $0x0, v32  }
0x18e: {  	(xrf0) =	vadd.scan.msk.s32 $0xffff, v0;
	_ =	sdelay $0x5  }
0x18f: {  	v0, _, _ =	vpop (xrf0)  }
0x190: {  	(v2sf) =	vpush v0, $0xF;
	_ =	sdelay $0xe  }
0x191: {  	s9 =	spop (v2sf)  }
0x192: {  	s10 =	sld [smem:$0x7DE];
	s8 =	sshll.u32 s9, $0x4  }
0x193: {  	s8 =	sand.u32 $0x1FFFFFF0, s8  }
0x194: {  	s8 =	sadd.s32 s2, s8  }
0x195: {  	[tilespmem:s10], [sflag:$0x1] =	stream.linear.gather [hbm4b:s8+s3], $0x80, $0x38;
	[tilespmem:$0x2080] =	vst v63  }
0x196: {  	v33 =	vld [tilespmem:$0x20];
	_ =	sdelay $0x4  }
0x197: {  	v0 =	vsel vm1, $0x0, v33  }
0x198: {  	(xrf0) =	vadd.scan.msk.s32 $0xffff, v0;
	_ =	sdelay $0x5  }
0x199: {  	v0, _, _ =	vpop (xrf0)  }
0x19a: {  	(v2sf) =	vpush v0, $0xF;
	_ =	sdelay $0xe  }
0x19b: {  	s11 =	spop (v2sf)  }
0x19c: {  	s12 =	sld [smem:$0x7DF];
	s8 =	sshll.u32 s11, $0x4  }
0x19d: {  	s8 =	sand.u32 $0x1FFFFFF0, s8  }
0x19e: {  	s8 =	sadd.s32 s2, s8  }
0x19f: {  	[tilespmem:s12], [sflag:$0x1] =	stream.linear.gather [hbm4b:s8+s3], $0x80, $0x38;
	[tilespmem:$0x2080] =	vst v63  }
0x1a0: {  	v34 =	vld [tilespmem:$0x20];
	_ =	sdelay $0x4  }
0x1a1: {  	v0 =	vsel vm2, $0x0, v34  }
0x1a2: {  	(xrf0) =	vadd.scan.msk.s32 $0xffff, v0;
	_ =	sdelay $0x5  }
0x1a3: {  	v0, _, _ =	vpop (xrf0)  }
0x1a4: {  	(v2sf) =	vpush v0, $0xF;
	_ =	sdelay $0xe  }
0x1a5: {  	s13 =	spop (v2sf)  }
0x1a6: {  	s14 =	sld [smem:$0x7E0];
	s8 =	sshll.u32 s13, $0x4  }
0x1a7: {  	s8 =	sand.u32 $0x1FFFFFF0, s8  }
0x1a8: {  	s8 =	sadd.s32 s2, s8  }
0x1a9: {  	[tilespmem:s14], [sflag:$0x1] =	stream.linear.gather [hbm4b:s8+s3], $0x80, $0x38;
	[tilespmem:$0x2080] =	vst v63  }
0x1aa: {  	v35 =	vld [tilespmem:$0x20];
	_ =	sdelay $0x4  }
0x1ab: {  	v0 =	vsel vm3, $0x0, v35  }
0x1ac: {  	(xrf0) =	vadd.scan.msk.s32 $0xffff, v0;
	_ =	sdelay $0x5  }
0x1ad: {  	v0, _, _ =	vpop (xrf0)  }
0x1ae: {  	(v2sf) =	vpush v0, $0xF;
	_ =	sdelay $0xe  }
0x1af: {  	s15 =	spop (v2sf)  }
0x1b0: {  	s16 =	sld [smem:$0x7E1];
	s8 =	sshll.u32 s15, $0x4  }
0x1b1: {  	s8 =	sand.u32 $0x1FFFFFF0, s8  }
0x1b2: {  	s8 =	sadd.s32 s2, s8  }
0x1b3: {  	[tilespmem:s16], [sflag:$0x1] =	stream.linear.gather [hbm4b:s8+s3], $0x80, $0x38;
	[tilespmem:$0x2080] =	vst v63  }
0x1b4: {  	v36 =	vld [tilespmem:$0x20];
	_ =	sdelay $0x4  }
0x1b5: {  	v0 =	vsel vm4, $0x0, v36  }
0x1b6: {  	(xrf0) =	vadd.scan.msk.s32 $0xffff, v0;
	_ =	sdelay $0x5  }
0x1b7: {  	v0, _, _ =	vpop (xrf0)  }
0x1b8: {  	(v2sf) =	vpush v0, $0xF;
	_ =	sdelay $0xe  }
0x1b9: {  	s17 =	spop (v2sf)  }
0x1ba: {  	s18 =	sld [smem:$0x7E2];
	s8 =	sshll.u32 s17, $0x4  }
0x1bb: {  	s8 =	sand.u32 $0x1FFFFFF0, s8  }
0x1bc: {  	s8 =	sadd.s32 s2, s8  }
0x1bd: {  	[tilespmem:s18], [sflag:$0x1] =	stream.linear.gather [hbm4b:s8+s3], $0x80, $0x38;
	[tilespmem:$0x2080] =	vst v63  }
0x1be: {  	v37 =	vld [tilespmem:$0x20];
	_ =	sdelay $0x4  }
0x1bf: {  	v0 =	vsel vm5, $0x0, v37  }
0x1c0: {  	(xrf0) =	vadd.scan.msk.s32 $0xffff, v0;
	_ =	sdelay $0x5  }
0x1c1: {  	v0, _, _ =	vpop (xrf0)  }
0x1c2: {  	(v2sf) =	vpush v0, $0xF;
	_ =	sdelay $0xe  }
0x1c3: {  	s19 =	spop (v2sf)  }
0x1c4: {  	s20 =	sld [smem:$0x7E3];
	s8 =	sshll.u32 s19, $0x4  }
0x1c5: {  	s8 =	sand.u32 $0x1FFFFFF0, s8  }
0x1c6: {  	s8 =	sadd.s32 s2, s8  }
0x1c7: {  	[tilespmem:s20], [sflag:$0x1] =	stream.linear.gather [hbm4b:s8+s3], $0x80, $0x38;
	[tilespmem:$0x2080] =	vst v63  }
0x1c8: {  	v38 =	vld [tilespmem:$0x20];
	_ =	sdelay $0x4  }
0x1c9: {  	v0 =	vsel vm6, $0x0, v38  }
0x1ca: {  	(xrf0) =	vadd.scan.msk.s32 $0xffff, v0;
	_ =	sdelay $0x5  }
0x1cb: {  	v0, _, _ =	vpop (xrf0)  }
0x1cc: {  	(v2sf) =	vpush v0, $0xF;
	_ =	sdelay $0xe  }
0x1cd: {  	s21 =	spop (v2sf)  }
0x1ce: {  	s22 =	sld [smem:$0x7E4];
	s8 =	sshll.u32 s21, $0x4  }
0x1cf: {  	s8 =	sand.u32 $0x1FFFFFF0, s8  }
0x1d0: {  	s8 =	sadd.s32 s2, s8  }
0x1d1: {  	[tilespmem:s22], [sflag:$0x1] =	stream.linear.gather [hbm4b:s8+s3], $0x80, $0x38;
	[tilespmem:$0x2080] =	vst v63  }
0x1d2: {  	v39 =	vld [tilespmem:$0x20];
	_ =	sdelay $0x4  }
0x1d3: {  	v0 =	vsel vm7, $0x0, v39  }
0x1d4: {  	(xrf0) =	vadd.scan.msk.s32 $0xffff, v0;
	_ =	sdelay $0x5  }
0x1d5: {  	v0, _, _ =	vpop (xrf0)  }
0x1d6: {  	(v2sf) =	vpush v0, $0xF;
	_ =	sdelay $0xe  }
0x1d7: {  	s23 =	spop (v2sf)  }
0x1d8: {  	s24 =	sld [smem:$0x7E5];
	s8 =	sshll.u32 s23, $0x4  }
0x1d9: {  	s8 =	sand.u32 $0x1FFFFFF0, s8  }
0x1da: {  	s8 =	sadd.s32 s2, s8  }
0x1db: {  	[tilespmem:s24], [sflag:$0x1] =	stream.linear.gather [hbm4b:s8+s3], $0x80, $0x38;
	[tilespmem:$0x2080] =	vst v63  }
0x1dc: {  	v40 =	vld [tilespmem:$0x20];
	_ =	sdelay $0x4  }
0x1dd: {  	v0 =	vsel vm8, $0x0, v40  }
0x1de: {  	(xrf0) =	vadd.scan.msk.s32 $0xffff, v0;
	_ =	sdelay $0x5  }
0x1df: {  	v0, _, _ =	vpop (xrf0)  }
0x1e0: {  	(v2sf) =	vpush v0, $0xF;
	_ =	sdelay $0xe  }
0x1e1: {  	s25 =	spop (v2sf)  }
0x1e2: {  	s26 =	sld [smem:$0x7E6];
	s8 =	sshll.u32 s25, $0x4  }
0x1e3: {  	s8 =	sand.u32 $0x1FFFFFF0, s8  }
0x1e4: {  	s8 =	sadd.s32 s2, s8  }
0x1e5: {  	[tilespmem:s26], [sflag:$0x1] =	stream.linear.gather [hbm4b:s8+s3], $0x80, $0x38;
	[tilespmem:$0x2080] =	vst v63  }
0x1e6: {  	v41 =	vld [tilespmem:$0x20];
	_ =	sdelay $0x4  }
0x1e7: {  	v0 =	vsel vm9, $0x0, v41  }
0x1e8: {  	(xrf0) =	vadd.scan.msk.s32 $0xffff, v0;
	_ =	sdelay $0x5  }
0x1e9: {  	v0, _, _ =	vpop (xrf0)  }
0x1ea: {  	(v2sf) =	vpush v0, $0xF;
	_ =	sdelay $0xe  }
0x1eb: {  	s28 =	spop (v2sf)  }
0x1ec: {  	s29 =	sld [smem:$0x7E7];
	s8 =	sshll.u32 s28, $0x4  }
0x1ed: {  	s8 =	sand.u32 $0x1FFFFFF0, s8  }
0x1ee: {  	s8 =	sadd.s32 s2, s8  }
0x1ef: {  	[tilespmem:s29], [sflag:$0x1] =	stream.linear.gather [hbm4b:s8+s3], $0x80, $0x38;
	[tilespmem:$0x2080] =	vst v63  }
0x1f0: {  	v42 =	vld [tilespmem:$0x20];
	_ =	sdelay $0x4  }
0x1f1: {  	v0 =	vsel vm10, $0x0, v42  }
0x1f2: {  	(xrf0) =	vadd.scan.msk.s32 $0xffff, v0;
	_ =	sdelay $0x5  }
0x1f3: {  	v0, _, _ =	vpop (xrf0)  }
0x1f4: {  	(v2sf) =	vpush v0, $0xF;
	_ =	sdelay $0xe  }
0x1f5: {  	s30 =	spop (v2sf)  }
0x1f6: {  	s31 =	sld [smem:$0x7E8];
	s8 =	sshll.u32 s30, $0x4  }
0x1f7: {  	s8 =	sand.u32 $0x1FFFFFF0, s8  }
0x1f8: {  	s8 =	sadd.s32 s2, s8  }
0x1f9: {  	[tilespmem:s31], [sflag:$0x1] =	stream.linear.gather [hbm4b:s8+s3], $0x80, $0x38;
	[tilespmem:$0x2080] =	vst v63  }
0x1fa: {  	v43 =	vld [tilespmem:$0x20];
	_ =	sdelay $0x4  }
0x1fb: {  	v0 =	vsel vm11, $0x0, v43  }
0x1fc: {  	(xrf0) =	vadd.scan.msk.s32 $0xffff, v0;
	_ =	sdelay $0x5  }
0x1fd: {  	v0, _, _ =	vpop (xrf0)  }
0x1fe: {  	(v2sf) =	vpush v0, $0xF;
	_ =	sdelay $0xe  }
0x1ff: {  	s9 =	spop (v2sf)  }
0x200: {  	s10 =	sld [smem:$0x7E9];
	s8 =	sshll.u32 s9, $0x4  }
0x201: {  	s8 =	sand.u32 $0x1FFFFFF0, s8  }
0x202: {  	s8 =	sadd.s32 s2, s8  }
0x203: {  	[tilespmem:s10], [sflag:$0x1] =	stream.linear.gather [hbm4b:s8+s3], $0x80, $0x38;
	[tilespmem:$0x2080] =	vst v63  }
0x204: {  	v44 =	vld [tilespmem:$0x20];
	_ =	sdelay $0x4  }
0x205: {  	v0 =	vsel vm12, $0x0, v44  }
0x206: {  	(xrf0) =	vadd.scan.msk.s32 $0xffff, v0;
	_ =	sdelay $0x5  }
0x207: {  	v0, _, _ =	vpop (xrf0)  }
0x208: {  	(v2sf) =	vpush v0, $0xF;
	_ =	sdelay $0xe  }
0x209: {  	s11 =	spop (v2sf)  }
0x20a: {  	s12 =	sld [smem:$0x7EA];
	s8 =	sshll.u32 s11, $0x4  }
0x20b: {  	s8 =	sand.u32 $0x1FFFFFF0, s8  }
0x20c: {  	s8 =	sadd.s32 s2, s8  }
0x20d: {  	[tilespmem:s12], [sflag:$0x1] =	stream.linear.gather [hbm4b:s8+s3], $0x80, $0x38;
	[tilespmem:$0x2080] =	vst v63  }
0x20e: {  	v45 =	vld [tilespmem:$0x20];
	_ =	sdelay $0x4  }
0x20f: {  	v0 =	vsel vm13, $0x0, v45  }
0x210: {  	(xrf0) =	vadd.scan.msk.s32 $0xffff, v0;
	_ =	sdelay $0x5  }
0x211: {  	v0, _, _ =	vpop (xrf0)  }
0x212: {  	(v2sf) =	vpush v0, $0xF;
	_ =	sdelay $0xe  }
0x213: {  	s13 =	spop (v2sf)  }
0x214: {  	s14 =	sld [smem:$0x7EB];
	s8 =	sshll.u32 s13, $0x4  }
0x215: {  	s8 =	sand.u32 $0x1FFFFFF0, s8  }
0x216: {  	s8 =	sadd.s32 s2, s8  }
0x217: {  	[tilespmem:s14], [sflag:$0x1] =	stream.linear.gather [hbm4b:s8+s3], $0x80, $0x38;
	[tilespmem:$0x2080] =	vst v63  }
0x218: {  	v46 =	vld [tilespmem:$0x20];
	_ =	sdelay $0x4  }
0x219: {  	v0 =	vsel vm14, $0x0, v46  }
0x21a: {  	(xrf0) =	vadd.scan.msk.s32 $0xffff, v0;
	_ =	sdelay $0x5  }
0x21b: {  	v0, _, _ =	vpop (xrf0)  }
0x21c: {  	(v2sf) =	vpush v0, $0xF;
	_ =	sdelay $0xe  }
0x21d: {  	s15 =	spop (v2sf)  }
0x21e: {  	s16 =	sld [smem:$0x7EC];
	s8 =	sshll.u32 s15, $0x4  }
0x21f: {  	s8 =	sand.u32 $0x1FFFFFF0, s8  }
0x220: {  	s8 =	sadd.s32 s2, s8  }
0x221: {  	[tilespmem:s16], [sflag:$0x1] =	stream.linear.gather [hbm4b:s8+s3], $0x80, $0x38;
	[tilespmem:$0x2080] =	vst v63  }
0x222: {  	v47 =	vld [tilespmem:$0x20];
	_ =	sdelay $0x4  }
0x223: {  	v0 =	vsel vm15, $0x0, v47  }
0x224: {  	(xrf0) =	vadd.scan.msk.s32 $0xffff, v0;
	_ =	sdelay $0x5  }
0x225: {  	v0, _, _ =	vpop (xrf0)  }
0x226: {  	(v2sf) =	vpush v0, $0xF;
	_ =	sdelay $0xe  }
0x227: {  	s17 =	spop (v2sf)  }
0x228: {  	s18 =	sld [smem:$0x7ED];
	s8 =	sshll.u32 s17, $0x4  }
0x229: {  	s8 =	sand.u32 $0x1FFFFFF0, s8  }
0x22a: {  	s8 =	sadd.s32 s2, s8  }
0x22b: {  	[tilespmem:s18], [sflag:$0x1] =	stream.linear.gather [hbm4b:s8+s3], $0x80, $0x38;
	[tilespmem:$0x2080] =	vst v63  }
0x22c: {  	v48 =	vld [tilespmem:$0x30];
	_ =	sdelay $0x4  }
0x22d: {  	v0 =	vnsel vm0, $0x0, v48  }
0x22e: {  	(xrf0) =	vadd.scan.msk.s32 $0xffff, v0;
	_ =	sdelay $0x5  }
0x22f: {  	v0, _, _ =	vpop (xrf0)  }
0x230: {  	(v2sf) =	vpush v0, $0xF;
	_ =	sdelay $0xe  }
0x231: {  	s19 =	spop (v2sf)  }
0x232: {  	s20 =	sld [smem:$0x7EE];
	s8 =	sshll.u32 s19, $0x4  }
0x233: {  	s8 =	sand.u32 $0x1FFFFFF0, s8  }
0x234: {  	s8 =	sadd.s32 s2, s8  }
0x235: {  	[tilespmem:s20], [sflag:$0x1] =	stream.linear.gather [hbm4b:s8+s3], $0x80, $0x38;
	[tilespmem:$0x2080] =	vst v63  }
0x236: {  	v49 =	vld [tilespmem:$0x30];
	_ =	sdelay $0x4  }
0x237: {  	v0 =	vsel vm1, $0x0, v49  }
0x238: {  	(xrf0) =	vadd.scan.msk.s32 $0xffff, v0;
	_ =	sdelay $0x5  }
0x239: {  	v0, _, _ =	vpop (xrf0)  }
0x23a: {  	(v2sf) =	vpush v0, $0xF;
	_ =	sdelay $0xe  }
0x23b: {  	s21 =	spop (v2sf)  }
0x23c: {  	s22 =	sld [smem:$0x7EF];
	s8 =	sshll.u32 s21, $0x4  }
0x23d: {  	s8 =	sand.u32 $0x1FFFFFF0, s8  }
0x23e: {  	s8 =	sadd.s32 s2, s8  }
0x23f: {  	[tilespmem:s22], [sflag:$0x1] =	stream.linear.gather [hbm4b:s8+s3], $0x80, $0x38;
	[tilespmem:$0x2080] =	vst v63  }
0x240: {  	v50 =	vld [tilespmem:$0x30];
	_ =	sdelay $0x4  }
0x241: {  	v0 =	vsel vm2, $0x0, v50  }
0x242: {  	(xrf0) =	vadd.scan.msk.s32 $0xffff, v0;
	_ =	sdelay $0x5  }
0x243: {  	v0, _, _ =	vpop (xrf0)  }
0x244: {  	(v2sf) =	vpush v0, $0xF;
	_ =	sdelay $0xe  }
0x245: {  	s23 =	spop (v2sf)  }
0x246: {  	s24 =	sld [smem:$0x7F0];
	s8 =	sshll.u32 s23, $0x4  }
0x247: {  	s8 =	sand.u32 $0x1FFFFFF0, s8  }
0x248: {  	s8 =	sadd.s32 s2, s8  }
0x249: {  	[tilespmem:s24], [sflag:$0x1] =	stream.linear.gather [hbm4b:s8+s3], $0x80, $0x38;
	[tilespmem:$0x2080] =	vst v63  }
0x24a: {  	v51 =	vld [tilespmem:$0x30];
	_ =	sdelay $0x4  }
0x24b: {  	v0 =	vsel vm3, $0x0, v51  }
0x24c: {  	(xrf0) =	vadd.scan.msk.s32 $0xffff, v0;
	_ =	sdelay $0x5  }
0x24d: {  	v0, _, _ =	vpop (xrf0)  }
0x24e: {  	(v2sf) =	vpush v0, $0xF;
	_ =	sdelay $0xe  }
0x24f: {  	s25 =	spop (v2sf)  }
0x250: {  	s26 =	sld [smem:$0x7F1];
	s8 =	sshll.u32 s25, $0x4  }
0x251: {  	s8 =	sand.u32 $0x1FFFFFF0, s8  }
0x252: {  	s8 =	sadd.s32 s2, s8  }
0x253: {  	[tilespmem:s26], [sflag:$0x1] =	stream.linear.gather [hbm4b:s8+s3], $0x80, $0x38;
	[tilespmem:$0x2080] =	vst v63  }
0x254: {  	v52 =	vld [tilespmem:$0x30];
	_ =	sdelay $0x4  }
0x255: {  	v0 =	vsel vm4, $0x0, v52  }
0x256: {  	(xrf0) =	vadd.scan.msk.s32 $0xffff, v0;
	_ =	sdelay $0x5  }
0x257: {  	v0, _, _ =	vpop (xrf0)  }
0x258: {  	(v2sf) =	vpush v0, $0xF;
	_ =	sdelay $0xe  }
0x259: {  	s28 =	spop (v2sf)  }
0x25a: {  	s29 =	sld [smem:$0x7F2];
	s8 =	sshll.u32 s28, $0x4  }
0x25b: {  	s8 =	sand.u32 $0x1FFFFFF0, s8  }
0x25c: {  	s8 =	sadd.s32 s2, s8  }
0x25d: {  	[tilespmem:s29], [sflag:$0x1] =	stream.linear.gather [hbm4b:s8+s3], $0x80, $0x38;
	[tilespmem:$0x2080] =	vst v63  }
0x25e: {  	v53 =	vld [tilespmem:$0x30];
	_ =	sdelay $0x4  }
0x25f: {  	v0 =	vsel vm5, $0x0, v53  }
0x260: {  	(xrf0) =	vadd.scan.msk.s32 $0xffff, v0;
	_ =	sdelay $0x5  }
0x261: {  	v0, _, _ =	vpop (xrf0)  }
0x262: {  	(v2sf) =	vpush v0, $0xF;
	_ =	sdelay $0xe  }
0x263: {  	s30 =	spop (v2sf)  }
0x264: {  	s31 =	sld [smem:$0x7F3];
	s8 =	sshll.u32 s30, $0x4  }
0x265: {  	s8 =	sand.u32 $0x1FFFFFF0, s8  }
0x266: {  	s8 =	sadd.s32 s2, s8  }
0x267: {  	[tilespmem:s31], [sflag:$0x1] =	stream.linear.gather [hbm4b:s8+s3], $0x80, $0x38;
	[tilespmem:$0x2080] =	vst v63  }
0x268: {  	v54 =	vld [tilespmem:$0x30];
	_ =	sdelay $0x4  }
0x269: {  	v0 =	vsel vm6, $0x0, v54  }
0x26a: {  	(xrf0) =	vadd.scan.msk.s32 $0xffff, v0;
	_ =	sdelay $0x5  }
0x26b: {  	v0, _, _ =	vpop (xrf0)  }
0x26c: {  	(v2sf) =	vpush v0, $0xF;
	_ =	sdelay $0xe  }
0x26d: {  	s10 =	spop (v2sf)  }
0x26e: {  	s11 =	sld [smem:$0x7F4];
	s8 =	sshll.u32 s10, $0x4  }
0x26f: {  	s8 =	sand.u32 $0x1FFFFFF0, s8  }
0x270: {  	s8 =	sadd.s32 s2, s8  }
0x271: {  	[tilespmem:s11], [sflag:$0x1] =	stream.linear.gather [hbm4b:s8+s3], $0x80, $0x38;
	[tilespmem:$0x2080] =	vst v63  }
0x272: {  	v55 =	vld [tilespmem:$0x30];
	_ =	sdelay $0x4  }
0x273: {  	v0 =	vsel vm7, $0x0, v55  }
0x274: {  	(xrf0) =	vadd.scan.msk.s32 $0xffff, v0;
	_ =	sdelay $0x5  }
0x275: {  	v0, _, _ =	vpop (xrf0)  }
0x276: {  	(v2sf) =	vpush v0, $0xF;
	_ =	sdelay $0xe  }
0x277: {  	s12 =	spop (v2sf)  }
0x278: {  	s13 =	sld [smem:$0x7F5];
	s8 =	sshll.u32 s12, $0x4  }
0x279: {  	s8 =	sand.u32 $0x1FFFFFF0, s8  }
0x27a: {  	s8 =	sadd.s32 s2, s8  }
0x27b: {  	[tilespmem:s13], [sflag:$0x1] =	stream.linear.gather [hbm4b:s8+s3], $0x80, $0x38;
	[tilespmem:$0x2080] =	vst v63  }
0x27c: {  	v56 =	vld [tilespmem:$0x30];
	_ =	sdelay $0x4  }
0x27d: {  	v0 =	vsel vm8, $0x0, v56  }
0x27e: {  	(xrf0) =	vadd.scan.msk.s32 $0xffff, v0;
	_ =	sdelay $0x5  }
0x27f: {  	v0, _, _ =	vpop (xrf0)  }
0x280: {  	(v2sf) =	vpush v0, $0xF;
	_ =	sdelay $0xe  }
0x281: {  	s14 =	spop (v2sf)  }
0x282: {  	s15 =	sld [smem:$0x7F6];
	s8 =	sshll.u32 s14, $0x4  }
0x283: {  	s8 =	sand.u32 $0x1FFFFFF0, s8  }
0x284: {  	s8 =	sadd.s32 s2, s8  }
0x285: {  	[tilespmem:s15], [sflag:$0x1] =	stream.linear.gather [hbm4b:s8+s3], $0x80, $0x38;
	[tilespmem:$0x2080] =	vst v63  }
0x286: {  	v57 =	vld [tilespmem:$0x30];
	_ =	sdelay $0x4  }
0x287: {  	v0 =	vsel vm9, $0x0, v57  }
0x288: {  	(xrf0) =	vadd.scan.msk.s32 $0xffff, v0;
	_ =	sdelay $0x5  }
0x289: {  	v0, _, _ =	vpop (xrf0)  }
0x28a: {  	(v2sf) =	vpush v0, $0xF;
	_ =	sdelay $0xe  }
0x28b: {  	s16 =	spop (v2sf)  }
0x28c: {  	s17 =	sld [smem:$0x7F7];
	s8 =	sshll.u32 s16, $0x4  }
0x28d: {  	s8 =	sand.u32 $0x1FFFFFF0, s8  }
0x28e: {  	s8 =	sadd.s32 s2, s8  }
0x28f: {  	[tilespmem:s17], [sflag:$0x1] =	stream.linear.gather [hbm4b:s8+s3], $0x80, $0x38;
	[tilespmem:$0x2080] =	vst v63  }
0x290: {  	v58 =	vld [tilespmem:$0x30];
	_ =	sdelay $0x4  }
0x291: {  	v0 =	vsel vm10, $0x0, v58  }
0x292: {  	(xrf0) =	vadd.scan.msk.s32 $0xffff, v0;
	_ =	sdelay $0x5  }
0x293: {  	v0, _, _ =	vpop (xrf0)  }
0x294: {  	(v2sf) =	vpush v0, $0xF;
	_ =	sdelay $0xe  }
0x295: {  	s18 =	spop (v2sf)  }
0x296: {  	s19 =	sld [smem:$0x7F8];
	s8 =	sshll.u32 s18, $0x4  }
0x297: {  	s8 =	sand.u32 $0x1FFFFFF0, s8  }
0x298: {  	s8 =	sadd.s32 s2, s8  }
0x299: {  	[tilespmem:s19], [sflag:$0x1] =	stream.linear.gather [hbm4b:s8+s3], $0x80, $0x38;
	[tilespmem:$0x2080] =	vst v63  }
0x29a: {  	v59 =	vld [tilespmem:$0x30];
	_ =	sdelay $0x4  }
0x29b: {  	v0 =	vsel vm11, $0x0, v59  }
0x29c: {  	(xrf0) =	vadd.scan.msk.s32 $0xffff, v0;
	_ =	sdelay $0x5  }
0x29d: {  	v0, _, _ =	vpop (xrf0)  }
0x29e: {  	(v2sf) =	vpush v0, $0xF;
	_ =	sdelay $0xe  }
0x29f: {  	s20 =	spop (v2sf)  }
0x2a0: {  	s21 =	sld [smem:$0x7F9];
	s8 =	sshll.u32 s20, $0x4  }
0x2a1: {  	s8 =	sand.u32 $0x1FFFFFF0, s8  }
0x2a2: {  	s8 =	sadd.s32 s2, s8  }
0x2a3: {  	[tilespmem:s21], [sflag:$0x1] =	stream.linear.gather [hbm4b:s8+s3], $0x80, $0x38;
	[tilespmem:$0x2080] =	vst v63  }
0x2a4: {  	v60 =	vld [tilespmem:$0x30];
	_ =	sdelay $0x4  }
0x2a5: {  	v0 =	vsel vm12, $0x0, v60  }
0x2a6: {  	(xrf0) =	vadd.scan.msk.s32 $0xffff, v0;
	_ =	sdelay $0x5  }
0x2a7: {  	v0, _, _ =	vpop (xrf0)  }
0x2a8: {  	(v2sf) =	vpush v0, $0xF;
	_ =	sdelay $0xe  }
0x2a9: {  	s22 =	spop (v2sf)  }
0x2aa: {  	s23 =	sld [smem:$0x7FA];
	s8 =	sshll.u32 s22, $0x4  }
0x2ab: {  	s8 =	sand.u32 $0x1FFFFFF0, s8  }
0x2ac: {  	s8 =	sadd.s32 s2, s8  }
0x2ad: {  	[tilespmem:s23], [sflag:$0x1] =	stream.linear.gather [hbm4b:s8+s3], $0x80, $0x38;
	[tilespmem:$0x2080] =	vst v63  }
0x2ae: {  	v61 =	vld [tilespmem:$0x30];
	_ =	sdelay $0x4  }
0x2af: {  	v0 =	vsel vm13, $0x0, v61  }
0x2b0: {  	(xrf0) =	vadd.scan.msk.s32 $0xffff, v0;
	_ =	sdelay $0x5  }
0x2b1: {  	v0, _, _ =	vpop (xrf0)  }
0x2b2: {  	(v2sf) =	vpush v0, $0xF;
	_ =	sdelay $0xe  }
0x2b3: {  	s24 =	spop (v2sf)  }
0x2b4: {  	s25 =	sld [smem:$0x7FB];
	s8 =	sshll.u32 s24, $0x4  }
0x2b5: {  	s8 =	sand.u32 $0x1FFFFFF0, s8  }
0x2b6: {  	s8 =	sadd.s32 s2, s8  }
0x2b7: {  	[tilespmem:s25], [sflag:$0x1] =	stream.linear.gather [hbm4b:s8+s3], $0x80, $0x38;
	[tilespmem:$0x2080] =	vst v63  }
0x2b8: {  	v62 =	vld [tilespmem:$0x30];
	_ =	sdelay $0x4  }
0x2b9: {  	v0 =	vsel vm14, $0x0, v62  }
0x2ba: {  	(xrf0) =	vadd.scan.msk.s32 $0xffff, v0;
	_ =	sdelay $0x5  }
0x2bb: {  	v0, _, _ =	vpop (xrf0)  }
0x2bc: {  	(v2sf) =	vpush v0, $0xF;
	_ =	sdelay $0xe  }
0x2bd: {  	s26 =	spop (v2sf)  }
0x2be: {  	s28 =	sld [smem:$0x7FC];
	s8 =	sshll.u32 s26, $0x4  }
0x2bf: {  	s8 =	sand.u32 $0x1FFFFFF0, s8  }
0x2c0: {  	s8 =	sadd.s32 s2, s8  }
0x2c1: {  	[tilespmem:s28], [sflag:$0x1] =	stream.linear.gather [hbm4b:s8+s3], $0x80, $0x38;
	[tilespmem:$0x2080] =	vst v63  }
0x2c2: {  	v63 =	vld [tilespmem:$0x30];
	_ =	sdelay $0x4  }
0x2c3: {  	v0 =	vsel vm15, $0x0, v63  }
0x2c4: {  	(xrf0) =	vadd.scan.msk.s32 $0xffff, v0;
	_ =	sdelay $0x5  }
0x2c5: {  	v0, _, _ =	vpop (xrf0)  }
0x2c6: {  	(v2sf) =	vpush v0, $0xF;
	_ =	sdelay $0xe  }
0x2c7: {  	s29 =	spop (v2sf)  }
0x2c8: {  	s30 =	sld [smem:$0x7FD];
	s8 =	sshll.u32 s29, $0x4  }
0x2c9: {  	s8 =	sand.u32 $0x1FFFFFF0, s8  }
0x2ca: {  	s8 =	sadd.s32 s2, s8  }
0x2cb: {  	[tilespmem:s30], [sflag:$0x1] =	stream.linear.gather [hbm4b:s8+s3], $0x80, $0x38;
	[tilespmem:$0x2080] =	vst v63  }
0x2cc: {  	_ =	swait.ge [sflag:s7], $0x80  }
0x2cd: {  	[sflag:s7] =	ssyncset.done $0x0  }
0x2ce: {  	[sflag:s7] =	ssyncadd.s32 $0xFFFFFF80  }
0x2cf: {  	_ =	swait.ge [sflag:s7], $0x80  }
0x2d0: {  	[sflag:s7] =	ssyncset.done $0x0  }
0x2d1: {  	[sflag:s7] =	ssyncadd.s32 $0xFFFFFF80  }
0x2d2: {  	_ =	swait.ge [sflag:s7], $0x80  }
0x2d3: {  	[sflag:s7] =	ssyncset.done $0x0  }
0x2d4: {  	[sflag:s7] =	ssyncadd.s32 $0xFFFFFF80  }
0x2d5: {  	_ =	swait.ge [sflag:s7], $0x80  }
0x2d6: {  	[sflag:s7] =	ssyncset.done $0x0  }
0x2d7: {  	[sflag:s7] =	ssyncadd.s32 $0xFFFFFF80  }
0x2d8: {  	_ =	swait.ge [sflag:s7], $0x80  }
0x2d9: {  	[sflag:s7] =	ssyncset.done $0x0  }
0x2da: {  	[sflag:s7] =	ssyncadd.s32 $0xFFFFFF80  }
0x2db: {  	_ =	swait.ge [sflag:s7], $0x80  }
0x2dc: {  	[sflag:s7] =	ssyncset.done $0x0  }
0x2dd: {  	[sflag:s7] =	ssyncadd.s32 $0xFFFFFF80  }
0x2de: {  	_ =	swait.ge [sflag:s7], $0x80  }
0x2df: {  	[sflag:s7] =	ssyncset.done $0x0  }
0x2e0: {  	[sflag:s7] =	ssyncadd.s32 $0xFFFFFF80  }
0x2e1: {  	_ =	swait.ge [sflag:s7], $0x80  }
0x2e2: {  	[sflag:s7] =	ssyncset.done $0x0  }
0x2e3: {  	[sflag:s7] =	ssyncadd.s32 $0xFFFFFF80  }
0x2e4: {  	_ =	swait.ge [sflag:s7], $0x80  }
0x2e5: {  	[sflag:s7] =	ssyncset.done $0x0  }
0x2e6: {  	[sflag:s7] =	ssyncadd.s32 $0xFFFFFF80  }
0x2e7: {  	_ =	swait.ge [sflag:s7], $0x80  }
0x2e8: {  	[sflag:s7] =	ssyncset.done $0x0  }
0x2e9: {  	[sflag:s7] =	ssyncadd.s32 $0xFFFFFF80  }
0x2ea: {  	_ =	swait.ge [sflag:s7], $0x80  }
0x2eb: {  	[sflag:s7] =	ssyncset.done $0x0  }
0x2ec: {  	[sflag:s7] =	ssyncadd.s32 $0xFFFFFF80  }
0x2ed: {  	_ =	swait.ge [sflag:s7], $0x80  }
0x2ee: {  	[sflag:s7] =	ssyncset.done $0x0  }
0x2ef: {  	[sflag:s7] =	ssyncadd.s32 $0xFFFFFF80  }
0x2f0: {  	_ =	swait.ge [sflag:s7], $0x80  }
0x2f1: {  	[sflag:s7] =	ssyncset.done $0x0  }
0x2f2: {  	[sflag:s7] =	ssyncadd.s32 $0xFFFFFF80  }
0x2f3: {  	_ =	swait.ge [sflag:s7], $0x80  }
0x2f4: {  	[sflag:s7] =	ssyncset.done $0x0  }
0x2f5: {  	[sflag:s7] =	ssyncadd.s32 $0xFFFFFF80  }
0x2f6: {  	_ =	swait.ge [sflag:s7], $0x80  }
0x2f7: {  	[sflag:s7] =	ssyncset.done $0x0  }
0x2f8: {  	[sflag:s7] =	ssyncadd.s32 $0xFFFFFF80  }
0x2f9: {  	_ =	swait.ge [sflag:s7], $0x80  }
0x2fa: {  	[sflag:s7] =	ssyncset.done $0x0  }
0x2fb: {  	[sflag:s7] =	ssyncadd.s32 $0xFFFFFF80  }
0x2fc: {  	_ =	swait.ge [sflag:s7], $0x80  }
0x2fd: {  	[sflag:s7] =	ssyncset.done $0x0  }
0x2fe: {  	[sflag:s7] =	ssyncadd.s32 $0xFFFFFF80  }
0x2ff: {  	_ =	swait.ge [sflag:s7], $0x80  }
0x300: {  	[sflag:s7] =	ssyncset.done $0x0  }
0x301: {  	[sflag:s7] =	ssyncadd.s32 $0xFFFFFF80  }
0x302: {  	_ =	swait.ge [sflag:s7], $0x80  }
0x303: {  	[sflag:s7] =	ssyncset.done $0x0  }
0x304: {  	[sflag:s7] =	ssyncadd.s32 $0xFFFFFF80  }
0x305: {  	_ =	swait.ge [sflag:s7], $0x80  }
0x306: {  	[sflag:s7] =	ssyncset.done $0x0  }
0x307: {  	[sflag:s7] =	ssyncadd.s32 $0xFFFFFF80  }
0x308: {  	_ =	swait.ge [sflag:s7], $0x80  }
0x309: {  	[sflag:s7] =	ssyncset.done $0x0  }
0x30a: {  	[sflag:s7] =	ssyncadd.s32 $0xFFFFFF80  }
0x30b: {  	_ =	swait.ge [sflag:s7], $0x80  }
0x30c: {  	[sflag:s7] =	ssyncset.done $0x0  }
0x30d: {  	[sflag:s7] =	ssyncadd.s32 $0xFFFFFF80  }
0x30e: {  	_ =	swait.ge [sflag:s7], $0x80  }
0x30f: {  	[sflag:s7] =	ssyncset.done $0x0  }
0x310: {  	[sflag:s7] =	ssyncadd.s32 $0xFFFFFF80  }
0x311: {  	_ =	swait.ge [sflag:s7], $0x80  }
0x312: {  	[sflag:s7] =	ssyncset.done $0x0  }
0x313: {  	[sflag:s7] =	ssyncadd.s32 $0xFFFFFF80  }
0x314: {  	_ =	swait.ge [sflag:s7], $0x80  }
0x315: {  	[sflag:s7] =	ssyncset.done $0x0  }
0x316: {  	[sflag:s7] =	ssyncadd.s32 $0xFFFFFF80  }
0x317: {  	_ =	swait.ge [sflag:s7], $0x80  }
0x318: {  	[sflag:s7] =	ssyncset.done $0x0  }
0x319: {  	[sflag:s7] =	ssyncadd.s32 $0xFFFFFF80  }
0x31a: {  	_ =	swait.ge [sflag:s7], $0x80  }
0x31b: {  	[sflag:s7] =	ssyncset.done $0x0  }
0x31c: {  	[sflag:s7] =	ssyncadd.s32 $0xFFFFFF80  }
0x31d: {  	_ =	swait.ge [sflag:s7], $0x80  }
0x31e: {  	[sflag:s7] =	ssyncset.done $0x0  }
0x31f: {  	[sflag:s7] =	ssyncadd.s32 $0xFFFFFF80  }
0x320: {  	_ =	swait.ge [sflag:s7], $0x80  }
0x321: {  	[sflag:s7] =	ssyncset.done $0x0  }
0x322: {  	[sflag:s7] =	ssyncadd.s32 $0xFFFFFF80  }
0x323: {  	_ =	swait.ge [sflag:s7], $0x80  }
0x324: {  	[sflag:s7] =	ssyncset.done $0x0  }
0x325: {  	[sflag:s7] =	ssyncadd.s32 $0xFFFFFF80  }
0x326: {  	_ =	swait.ge [sflag:s7], $0x80  }
0x327: {  	[sflag:s7] =	ssyncset.done $0x0  }
0x328: {  	[sflag:s7] =	ssyncadd.s32 $0xFFFFFF80  }
0x329: {  	_ =	swait.ge [sflag:s7], $0x80  }
0x32a: {  	[sflag:s7] =	ssyncset.done $0x0  }
0x32b: {  	[sflag:s7] =	ssyncadd.s32 $0xFFFFFF80  }
0x32c: {  	_ =	swait.ge [sflag:s7], $0x80  }
0x32d: {  	[sflag:s7] =	ssyncset.done $0x0  }
0x32e: {  	[sflag:s7] =	ssyncadd.s32 $0xFFFFFF80  }
0x32f: {  	_ =	swait.ge [sflag:s7], $0x80  }
0x330: {  	[sflag:s7] =	ssyncset.done $0x0  }
0x331: {  	[sflag:s7] =	ssyncadd.s32 $0xFFFFFF80  }
0x332: {  	_ =	swait.ge [sflag:s7], $0x80  }
0x333: {  	[sflag:s7] =	ssyncset.done $0x0  }
0x334: {  	[sflag:s7] =	ssyncadd.s32 $0xFFFFFF80  }
0x335: {  	_ =	swait.ge [sflag:s7], $0x80  }
0x336: {  	[sflag:s7] =	ssyncset.done $0x0  }
0x337: {  	[sflag:s7] =	ssyncadd.s32 $0xFFFFFF80  }
0x338: {  	_ =	swait.ge [sflag:s7], $0x80  }
0x339: {  	[sflag:s7] =	ssyncset.done $0x0  }
0x33a: {  	[sflag:s7] =	ssyncadd.s32 $0xFFFFFF80  }
0x33b: {  	_ =	swait.ge [sflag:s7], $0x80  }
0x33c: {  	[sflag:s7] =	ssyncset.done $0x0  }
0x33d: {  	[sflag:s7] =	ssyncadd.s32 $0xFFFFFF80  }
0x33e: {  	_ =	swait.ge [sflag:s7], $0x80  }
0x33f: {  	[sflag:s7] =	ssyncset.done $0x0  }
0x340: {  	[sflag:s7] =	ssyncadd.s32 $0xFFFFFF80  }
0x341: {  	_ =	swait.ge [sflag:s7], $0x80  }
0x342: {  	[sflag:s7] =	ssyncset.done $0x0  }
0x343: {  	[sflag:s7] =	ssyncadd.s32 $0xFFFFFF80  }
0x344: {  	_ =	swait.ge [sflag:s7], $0x80  }
0x345: {  	[sflag:s7] =	ssyncset.done $0x0  }
0x346: {  	[sflag:s7] =	ssyncadd.s32 $0xFFFFFF80  }
0x347: {  	_ =	swait.ge [sflag:s7], $0x80  }
0x348: {  	[sflag:s7] =	ssyncset.done $0x0  }
0x349: {  	[sflag:s7] =	ssyncadd.s32 $0xFFFFFF80  }
0x34a: {  	_ =	swait.ge [sflag:s7], $0x80  }
0x34b: {  	[sflag:s7] =	ssyncset.done $0x0  }
0x34c: {  	[sflag:s7] =	ssyncadd.s32 $0xFFFFFF80  }
0x34d: {  	_ =	swait.ge [sflag:s7], $0x80  }
0x34e: {  	[sflag:s7] =	ssyncset.done $0x0  }
0x34f: {  	[sflag:s7] =	ssyncadd.s32 $0xFFFFFF80  }
0x350: {  	_ =	swait.ge [sflag:s7], $0x80  }
0x351: {  	[sflag:s7] =	ssyncset.done $0x0  }
0x352: {  	[sflag:s7] =	ssyncadd.s32 $0xFFFFFF80  }
0x353: {  	_ =	swait.ge [sflag:s7], $0x80  }
0x354: {  	[sflag:s7] =	ssyncset.done $0x0  }
0x355: {  	[sflag:s7] =	ssyncadd.s32 $0xFFFFFF80  }
0x356: {  	_ =	swait.ge [sflag:s7], $0x80  }
0x357: {  	[sflag:s7] =	ssyncset.done $0x0  }
0x358: {  	[sflag:s7] =	ssyncadd.s32 $0xFFFFFF80  }
0x359: {  	_ =	swait.ge [sflag:s7], $0x80  }
0x35a: {  	[sflag:s7] =	ssyncset.done $0x0  }
0x35b: {  	[sflag:s7] =	ssyncadd.s32 $0xFFFFFF80  }
0x35c: {  	_ =	swait.ge [sflag:s7], $0x80  }
0x35d: {  	[sflag:s7] =	ssyncset.done $0x0  }
0x35e: {  	[sflag:s7] =	ssyncadd.s32 $0xFFFFFF80  }
0x35f: {  	_ =	swait.ge [sflag:s7], $0x80  }
0x360: {  	[sflag:s7] =	ssyncset.done $0x0  }
0x361: {  	[sflag:s7] =	ssyncadd.s32 $0xFFFFFF80  }
0x362: {  	_ =	swait.ge [sflag:s7], $0x80  }
0x363: {  	[sflag:s7] =	ssyncset.done $0x0  }
0x364: {  	[sflag:s7] =	ssyncadd.s32 $0xFFFFFF80  }
0x365: {  	_ =	swait.ge [sflag:s7], $0x80  }
0x366: {  	[sflag:s7] =	ssyncset.done $0x0  }
0x367: {  	[sflag:s7] =	ssyncadd.s32 $0xFFFFFF80  }
0x368: {  	_ =	swait.ge [sflag:s7], $0x80  }
0x369: {  	[sflag:s7] =	ssyncset.done $0x0  }
0x36a: {  	[sflag:s7] =	ssyncadd.s32 $0xFFFFFF80  }
0x36b: {  	_ =	swait.ge [sflag:s7], $0x80  }
0x36c: {  	[sflag:s7] =	ssyncset.done $0x0  }
0x36d: {  	[sflag:s7] =	ssyncadd.s32 $0xFFFFFF80  }
0x36e: {  	_ =	swait.ge [sflag:s7], $0x80  }
0x36f: {  	[sflag:s7] =	ssyncset.done $0x0  }
0x370: {  	[sflag:s7] =	ssyncadd.s32 $0xFFFFFF80  }
0x371: {  	_ =	swait.ge [sflag:s7], $0x80  }
0x372: {  	[sflag:s7] =	ssyncset.done $0x0  }
0x373: {  	[sflag:s7] =	ssyncadd.s32 $0xFFFFFF80  }
0x374: {  	_ =	swait.ge [sflag:s7], $0x80  }
0x375: {  	[sflag:s7] =	ssyncset.done $0x0  }
0x376: {  	[sflag:s7] =	ssyncadd.s32 $0xFFFFFF80  }
0x377: {  	_ =	swait.ge [sflag:s7], $0x80  }
0x378: {  	[sflag:s7] =	ssyncset.done $0x0  }
0x379: {  	[sflag:s7] =	ssyncadd.s32 $0xFFFFFF80  }
0x37a: {  	_ =	swait.ge [sflag:s7], $0x80  }
0x37b: {  	[sflag:s7] =	ssyncset.done $0x0  }
0x37c: {  	[sflag:s7] =	ssyncadd.s32 $0xFFFFFF80  }
0x37d: {  	_ =	swait.ge [sflag:s7], $0x80  }
0x37e: {  	[sflag:s7] =	ssyncset.done $0x0  }
0x37f: {  	[sflag:s7] =	ssyncadd.s32 $0xFFFFFF80  }
0x380: {  	_ =	swait.ge [sflag:s7], $0x80  }
0x381: {  	[sflag:s7] =	ssyncset.done $0x0  }
0x382: {  	[sflag:s7] =	ssyncadd.s32 $0xFFFFFF80  }
0x383: {  	_ =	swait.ge [sflag:s7], $0x80  }
0x384: {  	[sflag:s7] =	ssyncset.done $0x0  }
0x385: {  	[sflag:s7] =	ssyncadd.s32 $0xFFFFFF80  }
0x386: {  	_ =	swait.ge [sflag:s7], $0x80  }
0x387: {  	[sflag:s7] =	ssyncset.done $0x0  }
0x388: {  	[sflag:s7] =	ssyncadd.s32 $0xFFFFFF80  }
0x389: {  	_ =	swait.ge [sflag:s7], $0x80  }
0x38a: {  	p0 =	sne.s32 s4, $0x1;
	[sflag:s7] =	ssyncset.done $0x0  }
.Ltmp0:
0x38b: {  	s31 =	rddreg [dreg:$0x4];
	[sflag:s7] =	ssyncadd.s32 $0xFFFFFF80;
	(pc) =	sbr.rel @p0 .LBB2_1-.Ltmp0, $4  }
0x38c: {  	[hbm4b:s31+s3] =	stream.linear.scatter [tilespmem:s6], [sflag:$0x2], $0x2000, $0x38;
	[tilespmem:$0x2080] =	vst v63  }
0x38d: {  	_ =	swait.ge [sflag:s5], $0x2000  }
0x38e: {  	[sflag:s5] =	ssyncset.done $0x0  }
0x38f: {  	s4 =	sadd.s32 $0xFFFFFFFF, s4;
	[sflag:s5] =	ssyncadd.s32 $0xFFFFE000  }
0x390: {  	_ =	sfence.sel $0x180000  }
0x391: {  	[bflag:$0x0] =	sbarrier.arrive $0xFFFF  }
0x392: {  	p0 =	sne.s32 s0, $0x0;
	_ =	strace $0x90000047  }
0x393: {  	s0 =	sadd.s32 @!p0 $0x100000, s1;
	[bflag:$0x2] =	sbarrier.arrive $0xFFFF  }
0x394: {  	[sflag:s0] =	ssyncadd.tile.s32 @!p0 $0x1;
	_ =	shalt  }
.Lfunc_end2:
_tile_overlayer_lowered:
.L_overlay_start_2:
0x395: {  	(tag) =	ssettag $0x2  }
0x396: {  	s0 =	rddreg [dreg:$0x0];
	s2 =	stileid.u32  }
0x397: {  	s1 =	rddreg [dreg:$0x1];
	p0 =	sne.s32 s2, $0x0  }
0x398: {  	s3 =	rddreg [dreg:$0x2];
	[bflag:$0x3] =	sbarrier.arrive $0xFFFF;
	s2 =	simm.s32 @!p0 $0x1C02  }
0x399: {  	[timem:s3], [sflag:s2] =	dma.local @!p0 [hbm:s0], s1  }
0x39a: {  	s0 =	simm.s32 @!p0 $0x2  }
0x39b: {  	_ =	swait.ge @!p0 [sflag:s0], s1  }
0x39c: {  	s1 =	ssub.s32 @!p0 $0x0, s1;
	[sflag:s0] =	ssyncset.done @!p0 $0x0  }
0x39d: {  	[sflag:s0] =	ssyncadd.s32 @!p0 s1  }
0x39e: {  	[bflag:$0x3] =	sbarrier.arrive $0xFFFF  }
0x39f: {  	_ =	shalt  }

</sc_bundles>
